<compile_context>
chip_gen: v7x
topology: tpu7x:2x2x1
jax: 0.10.2.dev20260603
libtpu: 0.0.44.dev20260713+nightly
codegen_flags: <defaults>
</compile_context>

<pallas_src>
import functools

import jax
import jax.numpy as jnp
from jax import lax
from jax.experimental import pallas as pl
from jax.experimental.pallas import tpu as pltpu
from jax.experimental.pallas import tpu_sc as plsc

B, L, V, D, P, NB = 1024, 50, 100000, 512, 32, 51
N = B * L
NBP = 64

K = 5
LCH = L // K
NTOK = N // K

NC, NS = 2, 16
NW = NC * NS
ROWS_PER_W = NTOK // NW
CHUNK = 80
NCHUNK = ROWS_PER_W // CHUNK


def _sc_gather(table, ids):
  mesh = plsc.VectorSubcoreMesh(core_axis_name="c", subcore_axis_name="s")

  @functools.partial(
      pl.kernel,
      mesh=mesh,
      out_type=jax.ShapeDtypeStruct((NTOK, D), jnp.float32),
      scratch_types=[
          pltpu.VMEM((ROWS_PER_W,), jnp.int32),
          pltpu.VMEM((CHUNK, D), jnp.float32),
          pltpu.VMEM((CHUNK, D), jnp.float32),
          pltpu.SemaphoreType.DMA,
          pltpu.SemaphoreType.DMA,
          pltpu.SemaphoreType.DMA,
      ],
  )
  def k(table_hbm, idx_hbm, out_hbm, idx_v, buf0, buf1, gsem, osem0, osem1):
    wid = lax.axis_index("s") * NC + lax.axis_index("c")
    base = wid * ROWS_PER_W
    pltpu.sync_copy(idx_hbm.at[pl.ds(base, ROWS_PER_W)], idx_v)

    bufs = (buf0, buf1)
    osems = (osem0, osem1)

    @pl.loop(0, NCHUNK, step=2)
    def _(c):
      for b in range(2):
        i = c + b
        buf, osem = bufs[b], osems[b]

        @pl.when(i >= 2)
        def _():
          pltpu.make_async_copy(
              buf, out_hbm.at[pl.ds(base + (i - 2) * CHUNK, CHUNK)], osem
          ).wait()

        idx_slice = idx_v.at[pl.ds(i * CHUNK, CHUNK)]
        pltpu.async_copy(table_hbm.at[idx_slice], buf, gsem).wait()
        pltpu.async_copy(buf, out_hbm.at[pl.ds(base + i * CHUNK, CHUNK)], osem)

    for b in range(2):
      i = NCHUNK - 2 + b
      pltpu.make_async_copy(
          bufs[b], out_hbm.at[pl.ds(base + i * CHUNK, CHUNK)], osems[b]
      ).wait()

  return k(table, ids)


def _tc_body(g_ref, vid_ref, pos_ref, bin_ref, wpos_ref, gam_ref, bet_ref,
             o_ref):
  x = g_ref[...]
  vid = vid_ref[0]
  onehot_t = (vid == lax.broadcasted_iota(jnp.int32, (NBP, B), 0)
              ).astype(jnp.float32)
  cdims = (((0,), (0,)), ((), ()))
  x = x + lax.dot_general(onehot_t, bin_ref[...], cdims,
                          preferred_element_type=jnp.float32)
  x = x + lax.dot_general(pos_ref[0], wpos_ref[...], cdims,
                          preferred_element_type=jnp.float32)
  mu = jnp.mean(x, axis=1, keepdims=True)
  xc = x - mu
  var = jnp.mean(xc * xc, axis=1, keepdims=True)
  inv = lax.rsqrt(var + 1e-5)
  o_ref[0] = xc * inv * gam_ref[...] + bet_ref[...]


def _tc_body_carry(carry_ref, *refs):
  del carry_ref
  _tc_body(*refs)


def _tc_compose(c, carry, gathered, vids, post, bin_pad, w_pos, gamma2,
                beta2):
  specs = [
      pl.BlockSpec((B, D), lambda i: (i, 0)),
      pl.BlockSpec((1, 1, B), lambda i, c=c: (c * LCH + i, 0, 0)),
      pl.BlockSpec((1, P, B), lambda i, c=c: (c * LCH + i, 0, 0)),
      pl.BlockSpec((NBP, D), lambda i: (0, 0)),
      pl.BlockSpec((P, D), lambda i: (0, 0)),
      pl.BlockSpec((1, D), lambda i: (0, 0)),
      pl.BlockSpec((1, D), lambda i: (0, 0)),
  ]
  out_spec = pl.BlockSpec((1, B, D), lambda i, c=c: (c * LCH + i, 0, 0))
  out_shape = jax.ShapeDtypeStruct((L, B, D), jnp.float32)
  args = (gathered, vids, post, bin_pad, w_pos, gamma2, beta2)
  if carry is None:
    return pl.pallas_call(
        _tc_body, grid=(LCH,), in_specs=specs, out_specs=out_spec,
        out_shape=out_shape,
    )(*args)
  return pl.pallas_call(
      _tc_body_carry, grid=(LCH,),
      in_specs=[pl.BlockSpec(memory_space=pl.ANY)] + specs,
      out_specs=out_spec, out_shape=out_shape,
      input_output_aliases={0: 0},
  )(carry, *args)


@jax.jit
def kernel(gene_ids, pos_emb, value_ids, gene_table, bin_table, W_pos, gamma,
           beta):
  ids = gene_ids.T.reshape(-1).astype(jnp.int32)
  vids = value_ids.T.reshape(L, 1, B).astype(jnp.int32)
  post = pos_emb.transpose(1, 2, 0)
  bin_pad = jnp.pad(bin_table, ((0, NBP - NB), (0, 0)))
  gamma2 = gamma.reshape(1, D)
  beta2 = beta.reshape(1, D)

  gathered = [_sc_gather(gene_table, ids[c * NTOK:(c + 1) * NTOK])
              for c in range(K)]
  out3 = None
  for c in range(K):
    out3 = _tc_compose(c, out3, gathered[c], vids, post, bin_pad, W_pos,
                       gamma2, beta2)
  return out3.transpose(1, 0, 2)

# --- scband reference (transcript-rebuilt; emitter-appended) ---
"""Pipeline reference for scband-input-composer-67456756351507 (READ-ONLY COPY).

The authoritative reference and input builder live on the scoring server;
editing this copy changes nothing except your own understanding.
"""

import jax, jax.numpy as jnp
import numpy as np

B, L, V, D, P, NB = 1024, 50, 100000, 512, 32, 51


def setup_inputs(seed: int = 0) -> dict:
    key = jax.random.key(seed)
    ks = jax.random.split(key, 8)
    gene_ids = jax.random.randint(ks[0], (B, L), 0, V)
    value_ids = jax.random.randint(ks[1], (B, L), 0, NB)
    pos_emb = jax.random.normal(ks[2], (B, L, P), dtype=jnp.float32)
    gene_table = 0.02 * jax.random.normal(ks[3], (V, D), dtype=jnp.float32)
    gene_table = gene_table.at[0].set(0.0)  # padding_idx=0 row zeroed
    bin_table = 0.02 * jax.random.normal(ks[4], (NB, D), dtype=jnp.float32)
    W_pos = jax.random.normal(ks[5], (P, D), dtype=jnp.float32) / np.sqrt(P)
    gamma = jnp.ones((D,), dtype=jnp.float32)
    beta = jnp.zeros((D,), dtype=jnp.float32)
    return {
        'gene_ids': gene_ids,
        'pos_emb': pos_emb,
        'value_ids': value_ids,
        'gene_table': gene_table,
        'bin_table': bin_table,
        'W_pos': W_pos,
        'gamma': gamma,
        'beta': beta,
    }


def reference(gene_ids, pos_emb, value_ids, gene_table, bin_table, W_pos, gamma, beta):
    # GeneEmbedding: table gather
    x = jnp.take(gene_table, gene_ids, axis=0)
    # ValueEmbedding (bin mode): table gather
    x = x + jnp.take(bin_table, value_ids, axis=0)
    # pos_proj: Linear(d_pos -> d_model, bias=False)
    x = x + jnp.einsum('blp,pd->bld', pos_emb, W_pos)
    # LayerNorm(d_model), eps=1e-5
    mu = jnp.mean(x, axis=-1, keepdims=True)
    var = jnp.var(x, axis=-1, keepdims=True)
    x = (x - mu) / jnp.sqrt(var + 1e-5)
    x = x * gamma + beta
    # Dropout is identity in eval mode
    return x

if __name__ == "__main__":
    import jax
    _d = setup_inputs()
    print(jax.jit(kernel)(*tuple(_d.values())))

</pallas_src>

<mosaic_0001>
#map = affine_map<(d0, d1) -> (0, 0)>
#map1 = affine_map<(d0, d1) -> (0)>
module attributes {stable_mosaic.version = 14 : i64} {
  func.func @k(%arg0: i32, %arg1: i32, %arg2: memref<100000x512xf32, #tpu.memory_space<hbm>>, %arg3: memref<10240xi32, #tpu.memory_space<hbm>>, %arg4: memref<10240x512xf32, #tpu.memory_space<hbm>>, %arg5: memref<320xi32, #tpu.memory_space<vmem>>, %arg6: memref<80x512xf32, #tpu.memory_space<vmem>>, %arg7: memref<80x512xf32, #tpu.memory_space<vmem>>, %arg8: memref<!tpu.dma_semaphore, #tpu.memory_space<semaphore_mem>>, %arg9: memref<!tpu.dma_semaphore, #tpu.memory_space<semaphore_mem>>, %arg10: memref<!tpu.dma_semaphore, #tpu.memory_space<semaphore_mem>>) attributes {dimension_semantics = [#tpu.dimension_semantics<core_parallel>, #tpu.dimension_semantics<subcore_parallel>], iteration_bounds = array<i64: 2, 16>, scalar_prefetch = 0 : i64, scratch_operands = 6 : i64, tpu.core_type = #tpu.core_type<sc_vector_subcore>, window_params = [{transform_indices = #map}, {transform_indices = #map1}, {transform_indices = #map}]} {
    %mul3A = arith.constant 2 : i32
    %mul3A_0 = arith.muli %arg1, %mul3A : i32
    %add3A = arith.addi %mul3A_0, %arg0 : i32
    %mul3A_1 = arith.constant 320 : i32
    %mul3A_2 = arith.muli %add3A, %mul3A_1 : i32
    "tpu.region"() ({
      %run_scoped3A = tpu.sem_alloc : memref<!tpu.dma_semaphore, #tpu.memory_space<semaphore_mem>>
      %dma_start3A = tpu.memref_slice %arg3[%mul3A_2] : memref<10240xi32, #tpu.memory_space<hbm>> -> memref<320xi32, #tpu.memory_space<hbm>>
      %dma_start3A_18 = tpu.memref_slice %arg3[%mul3A_2] : memref<10240xi32, #tpu.memory_space<hbm>> -> memref<320xi32, #tpu.memory_space<hbm>>
      tpu.enqueue_dma source(%dma_start3A_18 : memref<320xi32, #tpu.memory_space<hbm>>) target(%arg5 : memref<320xi32, #tpu.memory_space<vmem>>) target_semaphore(%run_scoped3A : memref<!tpu.dma_semaphore, #tpu.memory_space<semaphore_mem>>)
      %dma_wait3A_19 = tpu.memref_slice %arg3[%mul3A_2] : memref<10240xi32, #tpu.memory_space<hbm>> -> memref<320xi32, #tpu.memory_space<hbm>>
      %dma_wait3A_20 = tpu.memref_slice %arg3[%mul3A_2] : memref<10240xi32, #tpu.memory_space<hbm>> -> memref<320xi32, #tpu.memory_space<hbm>>
      tpu.wait_dma2 semaphore(%run_scoped3A : memref<!tpu.dma_semaphore, #tpu.memory_space<semaphore_mem>>) src(%dma_wait3A_20 : memref<320xi32, #tpu.memory_space<hbm>>) dst(%arg5 : memref<320xi32, #tpu.memory_space<vmem>>)
      tpu.yield
    }) : () -> ()
    %scan3A = arith.constant 0 : i32
    %scan3A_3 = arith.constant 2 : i32
    %scan3A_4 = arith.addi %scan3A, %scan3A_3 : i32
    %scan3A_5 = arith.constant 1 : i32
    scf.for %scan3A_18 = %scan3A to %scan3A_4 step %scan3A_5  : i32 {
      %mul3A_19 = arith.constant 2 : i32
      %mul3A_20 = arith.muli %scan3A_18, %mul3A_19 : i32
      %add3A_21 = arith.constant 0 : i32
      %add3A_22 = arith.addi %add3A_21, %mul3A_20 : i32
      %add3A_23 = arith.constant 0 : i32
      %add3A_24 = arith.addi %add3A_22, %add3A_23 : i32
      %ge3A = arith.constant 2 : i32
      %ge3A_25 = arith.cmpi sge, %add3A_24, %ge3A : i32
      %convert_element_type3A = arith.extui %ge3A_25 : i1 to i32
      %cond3A = arith.constant 0 : i32
      %cond3A_26 = arith.cmpi ne, %convert_element_type3A, %cond3A : i32
      scf.if %cond3A_26 {
        %sub3A = arith.constant 2 : i32
        %sub3A_67 = arith.subi %add3A_24, %sub3A : i32
        %mul3A_68 = arith.constant 80 : i32
        %mul3A_69 = arith.muli %sub3A_67, %mul3A_68 : i32
        %add3A_70 = arith.addi %mul3A_2, %mul3A_69 : i32
        %dma_wait3A_71 = arith.constant 0 : i32
        %dma_wait3A_72 = tpu.memref_slice %arg4[%add3A_70, %dma_wait3A_71] : memref<10240x512xf32, #tpu.memory_space<hbm>> -> memref<80x512xf32, #tpu.memory_space<hbm>>
        %dma_wait3A_73 = arith.constant 0 : i32
        %dma_wait3A_74 = tpu.memref_slice %arg4[%add3A_70, %dma_wait3A_73] : memref<10240x512xf32, #tpu.memory_space<hbm>> -> memref<80x512xf32, #tpu.memory_space<hbm>>
        tpu.wait_dma2 semaphore(%arg9 : memref<!tpu.dma_semaphore, #tpu.memory_space<semaphore_mem>>) src(%arg6 : memref<80x512xf32, #tpu.memory_space<vmem>>) dst(%dma_wait3A_74 : memref<80x512xf32, #tpu.memory_space<hbm>>)
      } else {
      }
      %mul3A_27 = arith.constant 80 : i32
      %mul3A_28 = arith.muli %add3A_24, %mul3A_27 : i32
      %dma_start3A = tpu.memref_slice %arg5[%mul3A_28] : memref<320xi32, #tpu.memory_space<vmem>> -> memref<80xi32, #tpu.memory_space<vmem>>
      %dma_start3A_29 = arith.constant 0 : i32
      %dma_start3A_30 = arith.constant 0 : i32
      %dma_start3A_31 = tpu.memref_slice %arg2[%dma_start3A_29, %dma_start3A_30] : memref<100000x512xf32, #tpu.memory_space<hbm>> -> memref<100000x512xf32, #tpu.memory_space<hbm>>
      tpu.enqueue_indirect_dma source(%dma_start3A_31 : memref<100000x512xf32, #tpu.memory_space<hbm>>) target(%arg6 : memref<80x512xf32, #tpu.memory_space<vmem>>) offsets(%dma_start3A : memref<80xi32, #tpu.memory_space<vmem>>) semaphore(%arg8 : memref<!tpu.dma_semaphore, #tpu.memory_space<semaphore_mem>>)
      %dma_wait3A_32 = tpu.memref_slice %arg5[%mul3A_28] : memref<320xi32, #tpu.memory_space<vmem>> -> memref<80xi32, #tpu.memory_space<vmem>>
      %dma_wait3A_33 = arith.constant 0 : i32
      %dma_wait3A_34 = arith.constant 0 : i32
      %dma_wait3A_35 = tpu.memref_slice %arg2[%dma_wait3A_33, %dma_wait3A_34] : memref<100000x512xf32, #tpu.memory_space<hbm>> -> memref<100000x512xf32, #tpu.memory_space<hbm>>
      tpu.wait_indirect_dma semaphore(%arg8 : memref<!tpu.dma_semaphore, #tpu.memory_space<semaphore_mem>>) src(%dma_wait3A_35 : memref<100000x512xf32, #tpu.memory_space<hbm>>) dst(%arg6 : memref<80x512xf32, #tpu.memory_space<vmem>>)
      %mul3A_36 = arith.constant 80 : i32
      %mul3A_37 = arith.muli %add3A_24, %mul3A_36 : i32
      %add3A_38 = arith.addi %mul3A_2, %mul3A_37 : i32
      %dma_start3A_39 = arith.constant 0 : i32
      %dma_start3A_40 = tpu.memref_slice %arg4[%add3A_38, %dma_start3A_39] : memref<10240x512xf32, #tpu.memory_space<hbm>> -> memref<80x512xf32, #tpu.memory_space<hbm>>
      %dma_start3A_41 = arith.constant 0 : i32
      %dma_start3A_42 = tpu.memref_slice %arg4[%add3A_38, %dma_start3A_41] : memref<10240x512xf32, #tpu.memory_space<hbm>> -> memref<80x512xf32, #tpu.memory_space<hbm>>
      tpu.enqueue_dma source(%arg6 : memref<80x512xf32, #tpu.memory_space<vmem>>) target(%dma_start3A_42 : memref<80x512xf32, #tpu.memory_space<hbm>>) target_semaphore(%arg9 : memref<!tpu.dma_semaphore, #tpu.memory_space<semaphore_mem>>)
      %add3A_43 = arith.constant 1 : i32
      %add3A_44 = arith.addi %add3A_22, %add3A_43 : i32
      %ge3A_45 = arith.constant 2 : i32
      %ge3A_46 = arith.cmpi sge, %add3A_44, %ge3A_45 : i32
      %convert_element_type3A_47 = arith.extui %ge3A_46 : i1 to i32
      %cond3A_48 = arith.constant 0 : i32
      %cond3A_49 = arith.cmpi ne, %convert_element_type3A_47, %cond3A_48 : i32
      scf.if %cond3A_49 {
        %sub3A = arith.constant 2 : i32
        %sub3A_67 = arith.subi %add3A_44, %sub3A : i32
        %mul3A_68 = arith.constant 80 : i32
        %mul3A_69 = arith.muli %sub3A_67, %mul3A_68 : i32
        %add3A_70 = arith.addi %mul3A_2, %mul3A_69 : i32
        %dma_wait3A_71 = arith.constant 0 : i32
        %dma_wait3A_72 = tpu.memref_slice %arg4[%add3A_70, %dma_wait3A_71] : memref<10240x512xf32, #tpu.memory_space<hbm>> -> memref<80x512xf32, #tpu.memory_space<hbm>>
        %dma_wait3A_73 = arith.constant 0 : i32
        %dma_wait3A_74 = tpu.memref_slice %arg4[%add3A_70, %dma_wait3A_73] : memref<10240x512xf32, #tpu.memory_space<hbm>> -> memref<80x512xf32, #tpu.memory_space<hbm>>
        tpu.wait_dma2 semaphore(%arg10 : memref<!tpu.dma_semaphore, #tpu.memory_space<semaphore_mem>>) src(%arg7 : memref<80x512xf32, #tpu.memory_space<vmem>>) dst(%dma_wait3A_74 : memref<80x512xf32, #tpu.memory_space<hbm>>)
      } else {
      }
      %mul3A_50 = arith.constant 80 : i32
      %mul3A_51 = arith.muli %add3A_44, %mul3A_50 : i32
      %dma_start3A_52 = tpu.memref_slice %arg5[%mul3A_51] : memref<320xi32, #tpu.memory_space<vmem>> -> memref<80xi32, #tpu.memory_space<vmem>>
      %dma_start3A_53 = arith.constant 0 : i32
      %dma_start3A_54 = arith.constant 0 : i32
      %dma_start3A_55 = tpu.memref_slice %arg2[%dma_start3A_53, %dma_start3A_54] : memref<100000x512xf32, #tpu.memory_space<hbm>> -> memref<100000x512xf32, #tpu.memory_space<hbm>>
      tpu.enqueue_indirect_dma source(%dma_start3A_55 : memref<100000x512xf32, #tpu.memory_space<hbm>>) target(%arg7 : memref<80x512xf32, #tpu.memory_space<vmem>>) offsets(%dma_start3A_52 : memref<80xi32, #tpu.memory_space<vmem>>) semaphore(%arg8 : memref<!tpu.dma_semaphore, #tpu.memory_space<semaphore_mem>>)
      %dma_wait3A_56 = tpu.memref_slice %arg5[%mul3A_51] : memref<320xi32, #tpu.memory_space<vmem>> -> memref<80xi32, #tpu.memory_space<vmem>>
      %dma_wait3A_57 = arith.constant 0 : i32
      %dma_wait3A_58 = arith.constant 0 : i32
      %dma_wait3A_59 = tpu.memref_slice %arg2[%dma_wait3A_57, %dma_wait3A_58] : memref<100000x512xf32, #tpu.memory_space<hbm>> -> memref<100000x512xf32, #tpu.memory_space<hbm>>
      tpu.wait_indirect_dma semaphore(%arg8 : memref<!tpu.dma_semaphore, #tpu.memory_space<semaphore_mem>>) src(%dma_wait3A_59 : memref<100000x512xf32, #tpu.memory_space<hbm>>) dst(%arg7 : memref<80x512xf32, #tpu.memory_space<vmem>>)
      %mul3A_60 = arith.constant 80 : i32
      %mul3A_61 = arith.muli %add3A_44, %mul3A_60 : i32
      %add3A_62 = arith.addi %mul3A_2, %mul3A_61 : i32
      %dma_start3A_63 = arith.constant 0 : i32
      %dma_start3A_64 = tpu.memref_slice %arg4[%add3A_62, %dma_start3A_63] : memref<10240x512xf32, #tpu.memory_space<hbm>> -> memref<80x512xf32, #tpu.memory_space<hbm>>
      %dma_start3A_65 = arith.constant 0 : i32
      %dma_start3A_66 = tpu.memref_slice %arg4[%add3A_62, %dma_start3A_65] : memref<10240x512xf32, #tpu.memory_space<hbm>> -> memref<80x512xf32, #tpu.memory_space<hbm>>
      tpu.enqueue_dma source(%arg7 : memref<80x512xf32, #tpu.memory_space<vmem>>) target(%dma_start3A_66 : memref<80x512xf32, #tpu.memory_space<hbm>>) target_semaphore(%arg10 : memref<!tpu.dma_semaphore, #tpu.memory_space<semaphore_mem>>)
    }
    %scan3A_6 = arith.constant 2 : i32
    %add3A_7 = arith.constant 160 : i32
    %add3A_8 = arith.addi %mul3A_2, %add3A_7 : i32
    %dma_wait3A = arith.constant 0 : i32
    %dma_wait3A_9 = tpu.memref_slice %arg4[%add3A_8, %dma_wait3A] : memref<10240x512xf32, #tpu.memory_space<hbm>> -> memref<80x512xf32, #tpu.memory_space<hbm>>
    %dma_wait3A_10 = arith.constant 0 : i32
    %dma_wait3A_11 = tpu.memref_slice %arg4[%add3A_8, %dma_wait3A_10] : memref<10240x512xf32, #tpu.memory_space<hbm>> -> memref<80x512xf32, #tpu.memory_space<hbm>>
    tpu.wait_dma2 semaphore(%arg9 : memref<!tpu.dma_semaphore, #tpu.memory_space<semaphore_mem>>) src(%arg6 : memref<80x512xf32, #tpu.memory_space<vmem>>) dst(%dma_wait3A_11 : memref<80x512xf32, #tpu.memory_space<hbm>>)
    %add3A_12 = arith.constant 240 : i32
    %add3A_13 = arith.addi %mul3A_2, %add3A_12 : i32
    %dma_wait3A_14 = arith.constant 0 : i32
    %dma_wait3A_15 = tpu.memref_slice %arg4[%add3A_13, %dma_wait3A_14] : memref<10240x512xf32, #tpu.memory_space<hbm>> -> memref<80x512xf32, #tpu.memory_space<hbm>>
    %dma_wait3A_16 = arith.constant 0 : i32
    %dma_wait3A_17 = tpu.memref_slice %arg4[%add3A_13, %dma_wait3A_16] : memref<10240x512xf32, #tpu.memory_space<hbm>> -> memref<80x512xf32, #tpu.memory_space<hbm>>
    tpu.wait_dma2 semaphore(%arg10 : memref<!tpu.dma_semaphore, #tpu.memory_space<semaphore_mem>>) src(%arg7 : memref<80x512xf32, #tpu.memory_space<vmem>>) dst(%dma_wait3A_17 : memref<80x512xf32, #tpu.memory_space<hbm>>)
    return
  }
}

#map = affine_map<(d0, d1) -> (0, 0)>
#map1 = affine_map<(d0, d1) -> (0)>
module attributes {stable_mosaic.version = 14 : i64} {
  func.func @k(%arg0: i32, %arg1: i32, %arg2: memref<100000x512xf32, #tpu.memory_space<hbm>>, %arg3: memref<10240xi32, #tpu.memory_space<hbm>>, %arg4: memref<10240x512xf32, #tpu.memory_space<hbm>>, %arg5: memref<320xi32, #tpu.memory_space<vmem>>, %arg6: memref<80x512xf32, #tpu.memory_space<vmem>>, %arg7: memref<80x512xf32, #tpu.memory_space<vmem>>, %arg8: memref<!tpu.dma_semaphore, #tpu.memory_space<semaphore_mem>>, %arg9: memref<!tpu.dma_semaphore, #tpu.memory_space<semaphore_mem>>, %arg10: memref<!tpu.dma_semaphore, #tpu.memory_space<semaphore_mem>>) attributes {dimension_semantics = [#tpu.dimension_semantics<core_parallel>, #tpu.dimension_semantics<subcore_parallel>], iteration_bounds = array<i64: 2, 16>, scalar_prefetch = 0 : i64, scratch_operands = 6 : i64, tpu.core_type = #tpu.core_type<sc_vector_subcore>, window_params = [{transform_indices = #map}, {transform_indices = #map1}, {transform_indices = #map}]} {
    %mul3A = arith.constant 2 : i32
    %mul3A_0 = arith.muli %arg1, %mul3A : i32
    %add3A = arith.addi %mul3A_0, %arg0 : i32
    %mul3A_1 = arith.constant 320 : i32
    %mul3A_2 = arith.muli %add3A, %mul3A_1 : i32
    "tpu.region"() ({
      %run_scoped3A = tpu.sem_alloc : memref<!tpu.dma_semaphore, #tpu.memory_space<semaphore_mem>>
      %dma_start3A = tpu.memref_slice %arg3[%mul3A_2] : memref<10240xi32, #tpu.memory_space<hbm>> -> memref<320xi32, #tpu.memory_space<hbm>>
      %dma_start3A_18 = tpu.memref_slice %arg3[%mul3A_2] : memref<10240xi32, #tpu.memory_space<hbm>> -> memref<320xi32, #tpu.memory_space<hbm>>
      tpu.enqueue_dma source(%dma_start3A_18 : memref<320xi32, #tpu.memory_space<hbm>>) target(%arg5 : memref<320xi32, #tpu.memory_space<vmem>>) target_semaphore(%run_scoped3A : memref<!tpu.dma_semaphore, #tpu.memory_space<semaphore_mem>>)
      %dma_wait3A_19 = tpu.memref_slice %arg3[%mul3A_2] : memref<10240xi32, #tpu.memory_space<hbm>> -> memref<320xi32, #tpu.memory_space<hbm>>
      %dma_wait3A_20 = tpu.memref_slice %arg3[%mul3A_2] : memref<10240xi32, #tpu.memory_space<hbm>> -> memref<320xi32, #tpu.memory_space<hbm>>
      tpu.wait_dma2 semaphore(%run_scoped3A : memref<!tpu.dma_semaphore, #tpu.memory_space<semaphore_mem>>) src(%dma_wait3A_20 : memref<320xi32, #tpu.memory_space<hbm>>) dst(%arg5 : memref<320xi32, #tpu.memory_space<vmem>>)
      tpu.yield
    }) : () -> ()
    %scan3A = arith.constant 0 : i32
    %scan3A_3 = arith.constant 2 : i32
    %scan3A_4 = arith.addi %scan3A, %scan3A_3 : i32
    %scan3A_5 = arith.constant 1 : i32
    scf.for %scan3A_18 = %scan3A to %scan3A_4 step %scan3A_5  : i32 {
      %mul3A_19 = arith.constant 2 : i32
      %mul3A_20 = arith.muli %scan3A_18, %mul3A_19 : i32
      %add3A_21 = arith.constant 0 : i32
      %add3A_22 = arith.addi %add3A_21, %mul3A_20 : i32
      %add3A_23 = arith.constant 0 : i32
      %add3A_24 = arith.addi %add3A_22, %add3A_23 : i32
      %ge3A = arith.constant 2 : i32
      %ge3A_25 = arith.cmpi sge, %add3A_24, %ge3A : i32
      %convert_element_type3A = arith.extui %ge3A_25 : i1 to i32
      %cond3A = arith.constant 0 : i32
      %cond3A_26 = arith.cmpi ne, %convert_element_type3A, %cond3A : i32
      scf.if %cond3A_26 {
        %sub3A = arith.constant 2 : i32
        %sub3A_67 = arith.subi %add3A_24, %sub3A : i32
        %mul3A_68 = arith.constant 80 : i32
        %mul3A_69 = arith.muli %sub3A_67, %mul3A_68 : i32
        %add3A_70 = arith.addi %mul3A_2, %mul3A_69 : i32
        %dma_wait3A_71 = arith.constant 0 : i32
        %dma_wait3A_72 = tpu.memref_slice %arg4[%add3A_70, %dma_wait3A_71] : memref<10240x512xf32, #tpu.memory_space<hbm>> -> memref<80x512xf32, #tpu.memory_space<hbm>>
        %dma_wait3A_73 = arith.constant 0 : i32
        %dma_wait3A_74 = tpu.memref_slice %arg4[%add3A_70, %dma_wait3A_73] : memref<10240x512xf32, #tpu.memory_space<hbm>> -> memref<80x512xf32, #tpu.memory_space<hbm>>
        tpu.wait_dma2 semaphore(%arg9 : memref<!tpu.dma_semaphore, #tpu.memory_space<semaphore_mem>>) src(%arg6 : memref<80x512xf32, #tpu.memory_space<vmem>>) dst(%dma_wait3A_74 : memref<80x512xf32, #tpu.memory_space<hbm>>)
      } else {
      }
      %mul3A_27 = arith.constant 80 : i32
      %mul3A_28 = arith.muli %add3A_24, %mul3A_27 : i32
      %dma_start3A = tpu.memref_slice %arg5[%mul3A_28] : memref<320xi32, #tpu.memory_space<vmem>> -> memref<80xi32, #tpu.memory_space<vmem>>
      %dma_start3A_29 = arith.constant 0 : i32
      %dma_start3A_30 = arith.constant 0 : i32
      %dma_start3A_31 = tpu.memref_slice %arg2[%dma_start3A_29, %dma_start3A_30] : memref<100000x512xf32, #tpu.memory_space<hbm>> -> memref<100000x512xf32, #tpu.memory_space<hbm>>
      tpu.enqueue_indirect_dma source(%dma_start3A_31 : memref<100000x512xf32, #tpu.memory_space<hbm>>) target(%arg6 : memref<80x512xf32, #tpu.memory_space<vmem>>) offsets(%dma_start3A : memref<80xi32, #tpu.memory_space<vmem>>) semaphore(%arg8 : memref<!tpu.dma_semaphore, #tpu.memory_space<semaphore_mem>>)
      %dma_wait3A_32 = tpu.memref_slice %arg5[%mul3A_28] : memref<320xi32, #tpu.memory_space<vmem>> -> memref<80xi32, #tpu.memory_space<vmem>>
      %dma_wait3A_33 = arith.constant 0 : i32
      %dma_wait3A_34 = arith.constant 0 : i32
      %dma_wait3A_35 = tpu.memref_slice %arg2[%dma_wait3A_33, %dma_wait3A_34] : memref<100000x512xf32, #tpu.memory_space<hbm>> -> memref<100000x512xf32, #tpu.memory_space<hbm>>
      tpu.wait_indirect_dma semaphore(%arg8 : memref<!tpu.dma_semaphore, #tpu.memory_space<semaphore_mem>>) src(%dma_wait3A_35 : memref<100000x512xf32, #tpu.memory_space<hbm>>) dst(%arg6 : memref<80x512xf32, #tpu.memory_space<vmem>>)
      %mul3A_36 = arith.constant 80 : i32
      %mul3A_37 = arith.muli %add3A_24, %mul3A_36 : i32
      %add3A_38 = arith.addi %mul3A_2, %mul3A_37 : i32
      %dma_start3A_39 = arith.constant 0 : i32
      %dma_start3A_40 = tpu.memref_slice %arg4[%add3A_38, %dma_start3A_39] : memref<10240x512xf32, #tpu.memory_space<hbm>> -> memref<80x512xf32, #tpu.memory_space<hbm>>
      %dma_start3A_41 = arith.constant 0 : i32
      %dma_start3A_42 = tpu.memref_slice %arg4[%add3A_38, %dma_start3A_41] : memref<10240x512xf32, #tpu.memory_space<hbm>> -> memref<80x512xf32, #tpu.memory_space<hbm>>
      tpu.enqueue_dma source(%arg6 : memref<80x512xf32, #tpu.memory_space<vmem>>) target(%dma_start3A_42 : memref<80x512xf32, #tpu.memory_space<hbm>>) target_semaphore(%arg9 : memref<!tpu.dma_semaphore, #tpu.memory_space<semaphore_mem>>)
      %add3A_43 = arith.constant 1 : i32
      %add3A_44 = arith.addi %add3A_22, %add3A_43 : i32
      %ge3A_45 = arith.constant 2 : i32
      %ge3A_46 = arith.cmpi sge, %add3A_44, %ge3A_45 : i32
      %convert_element_type3A_47 = arith.extui %ge3A_46 : i1 to i32
      %cond3A_48 = arith.constant 0 : i32
      %cond3A_49 = arith.cmpi ne, %convert_element_type3A_47, %cond3A_48 : i32
      scf.if %cond3A_49 {
        %sub3A = arith.constant 2 : i32
        %sub3A_67 = arith.subi %add3A_44, %sub3A : i32
        %mul3A_68 = arith.constant 80 : i32
        %mul3A_69 = arith.muli %sub3A_67, %mul3A_68 : i32
        %add3A_70 = arith.addi %mul3A_2, %mul3A_69 : i32
        %dma_wait3A_71 = arith.constant 0 : i32
        %dma_wait3A_72 = tpu.memref_slice %arg4[%add3A_70, %dma_wait3A_71] : memref<10240x512xf32, #tpu.memory_space<hbm>> -> memref<80x512xf32, #tpu.memory_space<hbm>>
        %dma_wait3A_73 = arith.constant 0 : i32
        %dma_wait3A_74 = tpu.memref_slice %arg4[%add3A_70, %dma_wait3A_73] : memref<10240x512xf32, #tpu.memory_space<hbm>> -> memref<80x512xf32, #tpu.memory_space<hbm>>
        tpu.wait_dma2 semaphore(%arg10 : memref<!tpu.dma_semaphore, #tpu.memory_space<semaphore_mem>>) src(%arg7 : memref<80x512xf32, #tpu.memory_space<vmem>>) dst(%dma_wait3A_74 : memref<80x512xf32, #tpu.memory_space<hbm>>)
      } else {
      }
      %mul3A_50 = arith.constant 80 : i32
      %mul3A_51 = arith.muli %add3A_44, %mul3A_50 : i32
      %dma_start3A_52 = tpu.memref_slice %arg5[%mul3A_51] : memref<320xi32, #tpu.memory_space<vmem>> -> memref<80xi32, #tpu.memory_space<vmem>>
      %dma_start3A_53 = arith.constant 0 : i32
      %dma_start3A_54 = arith.constant 0 : i32
      %dma_start3A_55 = tpu.memref_slice %arg2[%dma_start3A_53, %dma_start3A_54] : memref<100000x512xf32, #tpu.memory_space<hbm>> -> memref<100000x512xf32, #tpu.memory_space<hbm>>
      tpu.enqueue_indirect_dma source(%dma_start3A_55 : memref<100000x512xf32, #tpu.memory_space<hbm>>) target(%arg7 : memref<80x512xf32, #tpu.memory_space<vmem>>) offsets(%dma_start3A_52 : memref<80xi32, #tpu.memory_space<vmem>>) semaphore(%arg8 : memref<!tpu.dma_semaphore, #tpu.memory_space<semaphore_mem>>)
      %dma_wait3A_56 = tpu.memref_slice %arg5[%mul3A_51] : memref<320xi32, #tpu.memory_space<vmem>> -> memref<80xi32, #tpu.memory_space<vmem>>
      %dma_wait3A_57 = arith.constant 0 : i32
      %dma_wait3A_58 = arith.constant 0 : i32
      %dma_wait3A_59 = tpu.memref_slice %arg2[%dma_wait3A_57, %dma_wait3A_58] : memref<100000x512xf32, #tpu.memory_space<hbm>> -> memref<100000x512xf32, #tpu.memory_space<hbm>>
      tpu.wait_indirect_dma semaphore(%arg8 : memref<!tpu.dma_semaphore, #tpu.memory_space<semaphore_mem>>) src(%dma_wait3A_59 : memref<100000x512xf32, #tpu.memory_space<hbm>>) dst(%arg7 : memref<80x512xf32, #tpu.memory_space<vmem>>)
      %mul3A_60 = arith.constant 80 : i32
      %mul3A_61 = arith.muli %add3A_44, %mul3A_60 : i32
      %add3A_62 = arith.addi %mul3A_2, %mul3A_61 : i32
      %dma_start3A_63 = arith.constant 0 : i32
      %dma_start3A_64 = tpu.memref_slice %arg4[%add3A_62, %dma_start3A_63] : memref<10240x512xf32, #tpu.memory_space<hbm>> -> memref<80x512xf32, #tpu.memory_space<hbm>>
      %dma_start3A_65 = arith.constant 0 : i32
      %dma_start3A_66 = tpu.memref_slice %arg4[%add3A_62, %dma_start3A_65] : memref<10240x512xf32, #tpu.memory_space<hbm>> -> memref<80x512xf32, #tpu.memory_space<hbm>>
      tpu.enqueue_dma source(%arg7 : memref<80x512xf32, #tpu.memory_space<vmem>>) target(%dma_start3A_66 : memref<80x512xf32, #tpu.memory_space<hbm>>) target_semaphore(%arg10 : memref<!tpu.dma_semaphore, #tpu.memory_space<semaphore_mem>>)
    }
    %scan3A_6 = arith.constant 2 : i32
    %add3A_7 = arith.constant 160 : i32
    %add3A_8 = arith.addi %mul3A_2, %add3A_7 : i32
    %dma_wait3A = arith.constant 0 : i32
    %dma_wait3A_9 = tpu.memref_slice %arg4[%add3A_8, %dma_wait3A] : memref<10240x512xf32, #tpu.memory_space<hbm>> -> memref<80x512xf32, #tpu.memory_space<hbm>>
    %dma_wait3A_10 = arith.constant 0 : i32
    %dma_wait3A_11 = tpu.memref_slice %arg4[%add3A_8, %dma_wait3A_10] : memref<10240x512xf32, #tpu.memory_space<hbm>> -> memref<80x512xf32, #tpu.memory_space<hbm>>
    tpu.wait_dma2 semaphore(%arg9 : memref<!tpu.dma_semaphore, #tpu.memory_space<semaphore_mem>>) src(%arg6 : memref<80x512xf32, #tpu.memory_space<vmem>>) dst(%dma_wait3A_11 : memref<80x512xf32, #tpu.memory_space<hbm>>)
    %add3A_12 = arith.constant 240 : i32
    %add3A_13 = arith.addi %mul3A_2, %add3A_12 : i32
    %dma_wait3A_14 = arith.constant 0 : i32
    %dma_wait3A_15 = tpu.memref_slice %arg4[%add3A_13, %dma_wait3A_14] : memref<10240x512xf32, #tpu.memory_space<hbm>> -> memref<80x512xf32, #tpu.memory_space<hbm>>
    %dma_wait3A_16 = arith.constant 0 : i32
    %dma_wait3A_17 = tpu.memref_slice %arg4[%add3A_13, %dma_wait3A_16] : memref<10240x512xf32, #tpu.memory_space<hbm>> -> memref<80x512xf32, #tpu.memory_space<hbm>>
    tpu.wait_dma2 semaphore(%arg10 : memref<!tpu.dma_semaphore, #tpu.memory_space<semaphore_mem>>) src(%arg7 : memref<80x512xf32, #tpu.memory_space<vmem>>) dst(%dma_wait3A_17 : memref<80x512xf32, #tpu.memory_space<hbm>>)
    return
  }
}

#map = affine_map<(d0, d1) -> (0, 0)>
#map1 = affine_map<(d0, d1) -> (0)>
module attributes {stable_mosaic.version = 14 : i64} {
  func.func @k(%arg0: i32, %arg1: i32, %arg2: memref<100000x512xf32, #tpu.memory_space<hbm>>, %arg3: memref<10240xi32, #tpu.memory_space<hbm>>, %arg4: memref<10240x512xf32, #tpu.memory_space<hbm>>, %arg5: memref<320xi32, #tpu.memory_space<vmem>>, %arg6: memref<80x512xf32, #tpu.memory_space<vmem>>, %arg7: memref<80x512xf32, #tpu.memory_space<vmem>>, %arg8: memref<!tpu.dma_semaphore, #tpu.memory_space<semaphore_mem>>, %arg9: memref<!tpu.dma_semaphore, #tpu.memory_space<semaphore_mem>>, %arg10: memref<!tpu.dma_semaphore, #tpu.memory_space<semaphore_mem>>) attributes {dimension_semantics = [#tpu.dimension_semantics<core_parallel>, #tpu.dimension_semantics<subcore_parallel>], iteration_bounds = array<i64: 2, 16>, scalar_prefetch = 0 : i64, scratch_operands = 6 : i64, tpu.core_type = #tpu.core_type<sc_vector_subcore>, window_params = [{transform_indices = #map}, {transform_indices = #map1}, {transform_indices = #map}]} {
    %mul3A = arith.constant 2 : i32
    %mul3A_0 = arith.muli %arg1, %mul3A : i32
    %add3A = arith.addi %mul3A_0, %arg0 : i32
    %mul3A_1 = arith.constant 320 : i32
    %mul3A_2 = arith.muli %add3A, %mul3A_1 : i32
    "tpu.region"() ({
      %run_scoped3A = tpu.sem_alloc : memref<!tpu.dma_semaphore, #tpu.memory_space<semaphore_mem>>
      %dma_start3A = tpu.memref_slice %arg3[%mul3A_2] : memref<10240xi32, #tpu.memory_space<hbm>> -> memref<320xi32, #tpu.memory_space<hbm>>
      %dma_start3A_18 = tpu.memref_slice %arg3[%mul3A_2] : memref<10240xi32, #tpu.memory_space<hbm>> -> memref<320xi32, #tpu.memory_space<hbm>>
      tpu.enqueue_dma source(%dma_start3A_18 : memref<320xi32, #tpu.memory_space<hbm>>) target(%arg5 : memref<320xi32, #tpu.memory_space<vmem>>) target_semaphore(%run_scoped3A : memref<!tpu.dma_semaphore, #tpu.memory_space<semaphore_mem>>)
      %dma_wait3A_19 = tpu.memref_slice %arg3[%mul3A_2] : memref<10240xi32, #tpu.memory_space<hbm>> -> memref<320xi32, #tpu.memory_space<hbm>>
      %dma_wait3A_20 = tpu.memref_slice %arg3[%mul3A_2] : memref<10240xi32, #tpu.memory_space<hbm>> -> memref<320xi32, #tpu.memory_space<hbm>>
      tpu.wait_dma2 semaphore(%run_scoped3A : memref<!tpu.dma_semaphore, #tpu.memory_space<semaphore_mem>>) src(%dma_wait3A_20 : memref<320xi32, #tpu.memory_space<hbm>>) dst(%arg5 : memref<320xi32, #tpu.memory_space<vmem>>)
      tpu.yield
    }) : () -> ()
    %scan3A = arith.constant 0 : i32
    %scan3A_3 = arith.constant 2 : i32
    %scan3A_4 = arith.addi %scan3A, %scan3A_3 : i32
    %scan3A_5 = arith.constant 1 : i32
    scf.for %scan3A_18 = %scan3A to %scan3A_4 step %scan3A_5  : i32 {
      %mul3A_19 = arith.constant 2 : i32
      %mul3A_20 = arith.muli %scan3A_18, %mul3A_19 : i32
      %add3A_21 = arith.constant 0 : i32
      %add3A_22 = arith.addi %add3A_21, %mul3A_20 : i32
      %add3A_23 = arith.constant 0 : i32
      %add3A_24 = arith.addi %add3A_22, %add3A_23 : i32
      %ge3A = arith.constant 2 : i32
      %ge3A_25 = arith.cmpi sge, %add3A_24, %ge3A : i32
      %convert_element_type3A = arith.extui %ge3A_25 : i1 to i32
      %cond3A = arith.constant 0 : i32
      %cond3A_26 = arith.cmpi ne, %convert_element_type3A, %cond3A : i32
      scf.if %cond3A_26 {
        %sub3A = arith.constant 2 : i32
        %sub3A_67 = arith.subi %add3A_24, %sub3A : i32
        %mul3A_68 = arith.constant 80 : i32
        %mul3A_69 = arith.muli %sub3A_67, %mul3A_68 : i32
        %add3A_70 = arith.addi %mul3A_2, %mul3A_69 : i32
        %dma_wait3A_71 = arith.constant 0 : i32
        %dma_wait3A_72 = tpu.memref_slice %arg4[%add3A_70, %dma_wait3A_71] : memref<10240x512xf32, #tpu.memory_space<hbm>> -> memref<80x512xf32, #tpu.memory_space<hbm>>
        %dma_wait3A_73 = arith.constant 0 : i32
        %dma_wait3A_74 = tpu.memref_slice %arg4[%add3A_70, %dma_wait3A_73] : memref<10240x512xf32, #tpu.memory_space<hbm>> -> memref<80x512xf32, #tpu.memory_space<hbm>>
        tpu.wait_dma2 semaphore(%arg9 : memref<!tpu.dma_semaphore, #tpu.memory_space<semaphore_mem>>) src(%arg6 : memref<80x512xf32, #tpu.memory_space<vmem>>) dst(%dma_wait3A_74 : memref<80x512xf32, #tpu.memory_space<hbm>>)
      } else {
      }
      %mul3A_27 = arith.constant 80 : i32
      %mul3A_28 = arith.muli %add3A_24, %mul3A_27 : i32
      %dma_start3A = tpu.memref_slice %arg5[%mul3A_28] : memref<320xi32, #tpu.memory_space<vmem>> -> memref<80xi32, #tpu.memory_space<vmem>>
      %dma_start3A_29 = arith.constant 0 : i32
      %dma_start3A_30 = arith.constant 0 : i32
      %dma_start3A_31 = tpu.memref_slice %arg2[%dma_start3A_29, %dma_start3A_30] : memref<100000x512xf32, #tpu.memory_space<hbm>> -> memref<100000x512xf32, #tpu.memory_space<hbm>>
      tpu.enqueue_indirect_dma source(%dma_start3A_31 : memref<100000x512xf32, #tpu.memory_space<hbm>>) target(%arg6 : memref<80x512xf32, #tpu.memory_space<vmem>>) offsets(%dma_start3A : memref<80xi32, #tpu.memory_space<vmem>>) semaphore(%arg8 : memref<!tpu.dma_semaphore, #tpu.memory_space<semaphore_mem>>)
      %dma_wait3A_32 = tpu.memref_slice %arg5[%mul3A_28] : memref<320xi32, #tpu.memory_space<vmem>> -> memref<80xi32, #tpu.memory_space<vmem>>
      %dma_wait3A_33 = arith.constant 0 : i32
      %dma_wait3A_34 = arith.constant 0 : i32
      %dma_wait3A_35 = tpu.memref_slice %arg2[%dma_wait3A_33, %dma_wait3A_34] : memref<100000x512xf32, #tpu.memory_space<hbm>> -> memref<100000x512xf32, #tpu.memory_space<hbm>>
      tpu.wait_indirect_dma semaphore(%arg8 : memref<!tpu.dma_semaphore, #tpu.memory_space<semaphore_mem>>) src(%dma_wait3A_35 : memref<100000x512xf32, #tpu.memory_space<hbm>>) dst(%arg6 : memref<80x512xf32, #tpu.memory_space<vmem>>)
      %mul3A_36 = arith.constant 80 : i32
      %mul3A_37 = arith.muli %add3A_24, %mul3A_36 : i32
      %add3A_38 = arith.addi %mul3A_2, %mul3A_37 : i32
      %dma_start3A_39 = arith.constant 0 : i32
      %dma_start3A_40 = tpu.memref_slice %arg4[%add3A_38, %dma_start3A_39] : memref<10240x512xf32, #tpu.memory_space<hbm>> -> memref<80x512xf32, #tpu.memory_space<hbm>>
      %dma_start3A_41 = arith.constant 0 : i32
      %dma_start3A_42 = tpu.memref_slice %arg4[%add3A_38, %dma_start3A_41] : memref<10240x512xf32, #tpu.memory_space<hbm>> -> memref<80x512xf32, #tpu.memory_space<hbm>>
      tpu.enqueue_dma source(%arg6 : memref<80x512xf32, #tpu.memory_space<vmem>>) target(%dma_start3A_42 : memref<80x512xf32, #tpu.memory_space<hbm>>) target_semaphore(%arg9 : memref<!tpu.dma_semaphore, #tpu.memory_space<semaphore_mem>>)
      %add3A_43 = arith.constant 1 : i32
      %add3A_44 = arith.addi %add3A_22, %add3A_43 : i32
      %ge3A_45 = arith.constant 2 : i32
      %ge3A_46 = arith.cmpi sge, %add3A_44, %ge3A_45 : i32
      %convert_element_type3A_47 = arith.extui %ge3A_46 : i1 to i32
      %cond3A_48 = arith.constant 0 : i32
      %cond3A_49 = arith.cmpi ne, %convert_element_type3A_47, %cond3A_48 : i32
      scf.if %cond3A_49 {
        %sub3A = arith.constant 2 : i32
        %sub3A_67 = arith.subi %add3A_44, %sub3A : i32
        %mul3A_68 = arith.constant 80 : i32
        %mul3A_69 = arith.muli %sub3A_67, %mul3A_68 : i32
        %add3A_70 = arith.addi %mul3A_2, %mul3A_69 : i32
        %dma_wait3A_71 = arith.constant 0 : i32
        %dma_wait3A_72 = tpu.memref_slice %arg4[%add3A_70, %dma_wait3A_71] : memref<10240x512xf32, #tpu.memory_space<hbm>> -> memref<80x512xf32, #tpu.memory_space<hbm>>
        %dma_wait3A_73 = arith.constant 0 : i32
        %dma_wait3A_74 = tpu.memref_slice %arg4[%add3A_70, %dma_wait3A_73] : memref<10240x512xf32, #tpu.memory_space<hbm>> -> memref<80x512xf32, #tpu.memory_space<hbm>>
        tpu.wait_dma2 semaphore(%arg10 : memref<!tpu.dma_semaphore, #tpu.memory_space<semaphore_mem>>) src(%arg7 : memref<80x512xf32, #tpu.memory_space<vmem>>) dst(%dma_wait3A_74 : memref<80x512xf32, #tpu.memory_space<hbm>>)
      } else {
      }
      %mul3A_50 = arith.constant 80 : i32
      %mul3A_51 = arith.muli %add3A_44, %mul3A_50 : i32
      %dma_start3A_52 = tpu.memref_slice %arg5[%mul3A_51] : memref<320xi32, #tpu.memory_space<vmem>> -> memref<80xi32, #tpu.memory_space<vmem>>
      %dma_start3A_53 = arith.constant 0 : i32
      %dma_start3A_54 = arith.constant 0 : i32
      %dma_start3A_55 = tpu.memref_slice %arg2[%dma_start3A_53, %dma_start3A_54] : memref<100000x512xf32, #tpu.memory_space<hbm>> -> memref<100000x512xf32, #tpu.memory_space<hbm>>
      tpu.enqueue_indirect_dma source(%dma_start3A_55 : memref<100000x512xf32, #tpu.memory_space<hbm>>) target(%arg7 : memref<80x512xf32, #tpu.memory_space<vmem>>) offsets(%dma_start3A_52 : memref<80xi32, #tpu.memory_space<vmem>>) semaphore(%arg8 : memref<!tpu.dma_semaphore, #tpu.memory_space<semaphore_mem>>)
      %dma_wait3A_56 = tpu.memref_slice %arg5[%mul3A_51] : memref<320xi32, #tpu.memory_space<vmem>> -> memref<80xi32, #tpu.memory_space<vmem>>
      %dma_wait3A_57 = arith.constant 0 : i32
      %dma_wait3A_58 = arith.constant 0 : i32
      %dma_wait3A_59 = tpu.memref_slice %arg2[%dma_wait3A_57, %dma_wait3A_58] : memref<100000x512xf32, #tpu.memory_space<hbm>> -> memref<100000x512xf32, #tpu.memory_space<hbm>>
      tpu.wait_indirect_dma semaphore(%arg8 : memref<!tpu.dma_semaphore, #tpu.memory_space<semaphore_mem>>) src(%dma_wait3A_59 : memref<100000x512xf32, #tpu.memory_space<hbm>>) dst(%arg7 : memref<80x512xf32, #tpu.memory_space<vmem>>)
      %mul3A_60 = arith.constant 80 : i32
      %mul3A_61 = arith.muli %add3A_44, %mul3A_60 : i32
      %add3A_62 = arith.addi %mul3A_2, %mul3A_61 : i32
      %dma_start3A_63 = arith.constant 0 : i32
      %dma_start3A_64 = tpu.memref_slice %arg4[%add3A_62, %dma_start3A_63] : memref<10240x512xf32, #tpu.memory_space<hbm>> -> memref<80x512xf32, #tpu.memory_space<hbm>>
      %dma_start3A_65 = arith.constant 0 : i32
      %dma_start3A_66 = tpu.memref_slice %arg4[%add3A_62, %dma_start3A_65] : memref<10240x512xf32, #tpu.memory_space<hbm>> -> memref<80x512xf32, #tpu.memory_space<hbm>>
      tpu.enqueue_dma source(%arg7 : memref<80x512xf32, #tpu.memory_space<vmem>>) target(%dma_start3A_66 : memref<80x512xf32, #tpu.memory_space<hbm>>) target_semaphore(%arg10 : memref<!tpu.dma_semaphore, #tpu.memory_space<semaphore_mem>>)
    }
    %scan3A_6 = arith.constant 2 : i32
    %add3A_7 = arith.constant 160 : i32
    %add3A_8 = arith.addi %mul3A_2, %add3A_7 : i32
    %dma_wait3A = arith.constant 0 : i32
    %dma_wait3A_9 = tpu.memref_slice %arg4[%add3A_8, %dma_wait3A] : memref<10240x512xf32, #tpu.memory_space<hbm>> -> memref<80x512xf32, #tpu.memory_space<hbm>>
    %dma_wait3A_10 = arith.constant 0 : i32
    %dma_wait3A_11 = tpu.memref_slice %arg4[%add3A_8, %dma_wait3A_10] : memref<10240x512xf32, #tpu.memory_space<hbm>> -> memref<80x512xf32, #tpu.memory_space<hbm>>
    tpu.wait_dma2 semaphore(%arg9 : memref<!tpu.dma_semaphore, #tpu.memory_space<semaphore_mem>>) src(%arg6 : memref<80x512xf32, #tpu.memory_space<vmem>>) dst(%dma_wait3A_11 : memref<80x512xf32, #tpu.memory_space<hbm>>)
    %add3A_12 = arith.constant 240 : i32
    %add3A_13 = arith.addi %mul3A_2, %add3A_12 : i32
    %dma_wait3A_14 = arith.constant 0 : i32
    %dma_wait3A_15 = tpu.memref_slice %arg4[%add3A_13, %dma_wait3A_14] : memref<10240x512xf32, #tpu.memory_space<hbm>> -> memref<80x512xf32, #tpu.memory_space<hbm>>
    %dma_wait3A_16 = arith.constant 0 : i32
    %dma_wait3A_17 = tpu.memref_slice %arg4[%add3A_13, %dma_wait3A_16] : memref<10240x512xf32, #tpu.memory_space<hbm>> -> memref<80x512xf32, #tpu.memory_space<hbm>>
    tpu.wait_dma2 semaphore(%arg10 : memref<!tpu.dma_semaphore, #tpu.memory_space<semaphore_mem>>) src(%arg7 : memref<80x512xf32, #tpu.memory_space<vmem>>) dst(%dma_wait3A_17 : memref<80x512xf32, #tpu.memory_space<hbm>>)
    return
  }
}

#map = affine_map<(d0, d1) -> (0, 0)>
#map1 = affine_map<(d0, d1) -> (0)>
module attributes {stable_mosaic.version = 14 : i64} {
  func.func @k(%arg0: i32, %arg1: i32, %arg2: memref<100000x512xf32, #tpu.memory_space<hbm>>, %arg3: memref<10240xi32, #tpu.memory_space<hbm>>, %arg4: memref<10240x512xf32, #tpu.memory_space<hbm>>, %arg5: memref<320xi32, #tpu.memory_space<vmem>>, %arg6: memref<80x512xf32, #tpu.memory_space<vmem>>, %arg7: memref<80x512xf32, #tpu.memory_space<vmem>>, %arg8: memref<!tpu.dma_semaphore, #tpu.memory_space<semaphore_mem>>, %arg9: memref<!tpu.dma_semaphore, #tpu.memory_space<semaphore_mem>>, %arg10: memref<!tpu.dma_semaphore, #tpu.memory_space<semaphore_mem>>) attributes {dimension_semantics = [#tpu.dimension_semantics<core_parallel>, #tpu.dimension_semantics<subcore_parallel>], iteration_bounds = array<i64: 2, 16>, scalar_prefetch = 0 : i64, scratch_operands = 6 : i64, tpu.core_type = #tpu.core_type<sc_vector_subcore>, window_params = [{transform_indices = #map}, {transform_indices = #map1}, {transform_indices = #map}]} {
    %mul3A = arith.constant 2 : i32
    %mul3A_0 = arith.muli %arg1, %mul3A : i32
    %add3A = arith.addi %mul3A_0, %arg0 : i32
    %mul3A_1 = arith.constant 320 : i32
    %mul3A_2 = arith.muli %add3A, %mul3A_1 : i32
    "tpu.region"() ({
      %run_scoped3A = tpu.sem_alloc : memref<!tpu.dma_semaphore, #tpu.memory_space<semaphore_mem>>
      %dma_start3A = tpu.memref_slice %arg3[%mul3A_2] : memref<10240xi32, #tpu.memory_space<hbm>> -> memref<320xi32, #tpu.memory_space<hbm>>
      %dma_start3A_18 = tpu.memref_slice %arg3[%mul3A_2] : memref<10240xi32, #tpu.memory_space<hbm>> -> memref<320xi32, #tpu.memory_space<hbm>>
      tpu.enqueue_dma source(%dma_start3A_18 : memref<320xi32, #tpu.memory_space<hbm>>) target(%arg5 : memref<320xi32, #tpu.memory_space<vmem>>) target_semaphore(%run_scoped3A : memref<!tpu.dma_semaphore, #tpu.memory_space<semaphore_mem>>)
      %dma_wait3A_19 = tpu.memref_slice %arg3[%mul3A_2] : memref<10240xi32, #tpu.memory_space<hbm>> -> memref<320xi32, #tpu.memory_space<hbm>>
      %dma_wait3A_20 = tpu.memref_slice %arg3[%mul3A_2] : memref<10240xi32, #tpu.memory_space<hbm>> -> memref<320xi32, #tpu.memory_space<hbm>>
      tpu.wait_dma2 semaphore(%run_scoped3A : memref<!tpu.dma_semaphore, #tpu.memory_space<semaphore_mem>>) src(%dma_wait3A_20 : memref<320xi32, #tpu.memory_space<hbm>>) dst(%arg5 : memref<320xi32, #tpu.memory_space<vmem>>)
      tpu.yield
    }) : () -> ()
    %scan3A = arith.constant 0 : i32
    %scan3A_3 = arith.constant 2 : i32
    %scan3A_4 = arith.addi %scan3A, %scan3A_3 : i32
    %scan3A_5 = arith.constant 1 : i32
    scf.for %scan3A_18 = %scan3A to %scan3A_4 step %scan3A_5  : i32 {
      %mul3A_19 = arith.constant 2 : i32
      %mul3A_20 = arith.muli %scan3A_18, %mul3A_19 : i32
      %add3A_21 = arith.constant 0 : i32
      %add3A_22 = arith.addi %add3A_21, %mul3A_20 : i32
      %add3A_23 = arith.constant 0 : i32
      %add3A_24 = arith.addi %add3A_22, %add3A_23 : i32
      %ge3A = arith.constant 2 : i32
      %ge3A_25 = arith.cmpi sge, %add3A_24, %ge3A : i32
      %convert_element_type3A = arith.extui %ge3A_25 : i1 to i32
      %cond3A = arith.constant 0 : i32
      %cond3A_26 = arith.cmpi ne, %convert_element_type3A, %cond3A : i32
      scf.if %cond3A_26 {
        %sub3A = arith.constant 2 : i32
        %sub3A_67 = arith.subi %add3A_24, %sub3A : i32
        %mul3A_68 = arith.constant 80 : i32
        %mul3A_69 = arith.muli %sub3A_67, %mul3A_68 : i32
        %add3A_70 = arith.addi %mul3A_2, %mul3A_69 : i32
        %dma_wait3A_71 = arith.constant 0 : i32
        %dma_wait3A_72 = tpu.memref_slice %arg4[%add3A_70, %dma_wait3A_71] : memref<10240x512xf32, #tpu.memory_space<hbm>> -> memref<80x512xf32, #tpu.memory_space<hbm>>
        %dma_wait3A_73 = arith.constant 0 : i32
        %dma_wait3A_74 = tpu.memref_slice %arg4[%add3A_70, %dma_wait3A_73] : memref<10240x512xf32, #tpu.memory_space<hbm>> -> memref<80x512xf32, #tpu.memory_space<hbm>>
        tpu.wait_dma2 semaphore(%arg9 : memref<!tpu.dma_semaphore, #tpu.memory_space<semaphore_mem>>) src(%arg6 : memref<80x512xf32, #tpu.memory_space<vmem>>) dst(%dma_wait3A_74 : memref<80x512xf32, #tpu.memory_space<hbm>>)
      } else {
      }
      %mul3A_27 = arith.constant 80 : i32
      %mul3A_28 = arith.muli %add3A_24, %mul3A_27 : i32
      %dma_start3A = tpu.memref_slice %arg5[%mul3A_28] : memref<320xi32, #tpu.memory_space<vmem>> -> memref<80xi32, #tpu.memory_space<vmem>>
      %dma_start3A_29 = arith.constant 0 : i32
      %dma_start3A_30 = arith.constant 0 : i32
      %dma_start3A_31 = tpu.memref_slice %arg2[%dma_start3A_29, %dma_start3A_30] : memref<100000x512xf32, #tpu.memory_space<hbm>> -> memref<100000x512xf32, #tpu.memory_space<hbm>>
      tpu.enqueue_indirect_dma source(%dma_start3A_31 : memref<100000x512xf32, #tpu.memory_space<hbm>>) target(%arg6 : memref<80x512xf32, #tpu.memory_space<vmem>>) offsets(%dma_start3A : memref<80xi32, #tpu.memory_space<vmem>>) semaphore(%arg8 : memref<!tpu.dma_semaphore, #tpu.memory_space<semaphore_mem>>)
      %dma_wait3A_32 = tpu.memref_slice %arg5[%mul3A_28] : memref<320xi32, #tpu.memory_space<vmem>> -> memref<80xi32, #tpu.memory_space<vmem>>
      %dma_wait3A_33 = arith.constant 0 : i32
      %dma_wait3A_34 = arith.constant 0 : i32
      %dma_wait3A_35 = tpu.memref_slice %arg2[%dma_wait3A_33, %dma_wait3A_34] : memref<100000x512xf32, #tpu.memory_space<hbm>> -> memref<100000x512xf32, #tpu.memory_space<hbm>>
      tpu.wait_indirect_dma semaphore(%arg8 : memref<!tpu.dma_semaphore, #tpu.memory_space<semaphore_mem>>) src(%dma_wait3A_35 : memref<100000x512xf32, #tpu.memory_space<hbm>>) dst(%arg6 : memref<80x512xf32, #tpu.memory_space<vmem>>)
      %mul3A_36 = arith.constant 80 : i32
      %mul3A_37 = arith.muli %add3A_24, %mul3A_36 : i32
      %add3A_38 = arith.addi %mul3A_2, %mul3A_37 : i32
      %dma_start3A_39 = arith.constant 0 : i32
      %dma_start3A_40 = tpu.memref_slice %arg4[%add3A_38, %dma_start3A_39] : memref<10240x512xf32, #tpu.memory_space<hbm>> -> memref<80x512xf32, #tpu.memory_space<hbm>>
      %dma_start3A_41 = arith.constant 0 : i32
      %dma_start3A_42 = tpu.memref_slice %arg4[%add3A_38, %dma_start3A_41] : memref<10240x512xf32, #tpu.memory_space<hbm>> -> memref<80x512xf32, #tpu.memory_space<hbm>>
      tpu.enqueue_dma source(%arg6 : memref<80x512xf32, #tpu.memory_space<vmem>>) target(%dma_start3A_42 : memref<80x512xf32, #tpu.memory_space<hbm>>) target_semaphore(%arg9 : memref<!tpu.dma_semaphore, #tpu.memory_space<semaphore_mem>>)
      %add3A_43 = arith.constant 1 : i32
      %add3A_44 = arith.addi %add3A_22, %add3A_43 : i32
      %ge3A_45 = arith.constant 2 : i32
      %ge3A_46 = arith.cmpi sge, %add3A_44, %ge3A_45 : i32
      %convert_element_type3A_47 = arith.extui %ge3A_46 : i1 to i32
      %cond3A_48 = arith.constant 0 : i32
      %cond3A_49 = arith.cmpi ne, %convert_element_type3A_47, %cond3A_48 : i32
      scf.if %cond3A_49 {
        %sub3A = arith.constant 2 : i32
        %sub3A_67 = arith.subi %add3A_44, %sub3A : i32
        %mul3A_68 = arith.constant 80 : i32
        %mul3A_69 = arith.muli %sub3A_67, %mul3A_68 : i32
        %add3A_70 = arith.addi %mul3A_2, %mul3A_69 : i32
        %dma_wait3A_71 = arith.constant 0 : i32
        %dma_wait3A_72 = tpu.memref_slice %arg4[%add3A_70, %dma_wait3A_71] : memref<10240x512xf32, #tpu.memory_space<hbm>> -> memref<80x512xf32, #tpu.memory_space<hbm>>
        %dma_wait3A_73 = arith.constant 0 : i32
        %dma_wait3A_74 = tpu.memref_slice %arg4[%add3A_70, %dma_wait3A_73] : memref<10240x512xf32, #tpu.memory_space<hbm>> -> memref<80x512xf32, #tpu.memory_space<hbm>>
        tpu.wait_dma2 semaphore(%arg10 : memref<!tpu.dma_semaphore, #tpu.memory_space<semaphore_mem>>) src(%arg7 : memref<80x512xf32, #tpu.memory_space<vmem>>) dst(%dma_wait3A_74 : memref<80x512xf32, #tpu.memory_space<hbm>>)
      } else {
      }
      %mul3A_50 = arith.constant 80 : i32
      %mul3A_51 = arith.muli %add3A_44, %mul3A_50 : i32
      %dma_start3A_52 = tpu.memref_slice %arg5[%mul3A_51] : memref<320xi32, #tpu.memory_space<vmem>> -> memref<80xi32, #tpu.memory_space<vmem>>
      %dma_start3A_53 = arith.constant 0 : i32
      %dma_start3A_54 = arith.constant 0 : i32
      %dma_start3A_55 = tpu.memref_slice %arg2[%dma_start3A_53, %dma_start3A_54] : memref<100000x512xf32, #tpu.memory_space<hbm>> -> memref<100000x512xf32, #tpu.memory_space<hbm>>
      tpu.enqueue_indirect_dma source(%dma_start3A_55 : memref<100000x512xf32, #tpu.memory_space<hbm>>) target(%arg7 : memref<80x512xf32, #tpu.memory_space<vmem>>) offsets(%dma_start3A_52 : memref<80xi32, #tpu.memory_space<vmem>>) semaphore(%arg8 : memref<!tpu.dma_semaphore, #tpu.memory_space<semaphore_mem>>)
      %dma_wait3A_56 = tpu.memref_slice %arg5[%mul3A_51] : memref<320xi32, #tpu.memory_space<vmem>> -> memref<80xi32, #tpu.memory_space<vmem>>
      %dma_wait3A_57 = arith.constant 0 : i32
      %dma_wait3A_58 = arith.constant 0 : i32
      %dma_wait3A_59 = tpu.memref_slice %arg2[%dma_wait3A_57, %dma_wait3A_58] : memref<100000x512xf32, #tpu.memory_space<hbm>> -> memref<100000x512xf32, #tpu.memory_space<hbm>>
      tpu.wait_indirect_dma semaphore(%arg8 : memref<!tpu.dma_semaphore, #tpu.memory_space<semaphore_mem>>) src(%dma_wait3A_59 : memref<100000x512xf32, #tpu.memory_space<hbm>>) dst(%arg7 : memref<80x512xf32, #tpu.memory_space<vmem>>)
      %mul3A_60 = arith.constant 80 : i32
      %mul3A_61 = arith.muli %add3A_44, %mul3A_60 : i32
      %add3A_62 = arith.addi %mul3A_2, %mul3A_61 : i32
      %dma_start3A_63 = arith.constant 0 : i32
      %dma_start3A_64 = tpu.memref_slice %arg4[%add3A_62, %dma_start3A_63] : memref<10240x512xf32, #tpu.memory_space<hbm>> -> memref<80x512xf32, #tpu.memory_space<hbm>>
      %dma_start3A_65 = arith.constant 0 : i32
      %dma_start3A_66 = tpu.memref_slice %arg4[%add3A_62, %dma_start3A_65] : memref<10240x512xf32, #tpu.memory_space<hbm>> -> memref<80x512xf32, #tpu.memory_space<hbm>>
      tpu.enqueue_dma source(%arg7 : memref<80x512xf32, #tpu.memory_space<vmem>>) target(%dma_start3A_66 : memref<80x512xf32, #tpu.memory_space<hbm>>) target_semaphore(%arg10 : memref<!tpu.dma_semaphore, #tpu.memory_space<semaphore_mem>>)
    }
    %scan3A_6 = arith.constant 2 : i32
    %add3A_7 = arith.constant 160 : i32
    %add3A_8 = arith.addi %mul3A_2, %add3A_7 : i32
    %dma_wait3A = arith.constant 0 : i32
    %dma_wait3A_9 = tpu.memref_slice %arg4[%add3A_8, %dma_wait3A] : memref<10240x512xf32, #tpu.memory_space<hbm>> -> memref<80x512xf32, #tpu.memory_space<hbm>>
    %dma_wait3A_10 = arith.constant 0 : i32
    %dma_wait3A_11 = tpu.memref_slice %arg4[%add3A_8, %dma_wait3A_10] : memref<10240x512xf32, #tpu.memory_space<hbm>> -> memref<80x512xf32, #tpu.memory_space<hbm>>
    tpu.wait_dma2 semaphore(%arg9 : memref<!tpu.dma_semaphore, #tpu.memory_space<semaphore_mem>>) src(%arg6 : memref<80x512xf32, #tpu.memory_space<vmem>>) dst(%dma_wait3A_11 : memref<80x512xf32, #tpu.memory_space<hbm>>)
    %add3A_12 = arith.constant 240 : i32
    %add3A_13 = arith.addi %mul3A_2, %add3A_12 : i32
    %dma_wait3A_14 = arith.constant 0 : i32
    %dma_wait3A_15 = tpu.memref_slice %arg4[%add3A_13, %dma_wait3A_14] : memref<10240x512xf32, #tpu.memory_space<hbm>> -> memref<80x512xf32, #tpu.memory_space<hbm>>
    %dma_wait3A_16 = arith.constant 0 : i32
    %dma_wait3A_17 = tpu.memref_slice %arg4[%add3A_13, %dma_wait3A_16] : memref<10240x512xf32, #tpu.memory_space<hbm>> -> memref<80x512xf32, #tpu.memory_space<hbm>>
    tpu.wait_dma2 semaphore(%arg10 : memref<!tpu.dma_semaphore, #tpu.memory_space<semaphore_mem>>) src(%arg7 : memref<80x512xf32, #tpu.memory_space<vmem>>) dst(%dma_wait3A_17 : memref<80x512xf32, #tpu.memory_space<hbm>>)
    return
  }
}

#map = affine_map<(d0, d1) -> (0, 0)>
#map1 = affine_map<(d0, d1) -> (0)>
module attributes {stable_mosaic.version = 14 : i64} {
  func.func @k(%arg0: i32, %arg1: i32, %arg2: memref<100000x512xf32, #tpu.memory_space<hbm>>, %arg3: memref<10240xi32, #tpu.memory_space<hbm>>, %arg4: memref<10240x512xf32, #tpu.memory_space<hbm>>, %arg5: memref<320xi32, #tpu.memory_space<vmem>>, %arg6: memref<80x512xf32, #tpu.memory_space<vmem>>, %arg7: memref<80x512xf32, #tpu.memory_space<vmem>>, %arg8: memref<!tpu.dma_semaphore, #tpu.memory_space<semaphore_mem>>, %arg9: memref<!tpu.dma_semaphore, #tpu.memory_space<semaphore_mem>>, %arg10: memref<!tpu.dma_semaphore, #tpu.memory_space<semaphore_mem>>) attributes {dimension_semantics = [#tpu.dimension_semantics<core_parallel>, #tpu.dimension_semantics<subcore_parallel>], iteration_bounds = array<i64: 2, 16>, scalar_prefetch = 0 : i64, scratch_operands = 6 : i64, tpu.core_type = #tpu.core_type<sc_vector_subcore>, window_params = [{transform_indices = #map}, {transform_indices = #map1}, {transform_indices = #map}]} {
    %mul3A = arith.constant 2 : i32
    %mul3A_0 = arith.muli %arg1, %mul3A : i32
    %add3A = arith.addi %mul3A_0, %arg0 : i32
    %mul3A_1 = arith.constant 320 : i32
    %mul3A_2 = arith.muli %add3A, %mul3A_1 : i32
    "tpu.region"() ({
      %run_scoped3A = tpu.sem_alloc : memref<!tpu.dma_semaphore, #tpu.memory_space<semaphore_mem>>
      %dma_start3A = tpu.memref_slice %arg3[%mul3A_2] : memref<10240xi32, #tpu.memory_space<hbm>> -> memref<320xi32, #tpu.memory_space<hbm>>
      %dma_start3A_18 = tpu.memref_slice %arg3[%mul3A_2] : memref<10240xi32, #tpu.memory_space<hbm>> -> memref<320xi32, #tpu.memory_space<hbm>>
      tpu.enqueue_dma source(%dma_start3A_18 : memref<320xi32, #tpu.memory_space<hbm>>) target(%arg5 : memref<320xi32, #tpu.memory_space<vmem>>) target_semaphore(%run_scoped3A : memref<!tpu.dma_semaphore, #tpu.memory_space<semaphore_mem>>)
      %dma_wait3A_19 = tpu.memref_slice %arg3[%mul3A_2] : memref<10240xi32, #tpu.memory_space<hbm>> -> memref<320xi32, #tpu.memory_space<hbm>>
      %dma_wait3A_20 = tpu.memref_slice %arg3[%mul3A_2] : memref<10240xi32, #tpu.memory_space<hbm>> -> memref<320xi32, #tpu.memory_space<hbm>>
      tpu.wait_dma2 semaphore(%run_scoped3A : memref<!tpu.dma_semaphore, #tpu.memory_space<semaphore_mem>>) src(%dma_wait3A_20 : memref<320xi32, #tpu.memory_space<hbm>>) dst(%arg5 : memref<320xi32, #tpu.memory_space<vmem>>)
      tpu.yield
    }) : () -> ()
    %scan3A = arith.constant 0 : i32
    %scan3A_3 = arith.constant 2 : i32
    %scan3A_4 = arith.addi %scan3A, %scan3A_3 : i32
    %scan3A_5 = arith.constant 1 : i32
    scf.for %scan3A_18 = %scan3A to %scan3A_4 step %scan3A_5  : i32 {
      %mul3A_19 = arith.constant 2 : i32
      %mul3A_20 = arith.muli %scan3A_18, %mul3A_19 : i32
      %add3A_21 = arith.constant 0 : i32
      %add3A_22 = arith.addi %add3A_21, %mul3A_20 : i32
      %add3A_23 = arith.constant 0 : i32
      %add3A_24 = arith.addi %add3A_22, %add3A_23 : i32
      %ge3A = arith.constant 2 : i32
      %ge3A_25 = arith.cmpi sge, %add3A_24, %ge3A : i32
      %convert_element_type3A = arith.extui %ge3A_25 : i1 to i32
      %cond3A = arith.constant 0 : i32
      %cond3A_26 = arith.cmpi ne, %convert_element_type3A, %cond3A : i32
      scf.if %cond3A_26 {
        %sub3A = arith.constant 2 : i32
        %sub3A_67 = arith.subi %add3A_24, %sub3A : i32
        %mul3A_68 = arith.constant 80 : i32
        %mul3A_69 = arith.muli %sub3A_67, %mul3A_68 : i32
        %add3A_70 = arith.addi %mul3A_2, %mul3A_69 : i32
        %dma_wait3A_71 = arith.constant 0 : i32
        %dma_wait3A_72 = tpu.memref_slice %arg4[%add3A_70, %dma_wait3A_71] : memref<10240x512xf32, #tpu.memory_space<hbm>> -> memref<80x512xf32, #tpu.memory_space<hbm>>
        %dma_wait3A_73 = arith.constant 0 : i32
        %dma_wait3A_74 = tpu.memref_slice %arg4[%add3A_70, %dma_wait3A_73] : memref<10240x512xf32, #tpu.memory_space<hbm>> -> memref<80x512xf32, #tpu.memory_space<hbm>>
        tpu.wait_dma2 semaphore(%arg9 : memref<!tpu.dma_semaphore, #tpu.memory_space<semaphore_mem>>) src(%arg6 : memref<80x512xf32, #tpu.memory_space<vmem>>) dst(%dma_wait3A_74 : memref<80x512xf32, #tpu.memory_space<hbm>>)
      } else {
      }
      %mul3A_27 = arith.constant 80 : i32
      %mul3A_28 = arith.muli %add3A_24, %mul3A_27 : i32
      %dma_start3A = tpu.memref_slice %arg5[%mul3A_28] : memref<320xi32, #tpu.memory_space<vmem>> -> memref<80xi32, #tpu.memory_space<vmem>>
      %dma_start3A_29 = arith.constant 0 : i32
      %dma_start3A_30 = arith.constant 0 : i32
      %dma_start3A_31 = tpu.memref_slice %arg2[%dma_start3A_29, %dma_start3A_30] : memref<100000x512xf32, #tpu.memory_space<hbm>> -> memref<100000x512xf32, #tpu.memory_space<hbm>>
      tpu.enqueue_indirect_dma source(%dma_start3A_31 : memref<100000x512xf32, #tpu.memory_space<hbm>>) target(%arg6 : memref<80x512xf32, #tpu.memory_space<vmem>>) offsets(%dma_start3A : memref<80xi32, #tpu.memory_space<vmem>>) semaphore(%arg8 : memref<!tpu.dma_semaphore, #tpu.memory_space<semaphore_mem>>)
      %dma_wait3A_32 = tpu.memref_slice %arg5[%mul3A_28] : memref<320xi32, #tpu.memory_space<vmem>> -> memref<80xi32, #tpu.memory_space<vmem>>
      %dma_wait3A_33 = arith.constant 0 : i32
      %dma_wait3A_34 = arith.constant 0 : i32
      %dma_wait3A_35 = tpu.memref_slice %arg2[%dma_wait3A_33, %dma_wait3A_34] : memref<100000x512xf32, #tpu.memory_space<hbm>> -> memref<100000x512xf32, #tpu.memory_space<hbm>>
      tpu.wait_indirect_dma semaphore(%arg8 : memref<!tpu.dma_semaphore, #tpu.memory_space<semaphore_mem>>) src(%dma_wait3A_35 : memref<100000x512xf32, #tpu.memory_space<hbm>>) dst(%arg6 : memref<80x512xf32, #tpu.memory_space<vmem>>)
      %mul3A_36 = arith.constant 80 : i32
      %mul3A_37 = arith.muli %add3A_24, %mul3A_36 : i32
      %add3A_38 = arith.addi %mul3A_2, %mul3A_37 : i32
      %dma_start3A_39 = arith.constant 0 : i32
      %dma_start3A_40 = tpu.memref_slice %arg4[%add3A_38, %dma_start3A_39] : memref<10240x512xf32, #tpu.memory_space<hbm>> -> memref<80x512xf32, #tpu.memory_space<hbm>>
      %dma_start3A_41 = arith.constant 0 : i32
      %dma_start3A_42 = tpu.memref_slice %arg4[%add3A_38, %dma_start3A_41] : memref<10240x512xf32, #tpu.memory_space<hbm>> -> memref<80x512xf32, #tpu.memory_space<hbm>>
      tpu.enqueue_dma source(%arg6 : memref<80x512xf32, #tpu.memory_space<vmem>>) target(%dma_start3A_42 : memref<80x512xf32, #tpu.memory_space<hbm>>) target_semaphore(%arg9 : memref<!tpu.dma_semaphore, #tpu.memory_space<semaphore_mem>>)
      %add3A_43 = arith.constant 1 : i32
      %add3A_44 = arith.addi %add3A_22, %add3A_43 : i32
      %ge3A_45 = arith.constant 2 : i32
      %ge3A_46 = arith.cmpi sge, %add3A_44, %ge3A_45 : i32
      %convert_element_type3A_47 = arith.extui %ge3A_46 : i1 to i32
      %cond3A_48 = arith.constant 0 : i32
      %cond3A_49 = arith.cmpi ne, %convert_element_type3A_47, %cond3A_48 : i32
      scf.if %cond3A_49 {
        %sub3A = arith.constant 2 : i32
        %sub3A_67 = arith.subi %add3A_44, %sub3A : i32
        %mul3A_68 = arith.constant 80 : i32
        %mul3A_69 = arith.muli %sub3A_67, %mul3A_68 : i32
        %add3A_70 = arith.addi %mul3A_2, %mul3A_69 : i32
        %dma_wait3A_71 = arith.constant 0 : i32
        %dma_wait3A_72 = tpu.memref_slice %arg4[%add3A_70, %dma_wait3A_71] : memref<10240x512xf32, #tpu.memory_space<hbm>> -> memref<80x512xf32, #tpu.memory_space<hbm>>
        %dma_wait3A_73 = arith.constant 0 : i32
        %dma_wait3A_74 = tpu.memref_slice %arg4[%add3A_70, %dma_wait3A_73] : memref<10240x512xf32, #tpu.memory_space<hbm>> -> memref<80x512xf32, #tpu.memory_space<hbm>>
        tpu.wait_dma2 semaphore(%arg10 : memref<!tpu.dma_semaphore, #tpu.memory_space<semaphore_mem>>) src(%arg7 : memref<80x512xf32, #tpu.memory_space<vmem>>) dst(%dma_wait3A_74 : memref<80x512xf32, #tpu.memory_space<hbm>>)
      } else {
      }
      %mul3A_50 = arith.constant 80 : i32
      %mul3A_51 = arith.muli %add3A_44, %mul3A_50 : i32
      %dma_start3A_52 = tpu.memref_slice %arg5[%mul3A_51] : memref<320xi32, #tpu.memory_space<vmem>> -> memref<80xi32, #tpu.memory_space<vmem>>
      %dma_start3A_53 = arith.constant 0 : i32
      %dma_start3A_54 = arith.constant 0 : i32
      %dma_start3A_55 = tpu.memref_slice %arg2[%dma_start3A_53, %dma_start3A_54] : memref<100000x512xf32, #tpu.memory_space<hbm>> -> memref<100000x512xf32, #tpu.memory_space<hbm>>
      tpu.enqueue_indirect_dma source(%dma_start3A_55 : memref<100000x512xf32, #tpu.memory_space<hbm>>) target(%arg7 : memref<80x512xf32, #tpu.memory_space<vmem>>) offsets(%dma_start3A_52 : memref<80xi32, #tpu.memory_space<vmem>>) semaphore(%arg8 : memref<!tpu.dma_semaphore, #tpu.memory_space<semaphore_mem>>)
      %dma_wait3A_56 = tpu.memref_slice %arg5[%mul3A_51] : memref<320xi32, #tpu.memory_space<vmem>> -> memref<80xi32, #tpu.memory_space<vmem>>
      %dma_wait3A_57 = arith.constant 0 : i32
      %dma_wait3A_58 = arith.constant 0 : i32
      %dma_wait3A_59 = tpu.memref_slice %arg2[%dma_wait3A_57, %dma_wait3A_58] : memref<100000x512xf32, #tpu.memory_space<hbm>> -> memref<100000x512xf32, #tpu.memory_space<hbm>>
      tpu.wait_indirect_dma semaphore(%arg8 : memref<!tpu.dma_semaphore, #tpu.memory_space<semaphore_mem>>) src(%dma_wait3A_59 : memref<100000x512xf32, #tpu.memory_space<hbm>>) dst(%arg7 : memref<80x512xf32, #tpu.memory_space<vmem>>)
      %mul3A_60 = arith.constant 80 : i32
      %mul3A_61 = arith.muli %add3A_44, %mul3A_60 : i32
      %add3A_62 = arith.addi %mul3A_2, %mul3A_61 : i32
      %dma_start3A_63 = arith.constant 0 : i32
      %dma_start3A_64 = tpu.memref_slice %arg4[%add3A_62, %dma_start3A_63] : memref<10240x512xf32, #tpu.memory_space<hbm>> -> memref<80x512xf32, #tpu.memory_space<hbm>>
      %dma_start3A_65 = arith.constant 0 : i32
      %dma_start3A_66 = tpu.memref_slice %arg4[%add3A_62, %dma_start3A_65] : memref<10240x512xf32, #tpu.memory_space<hbm>> -> memref<80x512xf32, #tpu.memory_space<hbm>>
      tpu.enqueue_dma source(%arg7 : memref<80x512xf32, #tpu.memory_space<vmem>>) target(%dma_start3A_66 : memref<80x512xf32, #tpu.memory_space<hbm>>) target_semaphore(%arg10 : memref<!tpu.dma_semaphore, #tpu.memory_space<semaphore_mem>>)
    }
    %scan3A_6 = arith.constant 2 : i32
    %add3A_7 = arith.constant 160 : i32
    %add3A_8 = arith.addi %mul3A_2, %add3A_7 : i32
    %dma_wait3A = arith.constant 0 : i32
    %dma_wait3A_9 = tpu.memref_slice %arg4[%add3A_8, %dma_wait3A] : memref<10240x512xf32, #tpu.memory_space<hbm>> -> memref<80x512xf32, #tpu.memory_space<hbm>>
    %dma_wait3A_10 = arith.constant 0 : i32
    %dma_wait3A_11 = tpu.memref_slice %arg4[%add3A_8, %dma_wait3A_10] : memref<10240x512xf32, #tpu.memory_space<hbm>> -> memref<80x512xf32, #tpu.memory_space<hbm>>
    tpu.wait_dma2 semaphore(%arg9 : memref<!tpu.dma_semaphore, #tpu.memory_space<semaphore_mem>>) src(%arg6 : memref<80x512xf32, #tpu.memory_space<vmem>>) dst(%dma_wait3A_11 : memref<80x512xf32, #tpu.memory_space<hbm>>)
    %add3A_12 = arith.constant 240 : i32
    %add3A_13 = arith.addi %mul3A_2, %add3A_12 : i32
    %dma_wait3A_14 = arith.constant 0 : i32
    %dma_wait3A_15 = tpu.memref_slice %arg4[%add3A_13, %dma_wait3A_14] : memref<10240x512xf32, #tpu.memory_space<hbm>> -> memref<80x512xf32, #tpu.memory_space<hbm>>
    %dma_wait3A_16 = arith.constant 0 : i32
    %dma_wait3A_17 = tpu.memref_slice %arg4[%add3A_13, %dma_wait3A_16] : memref<10240x512xf32, #tpu.memory_space<hbm>> -> memref<80x512xf32, #tpu.memory_space<hbm>>
    tpu.wait_dma2 semaphore(%arg10 : memref<!tpu.dma_semaphore, #tpu.memory_space<semaphore_mem>>) src(%arg7 : memref<80x512xf32, #tpu.memory_space<vmem>>) dst(%dma_wait3A_17 : memref<80x512xf32, #tpu.memory_space<hbm>>)
    return
  }
}

module attributes {stable_mosaic.version = 14 : i64} {
  func.func @_tc_body_carry(%arg0: i32, %arg1: memref<50x1024x512xf32, #tpu.memory_space<any>>, %arg2: memref<1024x512xf32, #tpu.memory_space<vmem>>, %arg3: memref<1x1x1024xi32, #tpu.memory_space<vmem>>, %arg4: memref<1x32x1024xf32, #tpu.memory_space<vmem>>, %arg5: memref<64x512xf32, #tpu.memory_space<vmem>>, %arg6: memref<32x512xf32, #tpu.memory_space<vmem>>, %arg7: memref<1x512xf32, #tpu.memory_space<vmem>>, %arg8: memref<1x512xf32, #tpu.memory_space<vmem>>, %arg9: memref<1x1024x512xf32, #tpu.memory_space<vmem>>) attributes {dimension_semantics = [#tpu.dimension_semantics<arbitrary>], iteration_bounds = array<i64: 10>, scalar_prefetch = 0 : i64, scratch_operands = 0 : i64, tpu.core_type = #tpu.core_type<tc>, window_params = [{}, {transform_indices = @transform_1, window_bounds = array<i64: 1024, 512>}, {transform_indices = @transform_2, window_bounds = array<i64: 1, 1, 1024>}, {transform_indices = @transform_3, window_bounds = array<i64: 1, 32, 1024>}, {pipeline_mode = #tpu.pipeline_mode<synchronous>, transform_indices = @transform_4, window_bounds = array<i64: 64, 512>}, {pipeline_mode = #tpu.pipeline_mode<synchronous>, transform_indices = @transform_5, window_bounds = array<i64: 32, 512>}, {pipeline_mode = #tpu.pipeline_mode<synchronous>, transform_indices = @transform_6, window_bounds = array<i64: 1, 512>}, {pipeline_mode = #tpu.pipeline_mode<synchronous>, transform_indices = @transform_7, window_bounds = array<i64: 1, 512>}, {transform_indices = @transform_8, window_bounds = array<i64: 1, 1024, 512>}]} {
    %get3A = arith.constant 0 : index
    %get3A_0 = arith.constant 0 : index
    %get3A_1 = vector.load %arg2[%get3A, %get3A_0] : memref<1024x512xf32, #tpu.memory_space<vmem>>, vector<1024x512xf32>
    %get3A_2 = arith.constant 0 : index
    %get3A_3 = arith.constant 0 : index
    %get3A_4 = arith.constant 0 : index
    %get3A_5 = vector.load %arg3[%get3A_2, %get3A_3, %get3A_4] : memref<1x1x1024xi32, #tpu.memory_space<vmem>>, vector<1x1x1024xi32>
    %get3A_6 = vector.shape_cast %get3A_5 : vector<1x1x1024xi32> to vector<1x1024xi32>
    %iota3A = tpu.iota {dimensions = array<i32: 0>} : vector<64x1024xi32>
    %eq3A = vector.broadcast %get3A_6 : vector<1x1024xi32> to vector<64x1024xi32>
    %eq3A_7 = arith.cmpi eq, %eq3A, %iota3A : vector<64x1024xi32>
    %convert_element_type3A = arith.extui %eq3A_7 : vector<64x1024xi1> to vector<64x1024xi32>
    %convert_element_type3A_8 = arith.sitofp %convert_element_type3A : vector<64x1024xi32> to vector<64x1024xf32>
    %get3A_9 = arith.constant 0 : index
    %get3A_10 = arith.constant 0 : index
    %get3A_11 = vector.load %arg5[%get3A_9, %get3A_10] : memref<64x512xf32, #tpu.memory_space<vmem>>, vector<64x512xf32>
    %dot_general3A = arith.constant dense<0.000000e+00> : vector<1024x512xf32>
    %dot_general3A_12 = tpu.matmul %convert_element_type3A_8, %get3A_11, %dot_general3A {dimension_numbers = #tpu.dot_dimension_numbers<[0], [0], [1], [1], [0, 1, 1, 1], [], []>, transpose_lhs_hint = false} : vector<64x1024xf32>, vector<64x512xf32>, vector<1024x512xf32> -> vector<1024x512xf32>
    %add3A = arith.addf %get3A_1, %dot_general3A_12 : vector<1024x512xf32>
    %get3A_13 = arith.constant 0 : index
    %get3A_14 = arith.constant 0 : index
    %get3A_15 = arith.constant 0 : index
    %get3A_16 = vector.load %arg4[%get3A_13, %get3A_14, %get3A_15] : memref<1x32x1024xf32, #tpu.memory_space<vmem>>, vector<1x32x1024xf32>
    %get3A_17 = vector.shape_cast %get3A_16 : vector<1x32x1024xf32> to vector<32x1024xf32>
    %get3A_18 = arith.constant 0 : index
    %get3A_19 = arith.constant 0 : index
    %get3A_20 = vector.load %arg6[%get3A_18, %get3A_19] : memref<32x512xf32, #tpu.memory_space<vmem>>, vector<32x512xf32>
    %dot_general3A_21 = arith.constant dense<0.000000e+00> : vector<1024x512xf32>
    %dot_general3A_22 = tpu.matmul %get3A_17, %get3A_20, %dot_general3A_21 {dimension_numbers = #tpu.dot_dimension_numbers<[0], [0], [1], [1], [0, 1, 1, 1], [], []>, transpose_lhs_hint = false} : vector<32x1024xf32>, vector<32x512xf32>, vector<1024x512xf32> -> vector<1024x512xf32>
    %add3A_23 = arith.addf %add3A, %dot_general3A_22 : vector<1024x512xf32>
    %reduce_sum3A = arith.constant dense<0.000000e+00> : vector<1024xf32>
    %reduce_sum3A_24 = vector.multi_reduction <add>, %add3A_23, %reduce_sum3A [1] : vector<1024x512xf32> to vector<1024xf32>
    %broadcast_in_dim3A = vector.shape_cast %reduce_sum3A_24 : vector<1024xf32> to vector<1024x1xf32>
    %div3A = arith.constant 5.120000e+02 : f32
    %div3A_25 = vector.broadcast %div3A : f32 to vector<1024x1xf32>
    %div3A_26 = arith.divf %broadcast_in_dim3A, %div3A_25 : vector<1024x1xf32>
    %sub3A = vector.broadcast %div3A_26 : vector<1024x1xf32> to vector<1024x512xf32>
    %sub3A_27 = arith.subf %add3A_23, %sub3A : vector<1024x512xf32>
    %mul3A = arith.mulf %sub3A_27, %sub3A_27 : vector<1024x512xf32>
    %reduce_sum3A_28 = arith.constant dense<0.000000e+00> : vector<1024xf32>
    %reduce_sum3A_29 = vector.multi_reduction <add>, %mul3A, %reduce_sum3A_28 [1] : vector<1024x512xf32> to vector<1024xf32>
    %broadcast_in_dim3A_30 = vector.shape_cast %reduce_sum3A_29 : vector<1024xf32> to vector<1024x1xf32>
    %div3A_31 = arith.constant 5.120000e+02 : f32
    %div3A_32 = vector.broadcast %div3A_31 : f32 to vector<1024x1xf32>
    %div3A_33 = arith.divf %broadcast_in_dim3A_30, %div3A_32 : vector<1024x1xf32>
    %add3A_34 = arith.constant 9.99999974E-6 : f32
    %add3A_35 = vector.broadcast %add3A_34 : f32 to vector<1024x1xf32>
    %add3A_36 = arith.addf %div3A_33, %add3A_35 : vector<1024x1xf32>
    %rsqrt3A = math.rsqrt %add3A_36 : vector<1024x1xf32>
    %mul3A_37 = vector.broadcast %rsqrt3A : vector<1024x1xf32> to vector<1024x512xf32>
    %mul3A_38 = arith.mulf %sub3A_27, %mul3A_37 : vector<1024x512xf32>
    %get3A_39 = arith.constant 0 : index
    %get3A_40 = arith.constant 0 : index
    %get3A_41 = vector.load %arg7[%get3A_39, %get3A_40] : memref<1x512xf32, #tpu.memory_space<vmem>>, vector<1x512xf32>
    %mul3A_42 = vector.broadcast %get3A_41 : vector<1x512xf32> to vector<1024x512xf32>
    %mul3A_43 = arith.mulf %mul3A_38, %mul3A_42 : vector<1024x512xf32>
    %get3A_44 = arith.constant 0 : index
    %get3A_45 = arith.constant 0 : index
    %get3A_46 = vector.load %arg8[%get3A_44, %get3A_45] : memref<1x512xf32, #tpu.memory_space<vmem>>, vector<1x512xf32>
    %add3A_47 = vector.broadcast %get3A_46 : vector<1x512xf32> to vector<1024x512xf32>
    %add3A_48 = arith.addf %mul3A_43, %add3A_47 : vector<1024x512xf32>
    %swap3A = arith.constant 0 : index
    %swap3A_49 = arith.constant 0 : index
    %swap3A_50 = arith.constant 0 : index
    %swap3A_51 = vector.load %arg9[%swap3A, %swap3A_49, %swap3A_50] : memref<1x1024x512xf32, #tpu.memory_space<vmem>>, vector<1x1024x512xf32>
    %swap3A_52 = vector.shape_cast %swap3A_51 : vector<1x1024x512xf32> to vector<1024x512xf32>
    %swap3A_53 = vector.shape_cast %add3A_48 : vector<1024x512xf32> to vector<1x1024x512xf32>
    tpu.vector_store %arg9[%swap3A, %swap3A_49, %swap3A_50], %swap3A_53 {strides = array<i32>} : memref<1x1024x512xf32, #tpu.memory_space<vmem>>, vector<1x1024x512xf32>,
    return
  }
  func.func @transform_1(%arg0: i32) -> (i32, i32) {
    %c0_i32 = arith.constant 0 : i32
    %c0_i32_0 = arith.constant 0 : i32
    return %arg0, %c0_i32 : i32, i32
  }
  func.func @transform_2(%arg0: i32) -> (i32, i32, i32) {
    %add3A = arith.constant 10 : i32
    %add3A_0 = arith.addi %add3A, %arg0 : i32
    %c0_i32 = arith.constant 0 : i32
    %c0_i32_1 = arith.constant 0 : i32
    %c0_i32_2 = arith.constant 0 : i32
    return %add3A_0, %c0_i32, %c0_i32_1 : i32, i32, i32
  }
  func.func @transform_3(%arg0: i32) -> (i32, i32, i32) {
    %add3A = arith.constant 10 : i32
    %add3A_0 = arith.addi %add3A, %arg0 : i32
    %c0_i32 = arith.constant 0 : i32
    %c0_i32_1 = arith.constant 0 : i32
    %c0_i32_2 = arith.constant 0 : i32
    return %add3A_0, %c0_i32, %c0_i32_1 : i32, i32, i32
  }
  func.func @transform_4(%arg0: i32) -> (i32, i32) {
    %c0_i32 = arith.constant 0 : i32
    %c0_i32_0 = arith.constant 0 : i32
    %c0_i32_1 = arith.constant 0 : i32
    return %c0_i32, %c0_i32_0 : i32, i32
  }
  func.func @transform_5(%arg0: i32) -> (i32, i32) {
    %c0_i32 = arith.constant 0 : i32
    %c0_i32_0 = arith.constant 0 : i32
    %c0_i32_1 = arith.constant 0 : i32
    return %c0_i32, %c0_i32_0 : i32, i32
  }
  func.func @transform_6(%arg0: i32) -> (i32, i32) {
    %c0_i32 = arith.constant 0 : i32
    %c0_i32_0 = arith.constant 0 : i32
    %c0_i32_1 = arith.constant 0 : i32
    return %c0_i32, %c0_i32_0 : i32, i32
  }
  func.func @transform_7(%arg0: i32) -> (i32, i32) {
    %c0_i32 = arith.constant 0 : i32
    %c0_i32_0 = arith.constant 0 : i32
    %c0_i32_1 = arith.constant 0 : i32
    return %c0_i32, %c0_i32_0 : i32, i32
  }
  func.func @transform_8(%arg0: i32) -> (i32, i32, i32) {
    %add3A = arith.constant 10 : i32
    %add3A_0 = arith.addi %add3A, %arg0 : i32
    %c0_i32 = arith.constant 0 : i32
    %c0_i32_1 = arith.constant 0 : i32
    %c0_i32_2 = arith.constant 0 : i32
    return %add3A_0, %c0_i32, %c0_i32_1 : i32, i32, i32
  }
}

module attributes {stable_mosaic.version = 14 : i64} {
  func.func @_tc_body_carry(%arg0: i32, %arg1: memref<50x1024x512xf32, #tpu.memory_space<any>>, %arg2: memref<1024x512xf32, #tpu.memory_space<vmem>>, %arg3: memref<1x1x1024xi32, #tpu.memory_space<vmem>>, %arg4: memref<1x32x1024xf32, #tpu.memory_space<vmem>>, %arg5: memref<64x512xf32, #tpu.memory_space<vmem>>, %arg6: memref<32x512xf32, #tpu.memory_space<vmem>>, %arg7: memref<1x512xf32, #tpu.memory_space<vmem>>, %arg8: memref<1x512xf32, #tpu.memory_space<vmem>>, %arg9: memref<1x1024x512xf32, #tpu.memory_space<vmem>>) attributes {dimension_semantics = [#tpu.dimension_semantics<arbitrary>], iteration_bounds = array<i64: 10>, scalar_prefetch = 0 : i64, scratch_operands = 0 : i64, tpu.core_type = #tpu.core_type<tc>, window_params = [{}, {transform_indices = @transform_1, window_bounds = array<i64: 1024, 512>}, {transform_indices = @transform_2, window_bounds = array<i64: 1, 1, 1024>}, {transform_indices = @transform_3, window_bounds = array<i64: 1, 32, 1024>}, {pipeline_mode = #tpu.pipeline_mode<synchronous>, transform_indices = @transform_4, window_bounds = array<i64: 64, 512>}, {pipeline_mode = #tpu.pipeline_mode<synchronous>, transform_indices = @transform_5, window_bounds = array<i64: 32, 512>}, {pipeline_mode = #tpu.pipeline_mode<synchronous>, transform_indices = @transform_6, window_bounds = array<i64: 1, 512>}, {pipeline_mode = #tpu.pipeline_mode<synchronous>, transform_indices = @transform_7, window_bounds = array<i64: 1, 512>}, {transform_indices = @transform_8, window_bounds = array<i64: 1, 1024, 512>}]} {
    %get3A = arith.constant 0 : index
    %get3A_0 = arith.constant 0 : index
    %get3A_1 = vector.load %arg2[%get3A, %get3A_0] : memref<1024x512xf32, #tpu.memory_space<vmem>>, vector<1024x512xf32>
    %get3A_2 = arith.constant 0 : index
    %get3A_3 = arith.constant 0 : index
    %get3A_4 = arith.constant 0 : index
    %get3A_5 = vector.load %arg3[%get3A_2, %get3A_3, %get3A_4] : memref<1x1x1024xi32, #tpu.memory_space<vmem>>, vector<1x1x1024xi32>
    %get3A_6 = vector.shape_cast %get3A_5 : vector<1x1x1024xi32> to vector<1x1024xi32>
    %iota3A = tpu.iota {dimensions = array<i32: 0>} : vector<64x1024xi32>
    %eq3A = vector.broadcast %get3A_6 : vector<1x1024xi32> to vector<64x1024xi32>
    %eq3A_7 = arith.cmpi eq, %eq3A, %iota3A : vector<64x1024xi32>
    %convert_element_type3A = arith.extui %eq3A_7 : vector<64x1024xi1> to vector<64x1024xi32>
    %convert_element_type3A_8 = arith.sitofp %convert_element_type3A : vector<64x1024xi32> to vector<64x1024xf32>
    %get3A_9 = arith.constant 0 : index
    %get3A_10 = arith.constant 0 : index
    %get3A_11 = vector.load %arg5[%get3A_9, %get3A_10] : memref<64x512xf32, #tpu.memory_space<vmem>>, vector<64x512xf32>
    %dot_general3A = arith.constant dense<0.000000e+00> : vector<1024x512xf32>
    %dot_general3A_12 = tpu.matmul %convert_element_type3A_8, %get3A_11, %dot_general3A {dimension_numbers = #tpu.dot_dimension_numbers<[0], [0], [1], [1], [0, 1, 1, 1], [], []>, transpose_lhs_hint = false} : vector<64x1024xf32>, vector<64x512xf32>, vector<1024x512xf32> -> vector<1024x512xf32>
    %add3A = arith.addf %get3A_1, %dot_general3A_12 : vector<1024x512xf32>
    %get3A_13 = arith.constant 0 : index
    %get3A_14 = arith.constant 0 : index
    %get3A_15 = arith.constant 0 : index
    %get3A_16 = vector.load %arg4[%get3A_13, %get3A_14, %get3A_15] : memref<1x32x1024xf32, #tpu.memory_space<vmem>>, vector<1x32x1024xf32>
    %get3A_17 = vector.shape_cast %get3A_16 : vector<1x32x1024xf32> to vector<32x1024xf32>
    %get3A_18 = arith.constant 0 : index
    %get3A_19 = arith.constant 0 : index
    %get3A_20 = vector.load %arg6[%get3A_18, %get3A_19] : memref<32x512xf32, #tpu.memory_space<vmem>>, vector<32x512xf32>
    %dot_general3A_21 = arith.constant dense<0.000000e+00> : vector<1024x512xf32>
    %dot_general3A_22 = tpu.matmul %get3A_17, %get3A_20, %dot_general3A_21 {dimension_numbers = #tpu.dot_dimension_numbers<[0], [0], [1], [1], [0, 1, 1, 1], [], []>, transpose_lhs_hint = false} : vector<32x1024xf32>, vector<32x512xf32>, vector<1024x512xf32> -> vector<1024x512xf32>
    %add3A_23 = arith.addf %add3A, %dot_general3A_22 : vector<1024x512xf32>
    %reduce_sum3A = arith.constant dense<0.000000e+00> : vector<1024xf32>
    %reduce_sum3A_24 = vector.multi_reduction <add>, %add3A_23, %reduce_sum3A [1] : vector<1024x512xf32> to vector<1024xf32>
    %broadcast_in_dim3A = vector.shape_cast %reduce_sum3A_24 : vector<1024xf32> to vector<1024x1xf32>
    %div3A = arith.constant 5.120000e+02 : f32
    %div3A_25 = vector.broadcast %div3A : f32 to vector<1024x1xf32>
    %div3A_26 = arith.divf %broadcast_in_dim3A, %div3A_25 : vector<1024x1xf32>
    %sub3A = vector.broadcast %div3A_26 : vector<1024x1xf32> to vector<1024x512xf32>
    %sub3A_27 = arith.subf %add3A_23, %sub3A : vector<1024x512xf32>
    %mul3A = arith.mulf %sub3A_27, %sub3A_27 : vector<1024x512xf32>
    %reduce_sum3A_28 = arith.constant dense<0.000000e+00> : vector<1024xf32>
    %reduce_sum3A_29 = vector.multi_reduction <add>, %mul3A, %reduce_sum3A_28 [1] : vector<1024x512xf32> to vector<1024xf32>
    %broadcast_in_dim3A_30 = vector.shape_cast %reduce_sum3A_29 : vector<1024xf32> to vector<1024x1xf32>
    %div3A_31 = arith.constant 5.120000e+02 : f32
    %div3A_32 = vector.broadcast %div3A_31 : f32 to vector<1024x1xf32>
    %div3A_33 = arith.divf %broadcast_in_dim3A_30, %div3A_32 : vector<1024x1xf32>
    %add3A_34 = arith.constant 9.99999974E-6 : f32
    %add3A_35 = vector.broadcast %add3A_34 : f32 to vector<1024x1xf32>
    %add3A_36 = arith.addf %div3A_33, %add3A_35 : vector<1024x1xf32>
    %rsqrt3A = math.rsqrt %add3A_36 : vector<1024x1xf32>
    %mul3A_37 = vector.broadcast %rsqrt3A : vector<1024x1xf32> to vector<1024x512xf32>
    %mul3A_38 = arith.mulf %sub3A_27, %mul3A_37 : vector<1024x512xf32>
    %get3A_39 = arith.constant 0 : index
    %get3A_40 = arith.constant 0 : index
    %get3A_41 = vector.load %arg7[%get3A_39, %get3A_40] : memref<1x512xf32, #tpu.memory_space<vmem>>, vector<1x512xf32>
    %mul3A_42 = vector.broadcast %get3A_41 : vector<1x512xf32> to vector<1024x512xf32>
    %mul3A_43 = arith.mulf %mul3A_38, %mul3A_42 : vector<1024x512xf32>
    %get3A_44 = arith.constant 0 : index
    %get3A_45 = arith.constant 0 : index
    %get3A_46 = vector.load %arg8[%get3A_44, %get3A_45] : memref<1x512xf32, #tpu.memory_space<vmem>>, vector<1x512xf32>
    %add3A_47 = vector.broadcast %get3A_46 : vector<1x512xf32> to vector<1024x512xf32>
    %add3A_48 = arith.addf %mul3A_43, %add3A_47 : vector<1024x512xf32>
    %swap3A = arith.constant 0 : index
    %swap3A_49 = arith.constant 0 : index
    %swap3A_50 = arith.constant 0 : index
    %swap3A_51 = vector.load %arg9[%swap3A, %swap3A_49, %swap3A_50] : memref<1x1024x512xf32, #tpu.memory_space<vmem>>, vector<1x1024x512xf32>
    %swap3A_52 = vector.shape_cast %swap3A_51 : vector<1x1024x512xf32> to vector<1024x512xf32>
    %swap3A_53 = vector.shape_cast %add3A_48 : vector<1024x512xf32> to vector<1x1024x512xf32>
    tpu.vector_store %arg9[%swap3A, %swap3A_49, %swap3A_50], %swap3A_53 {strides = array<i32>} : memref<1x1024x512xf32, #tpu.memory_space<vmem>>, vector<1x1024x512xf32>,
    return
  }
  func.func @transform_1(%arg0: i32) -> (i32, i32) {
    %c0_i32 = arith.constant 0 : i32
    %c0_i32_0 = arith.constant 0 : i32
    return %arg0, %c0_i32 : i32, i32
  }
  func.func @transform_2(%arg0: i32) -> (i32, i32, i32) {
    %add3A = arith.constant 20 : i32
    %add3A_0 = arith.addi %add3A, %arg0 : i32
    %c0_i32 = arith.constant 0 : i32
    %c0_i32_1 = arith.constant 0 : i32
    %c0_i32_2 = arith.constant 0 : i32
    return %add3A_0, %c0_i32, %c0_i32_1 : i32, i32, i32
  }
  func.func @transform_3(%arg0: i32) -> (i32, i32, i32) {
    %add3A = arith.constant 20 : i32
    %add3A_0 = arith.addi %add3A, %arg0 : i32
    %c0_i32 = arith.constant 0 : i32
    %c0_i32_1 = arith.constant 0 : i32
    %c0_i32_2 = arith.constant 0 : i32
    return %add3A_0, %c0_i32, %c0_i32_1 : i32, i32, i32
  }
  func.func @transform_4(%arg0: i32) -> (i32, i32) {
    %c0_i32 = arith.constant 0 : i32
    %c0_i32_0 = arith.constant 0 : i32
    %c0_i32_1 = arith.constant 0 : i32
    return %c0_i32, %c0_i32_0 : i32, i32
  }
  func.func @transform_5(%arg0: i32) -> (i32, i32) {
    %c0_i32 = arith.constant 0 : i32
    %c0_i32_0 = arith.constant 0 : i32
    %c0_i32_1 = arith.constant 0 : i32
    return %c0_i32, %c0_i32_0 : i32, i32
  }
  func.func @transform_6(%arg0: i32) -> (i32, i32) {
    %c0_i32 = arith.constant 0 : i32
    %c0_i32_0 = arith.constant 0 : i32
    %c0_i32_1 = arith.constant 0 : i32
    return %c0_i32, %c0_i32_0 : i32, i32
  }
  func.func @transform_7(%arg0: i32) -> (i32, i32) {
    %c0_i32 = arith.constant 0 : i32
    %c0_i32_0 = arith.constant 0 : i32
    %c0_i32_1 = arith.constant 0 : i32
    return %c0_i32, %c0_i32_0 : i32, i32
  }
  func.func @transform_8(%arg0: i32) -> (i32, i32, i32) {
    %add3A = arith.constant 20 : i32
    %add3A_0 = arith.addi %add3A, %arg0 : i32
    %c0_i32 = arith.constant 0 : i32
    %c0_i32_1 = arith.constant 0 : i32
    %c0_i32_2 = arith.constant 0 : i32
    return %add3A_0, %c0_i32, %c0_i32_1 : i32, i32, i32
  }
}

module attributes {stable_mosaic.version = 14 : i64} {
  func.func @_tc_body_carry(%arg0: i32, %arg1: memref<50x1024x512xf32, #tpu.memory_space<any>>, %arg2: memref<1024x512xf32, #tpu.memory_space<vmem>>, %arg3: memref<1x1x1024xi32, #tpu.memory_space<vmem>>, %arg4: memref<1x32x1024xf32, #tpu.memory_space<vmem>>, %arg5: memref<64x512xf32, #tpu.memory_space<vmem>>, %arg6: memref<32x512xf32, #tpu.memory_space<vmem>>, %arg7: memref<1x512xf32, #tpu.memory_space<vmem>>, %arg8: memref<1x512xf32, #tpu.memory_space<vmem>>, %arg9: memref<1x1024x512xf32, #tpu.memory_space<vmem>>) attributes {dimension_semantics = [#tpu.dimension_semantics<arbitrary>], iteration_bounds = array<i64: 10>, scalar_prefetch = 0 : i64, scratch_operands = 0 : i64, tpu.core_type = #tpu.core_type<tc>, window_params = [{}, {transform_indices = @transform_1, window_bounds = array<i64: 1024, 512>}, {transform_indices = @transform_2, window_bounds = array<i64: 1, 1, 1024>}, {transform_indices = @transform_3, window_bounds = array<i64: 1, 32, 1024>}, {pipeline_mode = #tpu.pipeline_mode<synchronous>, transform_indices = @transform_4, window_bounds = array<i64: 64, 512>}, {pipeline_mode = #tpu.pipeline_mode<synchronous>, transform_indices = @transform_5, window_bounds = array<i64: 32, 512>}, {pipeline_mode = #tpu.pipeline_mode<synchronous>, transform_indices = @transform_6, window_bounds = array<i64: 1, 512>}, {pipeline_mode = #tpu.pipeline_mode<synchronous>, transform_indices = @transform_7, window_bounds = array<i64: 1, 512>}, {transform_indices = @transform_8, window_bounds = array<i64: 1, 1024, 512>}]} {
    %get3A = arith.constant 0 : index
    %get3A_0 = arith.constant 0 : index
    %get3A_1 = vector.load %arg2[%get3A, %get3A_0] : memref<1024x512xf32, #tpu.memory_space<vmem>>, vector<1024x512xf32>
    %get3A_2 = arith.constant 0 : index
    %get3A_3 = arith.constant 0 : index
    %get3A_4 = arith.constant 0 : index
    %get3A_5 = vector.load %arg3[%get3A_2, %get3A_3, %get3A_4] : memref<1x1x1024xi32, #tpu.memory_space<vmem>>, vector<1x1x1024xi32>
    %get3A_6 = vector.shape_cast %get3A_5 : vector<1x1x1024xi32> to vector<1x1024xi32>
    %iota3A = tpu.iota {dimensions = array<i32: 0>} : vector<64x1024xi32>
    %eq3A = vector.broadcast %get3A_6 : vector<1x1024xi32> to vector<64x1024xi32>
    %eq3A_7 = arith.cmpi eq, %eq3A, %iota3A : vector<64x1024xi32>
    %convert_element_type3A = arith.extui %eq3A_7 : vector<64x1024xi1> to vector<64x1024xi32>
    %convert_element_type3A_8 = arith.sitofp %convert_element_type3A : vector<64x1024xi32> to vector<64x1024xf32>
    %get3A_9 = arith.constant 0 : index
    %get3A_10 = arith.constant 0 : index
    %get3A_11 = vector.load %arg5[%get3A_9, %get3A_10] : memref<64x512xf32, #tpu.memory_space<vmem>>, vector<64x512xf32>
    %dot_general3A = arith.constant dense<0.000000e+00> : vector<1024x512xf32>
    %dot_general3A_12 = tpu.matmul %convert_element_type3A_8, %get3A_11, %dot_general3A {dimension_numbers = #tpu.dot_dimension_numbers<[0], [0], [1], [1], [0, 1, 1, 1], [], []>, transpose_lhs_hint = false} : vector<64x1024xf32>, vector<64x512xf32>, vector<1024x512xf32> -> vector<1024x512xf32>
    %add3A = arith.addf %get3A_1, %dot_general3A_12 : vector<1024x512xf32>
    %get3A_13 = arith.constant 0 : index
    %get3A_14 = arith.constant 0 : index
    %get3A_15 = arith.constant 0 : index
    %get3A_16 = vector.load %arg4[%get3A_13, %get3A_14, %get3A_15] : memref<1x32x1024xf32, #tpu.memory_space<vmem>>, vector<1x32x1024xf32>
    %get3A_17 = vector.shape_cast %get3A_16 : vector<1x32x1024xf32> to vector<32x1024xf32>
    %get3A_18 = arith.constant 0 : index
    %get3A_19 = arith.constant 0 : index
    %get3A_20 = vector.load %arg6[%get3A_18, %get3A_19] : memref<32x512xf32, #tpu.memory_space<vmem>>, vector<32x512xf32>
    %dot_general3A_21 = arith.constant dense<0.000000e+00> : vector<1024x512xf32>
    %dot_general3A_22 = tpu.matmul %get3A_17, %get3A_20, %dot_general3A_21 {dimension_numbers = #tpu.dot_dimension_numbers<[0], [0], [1], [1], [0, 1, 1, 1], [], []>, transpose_lhs_hint = false} : vector<32x1024xf32>, vector<32x512xf32>, vector<1024x512xf32> -> vector<1024x512xf32>
    %add3A_23 = arith.addf %add3A, %dot_general3A_22 : vector<1024x512xf32>
    %reduce_sum3A = arith.constant dense<0.000000e+00> : vector<1024xf32>
    %reduce_sum3A_24 = vector.multi_reduction <add>, %add3A_23, %reduce_sum3A [1] : vector<1024x512xf32> to vector<1024xf32>
    %broadcast_in_dim3A = vector.shape_cast %reduce_sum3A_24 : vector<1024xf32> to vector<1024x1xf32>
    %div3A = arith.constant 5.120000e+02 : f32
    %div3A_25 = vector.broadcast %div3A : f32 to vector<1024x1xf32>
    %div3A_26 = arith.divf %broadcast_in_dim3A, %div3A_25 : vector<1024x1xf32>
    %sub3A = vector.broadcast %div3A_26 : vector<1024x1xf32> to vector<1024x512xf32>
    %sub3A_27 = arith.subf %add3A_23, %sub3A : vector<1024x512xf32>
    %mul3A = arith.mulf %sub3A_27, %sub3A_27 : vector<1024x512xf32>
    %reduce_sum3A_28 = arith.constant dense<0.000000e+00> : vector<1024xf32>
    %reduce_sum3A_29 = vector.multi_reduction <add>, %mul3A, %reduce_sum3A_28 [1] : vector<1024x512xf32> to vector<1024xf32>
    %broadcast_in_dim3A_30 = vector.shape_cast %reduce_sum3A_29 : vector<1024xf32> to vector<1024x1xf32>
    %div3A_31 = arith.constant 5.120000e+02 : f32
    %div3A_32 = vector.broadcast %div3A_31 : f32 to vector<1024x1xf32>
    %div3A_33 = arith.divf %broadcast_in_dim3A_30, %div3A_32 : vector<1024x1xf32>
    %add3A_34 = arith.constant 9.99999974E-6 : f32
    %add3A_35 = vector.broadcast %add3A_34 : f32 to vector<1024x1xf32>
    %add3A_36 = arith.addf %div3A_33, %add3A_35 : vector<1024x1xf32>
    %rsqrt3A = math.rsqrt %add3A_36 : vector<1024x1xf32>
    %mul3A_37 = vector.broadcast %rsqrt3A : vector<1024x1xf32> to vector<1024x512xf32>
    %mul3A_38 = arith.mulf %sub3A_27, %mul3A_37 : vector<1024x512xf32>
    %get3A_39 = arith.constant 0 : index
    %get3A_40 = arith.constant 0 : index
    %get3A_41 = vector.load %arg7[%get3A_39, %get3A_40] : memref<1x512xf32, #tpu.memory_space<vmem>>, vector<1x512xf32>
    %mul3A_42 = vector.broadcast %get3A_41 : vector<1x512xf32> to vector<1024x512xf32>
    %mul3A_43 = arith.mulf %mul3A_38, %mul3A_42 : vector<1024x512xf32>
    %get3A_44 = arith.constant 0 : index
    %get3A_45 = arith.constant 0 : index
    %get3A_46 = vector.load %arg8[%get3A_44, %get3A_45] : memref<1x512xf32, #tpu.memory_space<vmem>>, vector<1x512xf32>
    %add3A_47 = vector.broadcast %get3A_46 : vector<1x512xf32> to vector<1024x512xf32>
    %add3A_48 = arith.addf %mul3A_43, %add3A_47 : vector<1024x512xf32>
    %swap3A = arith.constant 0 : index
    %swap3A_49 = arith.constant 0 : index
    %swap3A_50 = arith.constant 0 : index
    %swap3A_51 = vector.load %arg9[%swap3A, %swap3A_49, %swap3A_50] : memref<1x1024x512xf32, #tpu.memory_space<vmem>>, vector<1x1024x512xf32>
    %swap3A_52 = vector.shape_cast %swap3A_51 : vector<1x1024x512xf32> to vector<1024x512xf32>
    %swap3A_53 = vector.shape_cast %add3A_48 : vector<1024x512xf32> to vector<1x1024x512xf32>
    tpu.vector_store %arg9[%swap3A, %swap3A_49, %swap3A_50], %swap3A_53 {strides = array<i32>} : memref<1x1024x512xf32, #tpu.memory_space<vmem>>, vector<1x1024x512xf32>,
    return
  }
  func.func @transform_1(%arg0: i32) -> (i32, i32) {
    %c0_i32 = arith.constant 0 : i32
    %c0_i32_0 = arith.constant 0 : i32
    return %arg0, %c0_i32 : i32, i32
  }
  func.func @transform_2(%arg0: i32) -> (i32, i32, i32) {
    %add3A = arith.constant 30 : i32
    %add3A_0 = arith.addi %add3A, %arg0 : i32
    %c0_i32 = arith.constant 0 : i32
    %c0_i32_1 = arith.constant 0 : i32
    %c0_i32_2 = arith.constant 0 : i32
    return %add3A_0, %c0_i32, %c0_i32_1 : i32, i32, i32
  }
  func.func @transform_3(%arg0: i32) -> (i32, i32, i32) {
    %add3A = arith.constant 30 : i32
    %add3A_0 = arith.addi %add3A, %arg0 : i32
    %c0_i32 = arith.constant 0 : i32
    %c0_i32_1 = arith.constant 0 : i32
    %c0_i32_2 = arith.constant 0 : i32
    return %add3A_0, %c0_i32, %c0_i32_1 : i32, i32, i32
  }
  func.func @transform_4(%arg0: i32) -> (i32, i32) {
    %c0_i32 = arith.constant 0 : i32
    %c0_i32_0 = arith.constant 0 : i32
    %c0_i32_1 = arith.constant 0 : i32
    return %c0_i32, %c0_i32_0 : i32, i32
  }
  func.func @transform_5(%arg0: i32) -> (i32, i32) {
    %c0_i32 = arith.constant 0 : i32
    %c0_i32_0 = arith.constant 0 : i32
    %c0_i32_1 = arith.constant 0 : i32
    return %c0_i32, %c0_i32_0 : i32, i32
  }
  func.func @transform_6(%arg0: i32) -> (i32, i32) {
    %c0_i32 = arith.constant 0 : i32
    %c0_i32_0 = arith.constant 0 : i32
    %c0_i32_1 = arith.constant 0 : i32
    return %c0_i32, %c0_i32_0 : i32, i32
  }
  func.func @transform_7(%arg0: i32) -> (i32, i32) {
    %c0_i32 = arith.constant 0 : i32
    %c0_i32_0 = arith.constant 0 : i32
    %c0_i32_1 = arith.constant 0 : i32
    return %c0_i32, %c0_i32_0 : i32, i32
  }
  func.func @transform_8(%arg0: i32) -> (i32, i32, i32) {
    %add3A = arith.constant 30 : i32
    %add3A_0 = arith.addi %add3A, %arg0 : i32
    %c0_i32 = arith.constant 0 : i32
    %c0_i32_1 = arith.constant 0 : i32
    %c0_i32_2 = arith.constant 0 : i32
    return %add3A_0, %c0_i32, %c0_i32_1 : i32, i32, i32
  }
}

module attributes {stable_mosaic.version = 14 : i64} {
  func.func @_tc_body(%arg0: i32, %arg1: memref<1024x512xf32, #tpu.memory_space<vmem>>, %arg2: memref<1x1x1024xi32, #tpu.memory_space<vmem>>, %arg3: memref<1x32x1024xf32, #tpu.memory_space<vmem>>, %arg4: memref<64x512xf32, #tpu.memory_space<vmem>>, %arg5: memref<32x512xf32, #tpu.memory_space<vmem>>, %arg6: memref<1x512xf32, #tpu.memory_space<vmem>>, %arg7: memref<1x512xf32, #tpu.memory_space<vmem>>, %arg8: memref<1x1024x512xf32, #tpu.memory_space<vmem>>) attributes {dimension_semantics = [#tpu.dimension_semantics<arbitrary>], iteration_bounds = array<i64: 10>, scalar_prefetch = 0 : i64, scratch_operands = 0 : i64, tpu.core_type = #tpu.core_type<tc>, window_params = [{transform_indices = @transform_0, window_bounds = array<i64: 1024, 512>}, {transform_indices = @transform_1, window_bounds = array<i64: 1, 1, 1024>}, {transform_indices = @transform_2, window_bounds = array<i64: 1, 32, 1024>}, {pipeline_mode = #tpu.pipeline_mode<synchronous>, transform_indices = @transform_3, window_bounds = array<i64: 64, 512>}, {pipeline_mode = #tpu.pipeline_mode<synchronous>, transform_indices = @transform_4, window_bounds = array<i64: 32, 512>}, {pipeline_mode = #tpu.pipeline_mode<synchronous>, transform_indices = @transform_5, window_bounds = array<i64: 1, 512>}, {pipeline_mode = #tpu.pipeline_mode<synchronous>, transform_indices = @transform_6, window_bounds = array<i64: 1, 512>}, {transform_indices = @transform_7, window_bounds = array<i64: 1, 1024, 512>}]} {
    %get3A = arith.constant 0 : index
    %get3A_0 = arith.constant 0 : index
    %get3A_1 = vector.load %arg1[%get3A, %get3A_0] : memref<1024x512xf32, #tpu.memory_space<vmem>>, vector<1024x512xf32>
    %get3A_2 = arith.constant 0 : index
    %get3A_3 = arith.constant 0 : index
    %get3A_4 = arith.constant 0 : index
    %get3A_5 = vector.load %arg2[%get3A_2, %get3A_3, %get3A_4] : memref<1x1x1024xi32, #tpu.memory_space<vmem>>, vector<1x1x1024xi32>
    %get3A_6 = vector.shape_cast %get3A_5 : vector<1x1x1024xi32> to vector<1x1024xi32>
    %iota3A = tpu.iota {dimensions = array<i32: 0>} : vector<64x1024xi32>
    %eq3A = vector.broadcast %get3A_6 : vector<1x1024xi32> to vector<64x1024xi32>
    %eq3A_7 = arith.cmpi eq, %eq3A, %iota3A : vector<64x1024xi32>
    %convert_element_type3A = arith.extui %eq3A_7 : vector<64x1024xi1> to vector<64x1024xi32>
    %convert_element_type3A_8 = arith.sitofp %convert_element_type3A : vector<64x1024xi32> to vector<64x1024xf32>
    %get3A_9 = arith.constant 0 : index
    %get3A_10 = arith.constant 0 : index
    %get3A_11 = vector.load %arg4[%get3A_9, %get3A_10] : memref<64x512xf32, #tpu.memory_space<vmem>>, vector<64x512xf32>
    %dot_general3A = arith.constant dense<0.000000e+00> : vector<1024x512xf32>
    %dot_general3A_12 = tpu.matmul %convert_element_type3A_8, %get3A_11, %dot_general3A {dimension_numbers = #tpu.dot_dimension_numbers<[0], [0], [1], [1], [0, 1, 1, 1], [], []>, transpose_lhs_hint = false} : vector<64x1024xf32>, vector<64x512xf32>, vector<1024x512xf32> -> vector<1024x512xf32>
    %add3A = arith.addf %get3A_1, %dot_general3A_12 : vector<1024x512xf32>
    %get3A_13 = arith.constant 0 : index
    %get3A_14 = arith.constant 0 : index
    %get3A_15 = arith.constant 0 : index
    %get3A_16 = vector.load %arg3[%get3A_13, %get3A_14, %get3A_15] : memref<1x32x1024xf32, #tpu.memory_space<vmem>>, vector<1x32x1024xf32>
    %get3A_17 = vector.shape_cast %get3A_16 : vector<1x32x1024xf32> to vector<32x1024xf32>
    %get3A_18 = arith.constant 0 : index
    %get3A_19 = arith.constant 0 : index
    %get3A_20 = vector.load %arg5[%get3A_18, %get3A_19] : memref<32x512xf32, #tpu.memory_space<vmem>>, vector<32x512xf32>
    %dot_general3A_21 = arith.constant dense<0.000000e+00> : vector<1024x512xf32>
    %dot_general3A_22 = tpu.matmul %get3A_17, %get3A_20, %dot_general3A_21 {dimension_numbers = #tpu.dot_dimension_numbers<[0], [0], [1], [1], [0, 1, 1, 1], [], []>, transpose_lhs_hint = false} : vector<32x1024xf32>, vector<32x512xf32>, vector<1024x512xf32> -> vector<1024x512xf32>
    %add3A_23 = arith.addf %add3A, %dot_general3A_22 : vector<1024x512xf32>
    %reduce_sum3A = arith.constant dense<0.000000e+00> : vector<1024xf32>
    %reduce_sum3A_24 = vector.multi_reduction <add>, %add3A_23, %reduce_sum3A [1] : vector<1024x512xf32> to vector<1024xf32>
    %broadcast_in_dim3A = vector.shape_cast %reduce_sum3A_24 : vector<1024xf32> to vector<1024x1xf32>
    %div3A = arith.constant 5.120000e+02 : f32
    %div3A_25 = vector.broadcast %div3A : f32 to vector<1024x1xf32>
    %div3A_26 = arith.divf %broadcast_in_dim3A, %div3A_25 : vector<1024x1xf32>
    %sub3A = vector.broadcast %div3A_26 : vector<1024x1xf32> to vector<1024x512xf32>
    %sub3A_27 = arith.subf %add3A_23, %sub3A : vector<1024x512xf32>
    %mul3A = arith.mulf %sub3A_27, %sub3A_27 : vector<1024x512xf32>
    %reduce_sum3A_28 = arith.constant dense<0.000000e+00> : vector<1024xf32>
    %reduce_sum3A_29 = vector.multi_reduction <add>, %mul3A, %reduce_sum3A_28 [1] : vector<1024x512xf32> to vector<1024xf32>
    %broadcast_in_dim3A_30 = vector.shape_cast %reduce_sum3A_29 : vector<1024xf32> to vector<1024x1xf32>
    %div3A_31 = arith.constant 5.120000e+02 : f32
    %div3A_32 = vector.broadcast %div3A_31 : f32 to vector<1024x1xf32>
    %div3A_33 = arith.divf %broadcast_in_dim3A_30, %div3A_32 : vector<1024x1xf32>
    %add3A_34 = arith.constant 9.99999974E-6 : f32
    %add3A_35 = vector.broadcast %add3A_34 : f32 to vector<1024x1xf32>
    %add3A_36 = arith.addf %div3A_33, %add3A_35 : vector<1024x1xf32>
    %rsqrt3A = math.rsqrt %add3A_36 : vector<1024x1xf32>
    %mul3A_37 = vector.broadcast %rsqrt3A : vector<1024x1xf32> to vector<1024x512xf32>
    %mul3A_38 = arith.mulf %sub3A_27, %mul3A_37 : vector<1024x512xf32>
    %get3A_39 = arith.constant 0 : index
    %get3A_40 = arith.constant 0 : index
    %get3A_41 = vector.load %arg6[%get3A_39, %get3A_40] : memref<1x512xf32, #tpu.memory_space<vmem>>, vector<1x512xf32>
    %mul3A_42 = vector.broadcast %get3A_41 : vector<1x512xf32> to vector<1024x512xf32>
    %mul3A_43 = arith.mulf %mul3A_38, %mul3A_42 : vector<1024x512xf32>
    %get3A_44 = arith.constant 0 : index
    %get3A_45 = arith.constant 0 : index
    %get3A_46 = vector.load %arg7[%get3A_44, %get3A_45] : memref<1x512xf32, #tpu.memory_space<vmem>>, vector<1x512xf32>
    %add3A_47 = vector.broadcast %get3A_46 : vector<1x512xf32> to vector<1024x512xf32>
    %add3A_48 = arith.addf %mul3A_43, %add3A_47 : vector<1024x512xf32>
    %swap3A = arith.constant 0 : index
    %swap3A_49 = arith.constant 0 : index
    %swap3A_50 = arith.constant 0 : index
    %swap3A_51 = vector.load %arg8[%swap3A, %swap3A_49, %swap3A_50] : memref<1x1024x512xf32, #tpu.memory_space<vmem>>, vector<1x1024x512xf32>
    %swap3A_52 = vector.shape_cast %swap3A_51 : vector<1x1024x512xf32> to vector<1024x512xf32>
    %swap3A_53 = vector.shape_cast %add3A_48 : vector<1024x512xf32> to vector<1x1024x512xf32>
    tpu.vector_store %arg8[%swap3A, %swap3A_49, %swap3A_50], %swap3A_53 {strides = array<i32>} : memref<1x1024x512xf32, #tpu.memory_space<vmem>>, vector<1x1024x512xf32>,
    return
  }
  func.func @transform_0(%arg0: i32) -> (i32, i32) {
    %c0_i32 = arith.constant 0 : i32
    %c0_i32_0 = arith.constant 0 : i32
    return %arg0, %c0_i32 : i32, i32
  }
  func.func @transform_1(%arg0: i32) -> (i32, i32, i32) {
    %add3A = arith.constant 0 : i32
    %add3A_0 = arith.addi %add3A, %arg0 : i32
    %c0_i32 = arith.constant 0 : i32
    %c0_i32_1 = arith.constant 0 : i32
    %c0_i32_2 = arith.constant 0 : i32
    return %add3A_0, %c0_i32, %c0_i32_1 : i32, i32, i32
  }
  func.func @transform_2(%arg0: i32) -> (i32, i32, i32) {
    %add3A = arith.constant 0 : i32
    %add3A_0 = arith.addi %add3A, %arg0 : i32
    %c0_i32 = arith.constant 0 : i32
    %c0_i32_1 = arith.constant 0 : i32
    %c0_i32_2 = arith.constant 0 : i32
    return %add3A_0, %c0_i32, %c0_i32_1 : i32, i32, i32
  }
  func.func @transform_3(%arg0: i32) -> (i32, i32) {
    %c0_i32 = arith.constant 0 : i32
    %c0_i32_0 = arith.constant 0 : i32
    %c0_i32_1 = arith.constant 0 : i32
    return %c0_i32, %c0_i32_0 : i32, i32
  }
  func.func @transform_4(%arg0: i32) -> (i32, i32) {
    %c0_i32 = arith.constant 0 : i32
    %c0_i32_0 = arith.constant 0 : i32
    %c0_i32_1 = arith.constant 0 : i32
    return %c0_i32, %c0_i32_0 : i32, i32
  }
  func.func @transform_5(%arg0: i32) -> (i32, i32) {
    %c0_i32 = arith.constant 0 : i32
    %c0_i32_0 = arith.constant 0 : i32
    %c0_i32_1 = arith.constant 0 : i32
    return %c0_i32, %c0_i32_0 : i32, i32
  }
  func.func @transform_6(%arg0: i32) -> (i32, i32) {
    %c0_i32 = arith.constant 0 : i32
    %c0_i32_0 = arith.constant 0 : i32
    %c0_i32_1 = arith.constant 0 : i32
    return %c0_i32, %c0_i32_0 : i32, i32
  }
  func.func @transform_7(%arg0: i32) -> (i32, i32, i32) {
    %add3A = arith.constant 0 : i32
    %add3A_0 = arith.addi %add3A, %arg0 : i32
    %c0_i32 = arith.constant 0 : i32
    %c0_i32_1 = arith.constant 0 : i32
    %c0_i32_2 = arith.constant 0 : i32
    return %add3A_0, %c0_i32, %c0_i32_1 : i32, i32, i32
  }
}

module attributes {stable_mosaic.version = 14 : i64} {
  func.func @_tc_body_carry(%arg0: i32, %arg1: memref<50x1024x512xf32, #tpu.memory_space<any>>, %arg2: memref<1024x512xf32, #tpu.memory_space<vmem>>, %arg3: memref<1x1x1024xi32, #tpu.memory_space<vmem>>, %arg4: memref<1x32x1024xf32, #tpu.memory_space<vmem>>, %arg5: memref<64x512xf32, #tpu.memory_space<vmem>>, %arg6: memref<32x512xf32, #tpu.memory_space<vmem>>, %arg7: memref<1x512xf32, #tpu.memory_space<vmem>>, %arg8: memref<1x512xf32, #tpu.memory_space<vmem>>, %arg9: memref<1x1024x512xf32, #tpu.memory_space<vmem>>) attributes {dimension_semantics = [#tpu.dimension_semantics<arbitrary>], iteration_bounds = array<i64: 10>, scalar_prefetch = 0 : i64, scratch_operands = 0 : i64, tpu.core_type = #tpu.core_type<tc>, window_params = [{}, {transform_indices = @transform_1, window_bounds = array<i64: 1024, 512>}, {transform_indices = @transform_2, window_bounds = array<i64: 1, 1, 1024>}, {transform_indices = @transform_3, window_bounds = array<i64: 1, 32, 1024>}, {pipeline_mode = #tpu.pipeline_mode<synchronous>, transform_indices = @transform_4, window_bounds = array<i64: 64, 512>}, {pipeline_mode = #tpu.pipeline_mode<synchronous>, transform_indices = @transform_5, window_bounds = array<i64: 32, 512>}, {pipeline_mode = #tpu.pipeline_mode<synchronous>, transform_indices = @transform_6, window_bounds = array<i64: 1, 512>}, {pipeline_mode = #tpu.pipeline_mode<synchronous>, transform_indices = @transform_7, window_bounds = array<i64: 1, 512>}, {transform_indices = @transform_8, window_bounds = array<i64: 1, 1024, 512>}]} {
    %get3A = arith.constant 0 : index
    %get3A_0 = arith.constant 0 : index
    %get3A_1 = vector.load %arg2[%get3A, %get3A_0] : memref<1024x512xf32, #tpu.memory_space<vmem>>, vector<1024x512xf32>
    %get3A_2 = arith.constant 0 : index
    %get3A_3 = arith.constant 0 : index
    %get3A_4 = arith.constant 0 : index
    %get3A_5 = vector.load %arg3[%get3A_2, %get3A_3, %get3A_4] : memref<1x1x1024xi32, #tpu.memory_space<vmem>>, vector<1x1x1024xi32>
    %get3A_6 = vector.shape_cast %get3A_5 : vector<1x1x1024xi32> to vector<1x1024xi32>
    %iota3A = tpu.iota {dimensions = array<i32: 0>} : vector<64x1024xi32>
    %eq3A = vector.broadcast %get3A_6 : vector<1x1024xi32> to vector<64x1024xi32>
    %eq3A_7 = arith.cmpi eq, %eq3A, %iota3A : vector<64x1024xi32>
    %convert_element_type3A = arith.extui %eq3A_7 : vector<64x1024xi1> to vector<64x1024xi32>
    %convert_element_type3A_8 = arith.sitofp %convert_element_type3A : vector<64x1024xi32> to vector<64x1024xf32>
    %get3A_9 = arith.constant 0 : index
    %get3A_10 = arith.constant 0 : index
    %get3A_11 = vector.load %arg5[%get3A_9, %get3A_10] : memref<64x512xf32, #tpu.memory_space<vmem>>, vector<64x512xf32>
    %dot_general3A = arith.constant dense<0.000000e+00> : vector<1024x512xf32>
    %dot_general3A_12 = tpu.matmul %convert_element_type3A_8, %get3A_11, %dot_general3A {dimension_numbers = #tpu.dot_dimension_numbers<[0], [0], [1], [1], [0, 1, 1, 1], [], []>, transpose_lhs_hint = false} : vector<64x1024xf32>, vector<64x512xf32>, vector<1024x512xf32> -> vector<1024x512xf32>
    %add3A = arith.addf %get3A_1, %dot_general3A_12 : vector<1024x512xf32>
    %get3A_13 = arith.constant 0 : index
    %get3A_14 = arith.constant 0 : index
    %get3A_15 = arith.constant 0 : index
    %get3A_16 = vector.load %arg4[%get3A_13, %get3A_14, %get3A_15] : memref<1x32x1024xf32, #tpu.memory_space<vmem>>, vector<1x32x1024xf32>
    %get3A_17 = vector.shape_cast %get3A_16 : vector<1x32x1024xf32> to vector<32x1024xf32>
    %get3A_18 = arith.constant 0 : index
    %get3A_19 = arith.constant 0 : index
    %get3A_20 = vector.load %arg6[%get3A_18, %get3A_19] : memref<32x512xf32, #tpu.memory_space<vmem>>, vector<32x512xf32>
    %dot_general3A_21 = arith.constant dense<0.000000e+00> : vector<1024x512xf32>
    %dot_general3A_22 = tpu.matmul %get3A_17, %get3A_20, %dot_general3A_21 {dimension_numbers = #tpu.dot_dimension_numbers<[0], [0], [1], [1], [0, 1, 1, 1], [], []>, transpose_lhs_hint = false} : vector<32x1024xf32>, vector<32x512xf32>, vector<1024x512xf32> -> vector<1024x512xf32>
    %add3A_23 = arith.addf %add3A, %dot_general3A_22 : vector<1024x512xf32>
    %reduce_sum3A = arith.constant dense<0.000000e+00> : vector<1024xf32>
    %reduce_sum3A_24 = vector.multi_reduction <add>, %add3A_23, %reduce_sum3A [1] : vector<1024x512xf32> to vector<1024xf32>
    %broadcast_in_dim3A = vector.shape_cast %reduce_sum3A_24 : vector<1024xf32> to vector<1024x1xf32>
    %div3A = arith.constant 5.120000e+02 : f32
    %div3A_25 = vector.broadcast %div3A : f32 to vector<1024x1xf32>
    %div3A_26 = arith.divf %broadcast_in_dim3A, %div3A_25 : vector<1024x1xf32>
    %sub3A = vector.broadcast %div3A_26 : vector<1024x1xf32> to vector<1024x512xf32>
    %sub3A_27 = arith.subf %add3A_23, %sub3A : vector<1024x512xf32>
    %mul3A = arith.mulf %sub3A_27, %sub3A_27 : vector<1024x512xf32>
    %reduce_sum3A_28 = arith.constant dense<0.000000e+00> : vector<1024xf32>
    %reduce_sum3A_29 = vector.multi_reduction <add>, %mul3A, %reduce_sum3A_28 [1] : vector<1024x512xf32> to vector<1024xf32>
    %broadcast_in_dim3A_30 = vector.shape_cast %reduce_sum3A_29 : vector<1024xf32> to vector<1024x1xf32>
    %div3A_31 = arith.constant 5.120000e+02 : f32
    %div3A_32 = vector.broadcast %div3A_31 : f32 to vector<1024x1xf32>
    %div3A_33 = arith.divf %broadcast_in_dim3A_30, %div3A_32 : vector<1024x1xf32>
    %add3A_34 = arith.constant 9.99999974E-6 : f32
    %add3A_35 = vector.broadcast %add3A_34 : f32 to vector<1024x1xf32>
    %add3A_36 = arith.addf %div3A_33, %add3A_35 : vector<1024x1xf32>
    %rsqrt3A = math.rsqrt %add3A_36 : vector<1024x1xf32>
    %mul3A_37 = vector.broadcast %rsqrt3A : vector<1024x1xf32> to vector<1024x512xf32>
    %mul3A_38 = arith.mulf %sub3A_27, %mul3A_37 : vector<1024x512xf32>
    %get3A_39 = arith.constant 0 : index
    %get3A_40 = arith.constant 0 : index
    %get3A_41 = vector.load %arg7[%get3A_39, %get3A_40] : memref<1x512xf32, #tpu.memory_space<vmem>>, vector<1x512xf32>
    %mul3A_42 = vector.broadcast %get3A_41 : vector<1x512xf32> to vector<1024x512xf32>
    %mul3A_43 = arith.mulf %mul3A_38, %mul3A_42 : vector<1024x512xf32>
    %get3A_44 = arith.constant 0 : index
    %get3A_45 = arith.constant 0 : index
    %get3A_46 = vector.load %arg8[%get3A_44, %get3A_45] : memref<1x512xf32, #tpu.memory_space<vmem>>, vector<1x512xf32>
    %add3A_47 = vector.broadcast %get3A_46 : vector<1x512xf32> to vector<1024x512xf32>
    %add3A_48 = arith.addf %mul3A_43, %add3A_47 : vector<1024x512xf32>
    %swap3A = arith.constant 0 : index
    %swap3A_49 = arith.constant 0 : index
    %swap3A_50 = arith.constant 0 : index
    %swap3A_51 = vector.load %arg9[%swap3A, %swap3A_49, %swap3A_50] : memref<1x1024x512xf32, #tpu.memory_space<vmem>>, vector<1x1024x512xf32>
    %swap3A_52 = vector.shape_cast %swap3A_51 : vector<1x1024x512xf32> to vector<1024x512xf32>
    %swap3A_53 = vector.shape_cast %add3A_48 : vector<1024x512xf32> to vector<1x1024x512xf32>
    tpu.vector_store %arg9[%swap3A, %swap3A_49, %swap3A_50], %swap3A_53 {strides = array<i32>} : memref<1x1024x512xf32, #tpu.memory_space<vmem>>, vector<1x1024x512xf32>,
    return
  }
  func.func @transform_1(%arg0: i32) -> (i32, i32) {
    %c0_i32 = arith.constant 0 : i32
    %c0_i32_0 = arith.constant 0 : i32
    return %arg0, %c0_i32 : i32, i32
  }
  func.func @transform_2(%arg0: i32) -> (i32, i32, i32) {
    %add3A = arith.constant 40 : i32
    %add3A_0 = arith.addi %add3A, %arg0 : i32
    %c0_i32 = arith.constant 0 : i32
    %c0_i32_1 = arith.constant 0 : i32
    %c0_i32_2 = arith.constant 0 : i32
    return %add3A_0, %c0_i32, %c0_i32_1 : i32, i32, i32
  }
  func.func @transform_3(%arg0: i32) -> (i32, i32, i32) {
    %add3A = arith.constant 40 : i32
    %add3A_0 = arith.addi %add3A, %arg0 : i32
    %c0_i32 = arith.constant 0 : i32
    %c0_i32_1 = arith.constant 0 : i32
    %c0_i32_2 = arith.constant 0 : i32
    return %add3A_0, %c0_i32, %c0_i32_1 : i32, i32, i32
  }
  func.func @transform_4(%arg0: i32) -> (i32, i32) {
    %c0_i32 = arith.constant 0 : i32
    %c0_i32_0 = arith.constant 0 : i32
    %c0_i32_1 = arith.constant 0 : i32
    return %c0_i32, %c0_i32_0 : i32, i32
  }
  func.func @transform_5(%arg0: i32) -> (i32, i32) {
    %c0_i32 = arith.constant 0 : i32
    %c0_i32_0 = arith.constant 0 : i32
    %c0_i32_1 = arith.constant 0 : i32
    return %c0_i32, %c0_i32_0 : i32, i32
  }
  func.func @transform_6(%arg0: i32) -> (i32, i32) {
    %c0_i32 = arith.constant 0 : i32
    %c0_i32_0 = arith.constant 0 : i32
    %c0_i32_1 = arith.constant 0 : i32
    return %c0_i32, %c0_i32_0 : i32, i32
  }
  func.func @transform_7(%arg0: i32) -> (i32, i32) {
    %c0_i32 = arith.constant 0 : i32
    %c0_i32_0 = arith.constant 0 : i32
    %c0_i32_1 = arith.constant 0 : i32
    return %c0_i32, %c0_i32_0 : i32, i32
  }
  func.func @transform_8(%arg0: i32) -> (i32, i32, i32) {
    %add3A = arith.constant 40 : i32
    %add3A_0 = arith.addi %add3A, %arg0 : i32
    %c0_i32 = arith.constant 0 : i32
    %c0_i32_1 = arith.constant 0 : i32
    %c0_i32_2 = arith.constant 0 : i32
    return %add3A_0, %c0_i32, %c0_i32_1 : i32, i32, i32
  }
}

</mosaic_0001>

<sc_bundles>
// kernel: kernel.12.cloned.1.call-start
scs
__scs_entry_jumppad:
0x0: {  	(pc) =	sbr.rel $0x88, $3  }
0x1: {  	(tag) =	ssettag $0x0;
	lr =	simm.s32 $0x1  }
0x2: {  	[smem:$0x3F99] =	sst lr;
	_ =	strace $0xD0000000  }
0x3: {  	_ = 	snop  }
0x4: {  	_ = 	snop  }
0x5: {  	_ = 	snop  }
0x6: {  	_ = 	snop  }
0x7: {  	_ = 	snop  }
__scs_overlays_trampoline_lowered:
0x8: {  	[smem:$0x3FA8] =	sst s0  }
0x9: {  	[smem:$0x3FA9] =	sst s1  }
0xa: {  	[smem:$0x3FAA] =	sst s2  }
0xb: {  	[smem:$0x3FAB] =	sst s3  }
0xc: {  	[smem:$0x3FAC] =	sst s4  }
0xd: {  	[smem:$0x3FAD] =	sst s5  }
0xe: {  	[smem:$0x3FAE] =	sst s6  }
0xf: {  	[smem:$0x3FAF] =	sst s7  }
0x10: {  	[smem:$0x3FB0] =	sst s8  }
0x11: {  	[smem:$0x3FB1] =	sst s9;
	s0 =	simm.s32 @!p0 $0x0  }
0x12: {  	s1 =	sld [smem:$0x3F97];
	s0 =	simm.s32 @p0 $0x1  }
0x13: {  	[smem:$0x3FB2] =	sst s0;
	s0 =	simm.s32 @!p1 $0x0  }
0x14: {  	s2 =	sld [smem:$0x3F96];
	s0 =	simm.s32 @p1 $0x1  }
0x15: {  	[smem:$0x3FB3] =	sst s0;
	s0 =	simm.s32 @!p2 $0x0  }
0x16: {  	s3 =	sld [smem:$0x3FDB];
	s0 =	simm.s32 @p2 $0x1  }
0x17: {  	s4 =	simm.s32 $0x1BF5;
	[smem:$0x3FB5] =	sst s0  }
0x18: {  	s0 =	sld [smem:$0x3F98];
	_ =	swait.ge [sflag:s4], $0x0  }
0x19: {  	s7 =	sld [smem:$0x3F99]  }
0x1a: {  	s8 =	sadd.s32 $0xFFFFE003, lr  }
0x1b: {  	s9 =	sadd.s32 $0xFFFFFEF7, lr;
	s5 =	simm.s32 $0xFFFFFFFF;
	p2 =	slt.u32 s8, $0xFFFFF086  }
0x1c: {  	p1 =	slt.u32 s9, $0xF7A;
	s5 =	simm.s32 @!p2 $0x0  }
0x1d: {  	s5 =	simm.s32 @p1 $0x1;
	p0 =	seq.s32 s7, s2  }
0x1e: {  	s7 =	smul.u32 @!p0 $0xF7A, s2;
	p2 =	seq.s32 @!p0 s5, $0x0  }
0x1f: {  	s9 =	smul.u32 $0xF7A, s1;
	s8 =	simm.s32 @!p0 $0x1BF5;
	p2 =	por !p2, p0  }
0x20: {  	[sflag:s8] =	ssyncset.s32 @!p0 $0xFFFFF086;
	s6 =	sadd.s32 @!p0 s3, s7;
	s7 =	simm.s32 @!p0 $0x108  }
0x21: {  	s3 =	sadd.s32 s3, s9;
	s6 =	sadd.s32 @!p0 $0x88, s6;
	s7 =	simm.s32 @p2 $0x1082  }
0x22: {  	[simem:s7], [sflag:s8] =	dma.local @!p0 [hbm:s6], $0xF7A  }
0x23: {  	s9 =	sor.u32 $0xD0000000, s2;
	s6 =	simm.s32 $0x108;
	_ =	swait.ge @!p0 [sflag:s8], $0x0  }
0x24: {  	s3 =	sadd.s32 $0x88, s3;
	s6 =	simm.s32 @!p1 $0x1082;
	[sflag:s4] =	ssyncset.s32 $0xFFFFF086  }
0x25: {  	[simem:s6], [sflag:s4] =	dma.local [hbm:s3], $0xF7A  }
0x26: {  	[smem:$0x3F99] =	sst s1;
	(tag) =	ssettag s2;
	_ =	strace s9  }
0x27: {  	s1 =	sld [smem:$0x3FA9]  }
0x28: {  	s2 =	sld [smem:$0x3FAA]  }
0x29: {  	s4 =	sld [smem:$0x3FAC]  }
0x2a: {  	p0 =	seq.s32 s5, $0x0;
	s5 =	sld [smem:$0x3FAD]  }
0x2b: {  	s6 =	sld [smem:$0x3FAE]  }
0x2c: {  	s7 =	sld [smem:$0x3FAF]  }
0x2d: {  	s3 =	simm.s32 $0x108;
	s8 =	sld [smem:$0x3FB0]  }
0x2e: {  	s3 =	simm.s32 @!p0 $0x1082;
	s9 =	sld [smem:$0x3FB1]  }
0x2f: {  	lr =	sadd.s32 s0, s3;
	s0 =	sld [smem:$0x3FA8]  }
0x30: {  	s3 =	sld [smem:$0x3FAB]  }
0x31: {  	[smem:$0x3FB4] =	sst s10  }
0x32: {  	s10 =	sld [smem:$0x3FB2];
	_ =	sdelay $0x3  }
0x33: {  	p0 =	seq.s32 s10, $0x1;
	s10 =	sld [smem:$0x3FB4];
	_ =	sdelay $0x3  }
0x34: {  	[smem:$0x3FB4] =	sst s10  }
0x35: {  	s10 =	sld [smem:$0x3FB3];
	_ =	sdelay $0x3  }
0x36: {  	p1 =	seq.s32 s10, $0x1;
	s10 =	sld [smem:$0x3FB4];
	_ =	sdelay $0x3  }
0x37: {  	[smem:$0x3FB4] =	sst s10  }
0x38: {  	s10 =	sld [smem:$0x3FB5]  }
0x39: {  	_ = 	snop;
	(pc) =	sbr.ind lr, $3  }
0x3a: {  	_ = 	snop  }
0x3b: {  	_ = 	snop  }
0x3c: {  	p2 =	seq.s32 s10, $0x1;
	s10 =	sld [smem:$0x3FB4]  }
0x3d: {  	_ =	shalt  }
0x3e: {  	_ =	shalt  }
0x3f: {  	_ =	shalt  }
0x40: {  	_ =	shalt  }
0x41: {  	_ =	shalt  }
0x42: {  	_ =	shalt  }
0x43: {  	_ =	shalt  }
0x44: {  	_ =	shalt  }
0x45: {  	_ =	shalt  }
0x46: {  	_ =	shalt  }
0x47: {  	_ =	shalt  }
0x48: {  	_ =	shalt  }
0x49: {  	_ =	shalt  }
0x4a: {  	_ =	shalt  }
0x4b: {  	_ =	shalt  }
0x4c: {  	_ =	shalt  }
0x4d: {  	_ =	shalt  }
0x4e: {  	_ =	shalt  }
0x4f: {  	_ =	shalt  }
0x50: {  	_ =	shalt  }
0x51: {  	_ =	shalt  }
0x52: {  	_ =	shalt  }
0x53: {  	_ =	shalt  }
0x54: {  	_ =	shalt  }
0x55: {  	_ =	shalt  }
0x56: {  	_ =	shalt  }
0x57: {  	_ =	shalt  }
0x58: {  	_ =	shalt  }
0x59: {  	_ =	shalt  }
0x5a: {  	_ =	shalt  }
0x5b: {  	_ =	shalt  }
0x5c: {  	_ =	shalt  }
0x5d: {  	_ =	shalt  }
0x5e: {  	_ =	shalt  }
0x5f: {  	_ =	shalt  }
0x60: {  	_ =	shalt  }
0x61: {  	_ =	shalt  }
0x62: {  	_ =	shalt  }
0x63: {  	_ =	shalt  }
0x64: {  	_ =	shalt  }
0x65: {  	_ =	shalt  }
0x66: {  	_ =	shalt  }
0x67: {  	_ =	shalt  }
0x68: {  	_ =	shalt  }
0x69: {  	_ =	shalt  }
0x6a: {  	_ =	shalt  }
0x6b: {  	_ =	shalt  }
0x6c: {  	_ =	shalt  }
0x6d: {  	_ =	shalt  }
0x6e: {  	_ =	shalt  }
0x6f: {  	_ =	shalt  }
0x70: {  	_ =	shalt  }
0x71: {  	_ =	shalt  }
0x72: {  	_ =	shalt  }
0x73: {  	_ =	shalt  }
0x74: {  	_ =	shalt  }
0x75: {  	_ =	shalt  }
0x76: {  	_ =	shalt  }
0x77: {  	_ =	shalt  }
0x78: {  	_ =	shalt  }
0x79: {  	_ =	shalt  }
0x7a: {  	_ =	shalt  }
0x7b: {  	_ =	shalt  }
0x7c: {  	_ =	shalt  }
0x7d: {  	_ =	shalt  }
0x7e: {  	_ =	shalt  }
0x7f: {  	_ =	shalt  }
0x80: {  	_ =	shalt  }
0x81: {  	_ =	shalt  }
0x82: {  	_ =	shalt  }
0x83: {  	_ =	shalt  }
0x84: {  	_ =	shalt  }
0x85: {  	_ =	shalt  }
0x86: {  	_ =	shalt  }
0x87: {  	_ =	shalt  }
.Lfunc_end0:
.L_simem_size_0:
called_computation_lowered:
.L_overlay_start_0:
0x88: {  	s2 =	sld [smem:$0x3FD9]  }
0x89: {  	s3 =	sld [smem:$0x3FFE];
	_ =	sdelay $0x1  }
0x8a: {  	s1 =	srdreg.scid  }
0x8b: {  	s0 =	sand.u32 $0x1, s1  }
0x8c: {  	s17 =	sshll.u32 s0, $0xA;
	s2 =	sadd.s32 s3, s2  }
0x8d: {  	s2 =	sadd.s32 s2, s17  }
0x8e: {  	[smem:$0x3FC0] =	sst s2  }
0x8f: {  	_ = 	snop  }
0x90: {  	s2 =	sld [smem:$0x3FC6]  }
0x91: {  	s18 =	sld [smem:$0x3FD0];
	(tm) =	ssettm $0x1  }
0x92: {  	s4 =	sld [smem:$0x3FFB];
	_ =	sdelay $0x3  }
0x93: {  	_ =	strace s4  }
0x94: {  	s4 =	sld [smem:$0x3FFC];
	_ =	sdelay $0x3  }
0x95: {  	_ =	strace s4  }
0x96: {  	s4 =	sld [smem:$0x3FFD];
	_ =	sdelay $0x3  }
0x97: {  	_ =	strace s4  }
0x98: {  	_ =	strace $0x8FFFFFFF  }
0x99: {  	s19 =	sld [smem:$0x3FDB];
	_ =	sdelay $0x1  }
0x9a: {  	s5 =	simm.s32 $_scs_section_size  }
0x9b: {  	s6 =	simm.s32 $_size__tile_overlayer_lowered;
	s7 =	simm.s32 $_tile_overlayer_lowered  }
0x9c: {  	s22 =	simm.s32 $0x1BFF;
	s21 =	sshll.u32 s7, $0x1;
	s4 =	sadd.s32 s5, s19  }
0x9d: {  	s8 =	simm.s32 $0x0;
	s20 =	sshll.u32 s6, $0x1;
	s6 =	sadd.s32 s21, s4  }
0x9e: {  	[timem:s8], [sflag:s22] =	dma.local [hbm:s6], s20  }
0x9f: {  	_ =	swait.ge [sflag:s22], s20  }
0xa0: {  	s5 =	ssub.s32 $0x0, s20;
	[sflag:s22] =	ssyncset.done $0x0  }
0xa1: {  	[sflag:s22] =	ssyncadd.s32 s5;
	_ =	sdelay $0x1  }
0xa2: {  	s23 =	simm.s32 $0x1B8B  }
0xa3: {  	_ =	swait.ge [sflag:s23], $0x1  }
0xa4: {  	[sflag:s23] =	ssyncset.done $0x0  }
0xa5: {  	s25 =	simm.s32 $0x1B8E;
	s24 =	sld [smem:$0x3FFE];
	[sflag:s23] =	ssyncadd.s32 $0xFFFFFFFF  }
0xa6: {  	s26 =	simm.s32 $execute0_lowered;
	[smem:$0x3FD2] =	sst s25  }
0xa7: {  	s6 =	sshll.u32 s26, $0x1;
	_ =	strace $0x80000046;
	[dreg:$0x1] =	wrdreg $0xFFFFFFFF  }
0xa8: {  	s28 =	simm.s32 $_size_execute0_lowered;
	s4 =	sadd.s32 s4, s6;
	[dreg:$0x0] =	wrdreg $0x0  }
0xa9: {  	s6 =	sshll.u32 s28, $0x1;
	[dreg:$0x2] =	wrdreg s4  }
0xaa: {  	[dreg:$0x3] =	wrdreg s6  }
0xab: {  	[dreg:$0x4] =	wrdreg $0xC0  }
0xac: {  	_ =	task [dreg:s8], $0x5FFFF  }
0xad: {  	[dreg:$0x1] =	wrdreg $0xFFFFFFFF  }
0xae: {  	[dreg:$0x0] =	wrdreg $0x60  }
0xaf: {  	[dreg:$0x2] =	wrdreg s2  }
0xb0: {  	[dreg:$0x3] =	wrdreg s18  }
0xb1: {  	[dreg:$0x4] =	wrdreg s24  }
0xb2: {  	[dreg:$0x5] =	wrdreg $0x9  }
0xb3: {  	_ =	task.clear_ibuf [dreg:s8], $0x6FFFF;
	_ =	strace $0x90000046  }
0xb4: {  	s29 =	simm.s32 $0x9;
	_ =	strace $0x80000048  }
0xb5: {  	_ =	swait.ge [sflag:s29], $0x1  }
0xb6: {  	[sflag:s29] =	ssyncadd.s32 $0xFFFFFFFF  }
0xb7: {  	_ =	strace $0x90000048  }
0xb8: {  	_ =	sfence  }
0xb9: {  	s30 =	sld [smem:$0x0];
	_ =	sdelay $0x2  }
0xba: {  	s31 =	sshll.u32 s1, $0xD;
	s1 =	sshrl.u32 s1, $0x2  }
0xbb: {  	s3 =	sand.u32 $0x4000, s31;
	s1 =	sadd.s32 s1, s30  }
0xbc: {  	s0 =	sor.u32 s3, s0;
	s1 =	sshll.u32 s1, $0x11  }
0xbd: {  	s0 =	sor.u32 s1, s0  }
0xbe: {  	s0 =	sadd.s32 $0x8F2B, s0  }
0xbf: {  	[sflag:s0] =	ssyncadd.remote.s32 $0x1  }
0xc0: {  	_ =	sfence.sel $0xFFFF  }
0xc1: {  	[dreg:$0x0] =	wrdreg $0xFFFFFFFF;
	(pc) =	sbr.abs _section_cstart, $3  }
0xc2: {  	[dreg:$0x1] =	wrdreg $0xFFFFFFFF  }
0xc3: {  	_ =	task.clear_ibuf [dreg:s8], $0x2FFFF;
	_ =	strace $0x9FFFFFFF  }
0xc4: {  	(tm) =	ssettm $0x7FFFFFFF  }
0xc5: {  	_ =	shalt  }
tec
execute0_lowered:
.L_overlay_start_1:
0x0: {  	(tag) =	ssettag $0x1  }
0x1: {  	s1 =	rddreg [dreg:$0x0]  }
0x2: {  	s0 =	rddreg [dreg:$0x1];
	s2 =	srdreg.scid  }
0x3: {  	s3 =	stileid.u32;
	s5 =	rddreg [dreg:$0x2];
	s10 =	simm.s32 $0x180  }
0x4: {  	s31 =	simm.s32 $0x1;
	s22 =	simm.s32 $0x9180;
	s23 =	simm.s32 $0x9980  }
0x5: {  	s24 =	simm.s32 $0xA980;
	s25 =	simm.s32 $0xB180;
	s29 =	simm.s32 $0xB980  }
0x6: {  	s30 =	simm.s32 $0xC180;
	s8 =	simm.s32 $0xD980;
	s9 =	simm.s32 $0xE180  }
0x7: {  	s11 =	simm.s32 $0xE980;
	s12 =	simm.s32 $0xF180;
	s13 =	simm.s32 $0xF980  }
0x8: {  	s14 =	simm.s32 $0x10180;
	s15 =	simm.s32 $0x10980;
	s16 =	simm.s32 $0x11180  }
0x9: {  	s17 =	simm.s32 $0x11980;
	s18 =	simm.s32 $0x12180;
	s19 =	simm.s32 $0x12980  }
0xa: {  	s20 =	simm.s32 $0x13180;
	s2 =	sand.u32 $0x1, s2;
	s4 =	sshll.u32 s3, $0x1  }
0xb: {  	s21 =	simm.s32 $0x13980;
	s4 =	sor.u32 s2, s4;
	s2 =	ssub.s32 $0x2, s2  }
0xc: {  	s3 =	simm.s32 $0x0;
	s4 =	smul.u32 $0x140, s4;
	s6 =	sshrl.u32 s2, $0x1  }
0xd: {  	s5 =	sadd.s32 $0x2400, s5;
	s7 =	sadd.s32 $0x100, s1;
	s2 =	ssub.s32 s2, s6  }
0xe: {  	v2 =	vlaneseq.u32;
	[smem:$0x7FF] =	sst s3;
	s26 =	sshrl.u32 s4, $0x3;
	s28 =	smax.u32 s2, $0x1  }
0xf: {  	vm0 =	vmmov $0xffff;
	v1 =	vshrl.u32 v2, $0x3;
	_ =	strace $0x80000047;
	s0 =	sadd.s32 s0, s26;
	[dreg:$0x5] =	wrdreg s28  }
0x10: {  	v0 =	vand.u32 $0x7, v2;
	v2 =	vor.u32 $0x8, v2;
	v1 =	vmul.u32 $0x8, v1;
	s6 =	simm.s32 $0x0;
	s2 =	simm.s32 $0xA180;
	[dreg:$0x4] =	wrdreg s0  }
.LBB2_1:
0x11: {  	[dreg:$0x6] =	wrdreg s6  }
0x12: {  	s26 =	rddreg [dreg:$0x4];
	s28 =	simm.s32 $0x4  }
0x13: {  	[tilespmem:s3], [sflag:$0x4] =	stream.linear.gather [hbm4b:s26+s3], $0x140, $0x38;
	[tilespmem:$0x14180] =	vst v63  }
0x14: {  	_ =	swait.ge [sflag:s28], $0x140  }
0x15: {  	p1 =	por $0x1, $0x1;
	s0 =	simm.s32 $0xC980;
	[sflag:s28] =	ssyncset.done $0x0  }
0x16: {  	s6 =	simm.s32 $0xD180;
	s26 =	simm.s32 $0x0;
	[sflag:s28] =	ssyncadd.s32 $0xFFFFFEC0  }
.LBB2_2:
0x17: {  	s28 =	simm.s32 @!p1 $0x2  }
0x18: {  	_ =	swait.ge @!p1 [sflag:s28], $0xA000  }
0x19: {  	[sflag:s28] =	ssyncset.done @!p1 $0x0  }
0x1a: {  	[sflag:s28] =	ssyncadd.s32 @!p1 $0xFFFF6000  }
0x1b: {  	v3 =	vld [tilespmem:s26+$0x0];
	_ =	sdelay $0x4  }
0x1c: {  	v4 =	vshll.u32 v3, $0x2  }
0x1d: {  	v3 =	vand.u32 $0x7, v3;
	v4 =	vand.u32 $0xFFFFFFE0, v4  }
0x1e: {  	v3 =	vor.u32 v3, v4  }
0x1f: {  	v4 =	vperm.xlane v3, v0;
	_ =	sdelay $0x1  }
0x20: {  	v4 =	vadd.s32 v1, v4;
	_ =	sdelay $0x1  }
0x21: {  	v3 =	vperm.xlane v3, v2;
	_ =	sdelay $0x1  }
0x22: {  	v3 =	vadd.s32 v1, v3  }
0x23: {  	[tilespmem:s10], [sflag:$0x1] =	stream.indirect_vreg.gather [hbm4b:s1+s3], $0x80, v4, vm0, $0xb8;
	[tilespmem:$0x14180] =	vst v63  }
0x24: {  	s28 =	simm.s32 $0x980  }
0x25: {  	[tilespmem:s28], [sflag:$0x1] =	stream.indirect_vreg.gather [hbm4b:s7+s3], $0x80, v4, vm0, $0xb8;
	[tilespmem:$0x14180] =	vst v63  }
0x26: {  	s28 =	simm.s32 $0x1180  }
0x27: {  	[tilespmem:s28], [sflag:$0x1] =	stream.indirect_vreg.gather [hbm4b:s1+s3], $0x80, v3, vm0, $0xb8;
	[tilespmem:$0x14180] =	vst v63  }
0x28: {  	s28 =	simm.s32 $0x1980  }
0x29: {  	[tilespmem:s28], [sflag:$0x1] =	stream.indirect_vreg.gather [hbm4b:s7+s3], $0x80, v3, vm0, $0xb8;
	[tilespmem:$0x14180] =	vst v63  }
0x2a: {  	v3 =	vld [tilespmem:s26+$0x10];
	_ =	sdelay $0x4  }
0x2b: {  	v55 =	vshll.u32 v3, $0x2  }
0x2c: {  	v3 =	vand.u32 $0x7, v3;
	v4 =	vand.u32 $0xFFFFFFE0, v55  }
0x2d: {  	v3 =	vor.u32 v3, v4  }
0x2e: {  	v4 =	vperm.xlane v3, v0;
	_ =	sdelay $0x1  }
0x2f: {  	v4 =	vadd.s32 v1, v4;
	_ =	sdelay $0x1  }
0x30: {  	v3 =	vperm.xlane v3, v2;
	_ =	sdelay $0x1  }
0x31: {  	s28 =	simm.s32 $0x2180;
	v3 =	vadd.s32 v1, v3  }
0x32: {  	[tilespmem:s28], [sflag:$0x1] =	stream.indirect_vreg.gather [hbm4b:s1+s3], $0x80, v4, vm0, $0xb8;
	[tilespmem:$0x14180] =	vst v63  }
0x33: {  	s28 =	simm.s32 $0x2980  }
0x34: {  	[tilespmem:s28], [sflag:$0x1] =	stream.indirect_vreg.gather [hbm4b:s7+s3], $0x80, v4, vm0, $0xb8;
	[tilespmem:$0x14180] =	vst v63  }
0x35: {  	s28 =	simm.s32 $0x3180  }
0x36: {  	[tilespmem:s28], [sflag:$0x1] =	stream.indirect_vreg.gather [hbm4b:s1+s3], $0x80, v3, vm0, $0xb8;
	[tilespmem:$0x14180] =	vst v63  }
0x37: {  	s28 =	simm.s32 $0x3980  }
0x38: {  	[tilespmem:s28], [sflag:$0x1] =	stream.indirect_vreg.gather [hbm4b:s7+s3], $0x80, v3, vm0, $0xb8;
	[tilespmem:$0x14180] =	vst v63  }
0x39: {  	v3 =	vld [tilespmem:s26+$0x20];
	_ =	sdelay $0x4  }
0x3a: {  	v56 =	vshll.u32 v3, $0x2  }
0x3b: {  	v3 =	vand.u32 $0x7, v3;
	v4 =	vand.u32 $0xFFFFFFE0, v56  }
0x3c: {  	v3 =	vor.u32 v3, v4  }
0x3d: {  	v4 =	vperm.xlane v3, v0;
	_ =	sdelay $0x1  }
0x3e: {  	v4 =	vadd.s32 v1, v4;
	_ =	sdelay $0x1  }
0x3f: {  	v3 =	vperm.xlane v3, v2;
	_ =	sdelay $0x1  }
0x40: {  	s28 =	simm.s32 $0x4180;
	v3 =	vadd.s32 v1, v3  }
0x41: {  	[tilespmem:s28], [sflag:$0x1] =	stream.indirect_vreg.gather [hbm4b:s1+s3], $0x80, v4, vm0, $0xb8;
	[tilespmem:$0x14180] =	vst v63  }
0x42: {  	s28 =	simm.s32 $0x4980  }
0x43: {  	[tilespmem:s28], [sflag:$0x1] =	stream.indirect_vreg.gather [hbm4b:s7+s3], $0x80, v4, vm0, $0xb8;
	[tilespmem:$0x14180] =	vst v63  }
0x44: {  	s28 =	simm.s32 $0x5180  }
0x45: {  	[tilespmem:s28], [sflag:$0x1] =	stream.indirect_vreg.gather [hbm4b:s1+s3], $0x80, v3, vm0, $0xb8;
	[tilespmem:$0x14180] =	vst v63  }
0x46: {  	s28 =	simm.s32 $0x5980  }
0x47: {  	[tilespmem:s28], [sflag:$0x1] =	stream.indirect_vreg.gather [hbm4b:s7+s3], $0x80, v3, vm0, $0xb8;
	[tilespmem:$0x14180] =	vst v63  }
0x48: {  	v3 =	vld [tilespmem:s26+$0x30];
	_ =	sdelay $0x4  }
0x49: {  	v57 =	vshll.u32 v3, $0x2  }
0x4a: {  	v3 =	vand.u32 $0x7, v3;
	v4 =	vand.u32 $0xFFFFFFE0, v57  }
0x4b: {  	v3 =	vor.u32 v3, v4  }
0x4c: {  	v4 =	vperm.xlane v3, v0;
	_ =	sdelay $0x1  }
0x4d: {  	v4 =	vadd.s32 v1, v4;
	_ =	sdelay $0x1  }
0x4e: {  	v3 =	vperm.xlane v3, v2;
	_ =	sdelay $0x1  }
0x4f: {  	s28 =	simm.s32 $0x6180;
	v3 =	vadd.s32 v1, v3  }
0x50: {  	[tilespmem:s28], [sflag:$0x1] =	stream.indirect_vreg.gather [hbm4b:s1+s3], $0x80, v4, vm0, $0xb8;
	[tilespmem:$0x14180] =	vst v63  }
0x51: {  	s28 =	simm.s32 $0x6980  }
0x52: {  	[tilespmem:s28], [sflag:$0x1] =	stream.indirect_vreg.gather [hbm4b:s7+s3], $0x80, v4, vm0, $0xb8;
	[tilespmem:$0x14180] =	vst v63  }
0x53: {  	s28 =	simm.s32 $0x7180  }
0x54: {  	[tilespmem:s28], [sflag:$0x1] =	stream.indirect_vreg.gather [hbm4b:s1+s3], $0x80, v3, vm0, $0xb8;
	[tilespmem:$0x14180] =	vst v63  }
0x55: {  	s28 =	simm.s32 $0x7980  }
0x56: {  	[tilespmem:s28], [sflag:$0x1] =	stream.indirect_vreg.gather [hbm4b:s7+s3], $0x80, v3, vm0, $0xb8;
	[tilespmem:$0x14180] =	vst v63  }
0x57: {  	v3 =	vld [tilespmem:s26+$0x40];
	_ =	sdelay $0x4  }
0x58: {  	v58 =	vshll.u32 v3, $0x2  }
0x59: {  	v3 =	vand.u32 $0x7, v3;
	v4 =	vand.u32 $0xFFFFFFE0, v58  }
0x5a: {  	v3 =	vor.u32 v3, v4  }
0x5b: {  	v4 =	vperm.xlane v3, v0;
	_ =	sdelay $0x1  }
0x5c: {  	v4 =	vadd.s32 v1, v4;
	_ =	sdelay $0x1  }
0x5d: {  	v3 =	vperm.xlane v3, v2;
	_ =	sdelay $0x1  }
0x5e: {  	s28 =	simm.s32 $0x8180;
	v3 =	vadd.s32 v1, v3  }
0x5f: {  	[tilespmem:s28], [sflag:$0x1] =	stream.indirect_vreg.gather [hbm4b:s1+s3], $0x80, v4, vm0, $0xb8;
	[tilespmem:$0x14180] =	vst v63  }
0x60: {  	s28 =	simm.s32 $0x8980  }
0x61: {  	[tilespmem:s28], [sflag:$0x1] =	stream.indirect_vreg.gather [hbm4b:s7+s3], $0x80, v4, vm0, $0xb8;
	[tilespmem:$0x14180] =	vst v63  }
0x62: {  	_ = 	snop  }
0x63: {  	[tilespmem:s22], [sflag:$0x1] =	stream.indirect_vreg.gather [hbm4b:s1+s3], $0x80, v3, vm0, $0xb8;
	[tilespmem:$0x14180] =	vst v63  }
0x64: {  	_ = 	snop  }
0x65: {  	[tilespmem:s23], [sflag:$0x1] =	stream.indirect_vreg.gather [hbm4b:s7+s3], $0x80, v3, vm0, $0xb8;
	[tilespmem:$0x14180] =	vst v63  }
0x66: {  	s28 =	sadd.s32 s4, s26;
	_ =	swait.ge [sflag:s31], $0xA000  }
0x67: {  	s28 =	sshll.u32 s28, $0x6;
	[sflag:s31] =	ssyncset.done $0x0  }
0x68: {  	s28 =	sadd.s32 s5, s28;
	[sflag:s31] =	ssyncadd.s32 $0xFFFF6000  }
0x69: {  	[hbm4b:s28+s3] =	stream.linear.scatter [tilespmem:s10], [sflag:$0x2], $0xA000, $0x38;
	[tilespmem:$0x14180] =	vst v63  }
0x6a: {  	s28 =	simm.s32 @!p1 $0x3  }
0x6b: {  	_ =	swait.ge @!p1 [sflag:s28], $0xA000  }
0x6c: {  	[sflag:s28] =	ssyncset.done @!p1 $0x0  }
0x6d: {  	[sflag:s28] =	ssyncadd.s32 @!p1 $0xFFFF6000;
	s28 =	sor.u32 $0x50, s26  }
0x6e: {  	v3 =	vld [tilespmem:s28+$0x0];
	_ =	sdelay $0x4  }
0x6f: {  	v59 =	vshll.u32 v3, $0x2  }
0x70: {  	v3 =	vand.u32 $0x7, v3;
	v4 =	vand.u32 $0xFFFFFFE0, v59  }
0x71: {  	v3 =	vor.u32 v3, v4  }
0x72: {  	v4 =	vperm.xlane v3, v0;
	_ =	sdelay $0x1  }
0x73: {  	v4 =	vadd.s32 v1, v4;
	_ =	sdelay $0x1  }
0x74: {  	v3 =	vperm.xlane v3, v2;
	_ =	sdelay $0x1  }
0x75: {  	v3 =	vadd.s32 v1, v3  }
0x76: {  	[tilespmem:s2], [sflag:$0x1] =	stream.indirect_vreg.gather [hbm4b:s1+s3], $0x80, v4, vm0, $0xb8;
	[tilespmem:$0x14180] =	vst v63  }
0x77: {  	_ = 	snop  }
0x78: {  	[tilespmem:s24], [sflag:$0x1] =	stream.indirect_vreg.gather [hbm4b:s7+s3], $0x80, v4, vm0, $0xb8;
	[tilespmem:$0x14180] =	vst v63  }
0x79: {  	_ = 	snop  }
0x7a: {  	[tilespmem:s25], [sflag:$0x1] =	stream.indirect_vreg.gather [hbm4b:s1+s3], $0x80, v3, vm0, $0xb8;
	[tilespmem:$0x14180] =	vst v63  }
0x7b: {  	_ = 	snop  }
0x7c: {  	[tilespmem:s29], [sflag:$0x1] =	stream.indirect_vreg.gather [hbm4b:s7+s3], $0x80, v3, vm0, $0xb8;
	[tilespmem:$0x14180] =	vst v63  }
0x7d: {  	v3 =	vld [tilespmem:s26+$0x60];
	_ =	sdelay $0x4  }
0x7e: {  	v60 =	vshll.u32 v3, $0x2  }
0x7f: {  	v3 =	vand.u32 $0x7, v3;
	v4 =	vand.u32 $0xFFFFFFE0, v60  }
0x80: {  	v3 =	vor.u32 v3, v4  }
0x81: {  	v4 =	vperm.xlane v3, v0;
	_ =	sdelay $0x1  }
0x82: {  	v4 =	vadd.s32 v1, v4;
	_ =	sdelay $0x1  }
0x83: {  	v3 =	vperm.xlane v3, v2;
	_ =	sdelay $0x1  }
0x84: {  	v3 =	vadd.s32 v1, v3  }
0x85: {  	[tilespmem:s30], [sflag:$0x1] =	stream.indirect_vreg.gather [hbm4b:s1+s3], $0x80, v4, vm0, $0xb8;
	[tilespmem:$0x14180] =	vst v63  }
0x86: {  	_ = 	snop  }
0x87: {  	[tilespmem:s0], [sflag:$0x1] =	stream.indirect_vreg.gather [hbm4b:s7+s3], $0x80, v4, vm0, $0xb8;
	[tilespmem:$0x14180] =	vst v63  }
0x88: {  	_ = 	snop  }
0x89: {  	[tilespmem:s6], [sflag:$0x1] =	stream.indirect_vreg.gather [hbm4b:s1+s3], $0x80, v3, vm0, $0xb8;
	[tilespmem:$0x14180] =	vst v63  }
0x8a: {  	_ = 	snop  }
0x8b: {  	[tilespmem:s8], [sflag:$0x1] =	stream.indirect_vreg.gather [hbm4b:s7+s3], $0x80, v3, vm0, $0xb8;
	[tilespmem:$0x14180] =	vst v63  }
0x8c: {  	v3 =	vld [tilespmem:s26+$0x70];
	_ =	sdelay $0x4  }
0x8d: {  	v61 =	vshll.u32 v3, $0x2  }
0x8e: {  	v3 =	vand.u32 $0x7, v3;
	v4 =	vand.u32 $0xFFFFFFE0, v61  }
0x8f: {  	v3 =	vor.u32 v3, v4  }
0x90: {  	v4 =	vperm.xlane v3, v0;
	_ =	sdelay $0x1  }
0x91: {  	v4 =	vadd.s32 v1, v4;
	_ =	sdelay $0x1  }
0x92: {  	v3 =	vperm.xlane v3, v2;
	_ =	sdelay $0x1  }
0x93: {  	v3 =	vadd.s32 v1, v3  }
0x94: {  	[tilespmem:s9], [sflag:$0x1] =	stream.indirect_vreg.gather [hbm4b:s1+s3], $0x80, v4, vm0, $0xb8;
	[tilespmem:$0x14180] =	vst v63  }
0x95: {  	_ = 	snop  }
0x96: {  	[tilespmem:s11], [sflag:$0x1] =	stream.indirect_vreg.gather [hbm4b:s7+s3], $0x80, v4, vm0, $0xb8;
	[tilespmem:$0x14180] =	vst v63  }
0x97: {  	_ = 	snop  }
0x98: {  	[tilespmem:s12], [sflag:$0x1] =	stream.indirect_vreg.gather [hbm4b:s1+s3], $0x80, v3, vm0, $0xb8;
	[tilespmem:$0x14180] =	vst v63  }
0x99: {  	_ = 	snop  }
0x9a: {  	[tilespmem:s13], [sflag:$0x1] =	stream.indirect_vreg.gather [hbm4b:s7+s3], $0x80, v3, vm0, $0xb8;
	[tilespmem:$0x14180] =	vst v63  }
0x9b: {  	v3 =	vld [tilespmem:s26+$0x80];
	_ =	sdelay $0x4  }
0x9c: {  	v62 =	vshll.u32 v3, $0x2  }
0x9d: {  	v3 =	vand.u32 $0x7, v3;
	v4 =	vand.u32 $0xFFFFFFE0, v62  }
0x9e: {  	v3 =	vor.u32 v3, v4  }
0x9f: {  	v4 =	vperm.xlane v3, v0;
	_ =	sdelay $0x1  }
0xa0: {  	v4 =	vadd.s32 v1, v4;
	_ =	sdelay $0x1  }
0xa1: {  	v3 =	vperm.xlane v3, v2;
	_ =	sdelay $0x1  }
0xa2: {  	v3 =	vadd.s32 v1, v3  }
0xa3: {  	[tilespmem:s14], [sflag:$0x1] =	stream.indirect_vreg.gather [hbm4b:s1+s3], $0x80, v4, vm0, $0xb8;
	[tilespmem:$0x14180] =	vst v63  }
0xa4: {  	_ = 	snop  }
0xa5: {  	[tilespmem:s15], [sflag:$0x1] =	stream.indirect_vreg.gather [hbm4b:s7+s3], $0x80, v4, vm0, $0xb8;
	[tilespmem:$0x14180] =	vst v63  }
0xa6: {  	_ = 	snop  }
0xa7: {  	[tilespmem:s16], [sflag:$0x1] =	stream.indirect_vreg.gather [hbm4b:s1+s3], $0x80, v3, vm0, $0xb8;
	[tilespmem:$0x14180] =	vst v63  }
0xa8: {  	_ = 	snop  }
0xa9: {  	[tilespmem:s17], [sflag:$0x1] =	stream.indirect_vreg.gather [hbm4b:s7+s3], $0x80, v3, vm0, $0xb8;
	[tilespmem:$0x14180] =	vst v63  }
0xaa: {  	v3 =	vld [tilespmem:s26+$0x90];
	_ =	sdelay $0x4  }
0xab: {  	v63 =	vshll.u32 v3, $0x2  }
0xac: {  	v3 =	vand.u32 $0x7, v3;
	v4 =	vand.u32 $0xFFFFFFE0, v63  }
0xad: {  	v3 =	vor.u32 v3, v4  }
0xae: {  	v4 =	vperm.xlane v3, v0;
	_ =	sdelay $0x1  }
0xaf: {  	v4 =	vadd.s32 v1, v4;
	_ =	sdelay $0x1  }
0xb0: {  	v3 =	vperm.xlane v3, v2;
	_ =	sdelay $0x1  }
0xb1: {  	v3 =	vadd.s32 v1, v3  }
0xb2: {  	[tilespmem:s18], [sflag:$0x1] =	stream.indirect_vreg.gather [hbm4b:s1+s3], $0x80, v4, vm0, $0xb8;
	[tilespmem:$0x14180] =	vst v63  }
0xb3: {  	_ = 	snop  }
0xb4: {  	[tilespmem:s19], [sflag:$0x1] =	stream.indirect_vreg.gather [hbm4b:s7+s3], $0x80, v4, vm0, $0xb8;
	[tilespmem:$0x14180] =	vst v63  }
0xb5: {  	_ = 	snop  }
0xb6: {  	[tilespmem:s20], [sflag:$0x1] =	stream.indirect_vreg.gather [hbm4b:s1+s3], $0x80, v3, vm0, $0xb8;
	[tilespmem:$0x14180] =	vst v63  }
0xb7: {  	p0 =	por p1, p1  }
0xb8: {  	[tilespmem:s21], [sflag:$0x1] =	stream.indirect_vreg.gather [hbm4b:s7+s3], $0x80, v3, vm0, $0xb8;
	[tilespmem:$0x14180] =	vst v63  }
.Ltmp0:
0xb9: {  	s28 =	sadd.s32 s4, s28;
	_ =	swait.ge [sflag:s31], $0xA000;
	(pc) =	sbr.rel @p0 .LBB2_2-.Ltmp0, $4  }
0xba: {  	s26 =	sshll.u32 s28, $0x6;
	[sflag:s31] =	ssyncset.done $0x0  }
0xbb: {  	s26 =	sadd.s32 s5, s26;
	[sflag:s31] =	ssyncadd.s32 $0xFFFF6000  }
0xbc: {  	[hbm4b:s26+s3] =	stream.linear.scatter [tilespmem:s2], [sflag:$0x3], $0xA000, $0x38;
	[tilespmem:$0x14180] =	vst v63  }
0xbd: {  	p1 =	por $0x0, $0x0;
	s26 =	simm.s32 $0xA0  }
0xbe: {  	s0 =	simm.s32 $0x2  }
0xbf: {  	_ =	swait.ge [sflag:s0], $0xA000  }
0xc0: {  	[sflag:s0] =	ssyncset.done $0x0  }
0xc1: {  	s28 =	simm.s32 $0x3;
	[sflag:s0] =	ssyncadd.s32 $0xFFFF6000  }
0xc2: {  	_ =	swait.ge [sflag:s28], $0xA000  }
0xc3: {  	s6 =	rddreg [dreg:$0x6]  }
0xc4: {  	s26 =	rddreg [dreg:$0x5];
	s6 =	sadd.s32 $0x1, s6  }
0xc5: {  	p0 =	sne.s32 s6, s26  }
.Ltmp1:
0xc6: {  	_ = 	snop;
	(pc) =	sbr.rel @p0 .LBB2_1-.Ltmp1, $3  }
0xc7: {  	_ =	sdelay $0x1  }
0xc8: {  	[sflag:s28] =	ssyncset.done $0x0  }
0xc9: {  	[sflag:s28] =	ssyncadd.s32 $0xFFFF6000  }
0xca: {  	_ =	sfence.sel $0x180000  }
0xcb: {  	[bflag:$0x0] =	sbarrier.arrive $0xFFFF  }
0xcc: {  	_ =	strace $0x90000047  }
0xcd: {  	s0 =	stileid.u32;
	[bflag:$0x2] =	sbarrier.arrive $0xFFFF  }
0xce: {  	p0 =	sne.s32 s0, $0x0;
	s0 =	rddreg [dreg:$0x3]  }
0xcf: {  	s0 =	sadd.s32 @!p0 $0x100000, s0  }
0xd0: {  	[sflag:s0] =	ssyncadd.tile.s32 @!p0 $0x1;
	_ =	shalt  }
.Lfunc_end2:
_tile_overlayer_lowered:
.L_overlay_start_2:
0xd1: {  	(tag) =	ssettag $0x2  }
0xd2: {  	s0 =	rddreg [dreg:$0x0];
	s2 =	stileid.u32  }
0xd3: {  	s1 =	rddreg [dreg:$0x1];
	p0 =	sne.s32 s2, $0x0  }
0xd4: {  	s3 =	rddreg [dreg:$0x2];
	[bflag:$0x3] =	sbarrier.arrive $0xFFFF;
	s2 =	simm.s32 @!p0 $0x1C04  }
0xd5: {  	[timem:s3], [sflag:s2] =	dma.local @!p0 [hbm:s0], s1  }
0xd6: {  	s0 =	simm.s32 @!p0 $0x4  }
0xd7: {  	_ =	swait.ge @!p0 [sflag:s0], s1  }
0xd8: {  	s1 =	ssub.s32 @!p0 $0x0, s1;
	[sflag:s0] =	ssyncset.done @!p0 $0x0  }
0xd9: {  	[sflag:s0] =	ssyncadd.s32 @!p0 s1  }
0xda: {  	[bflag:$0x3] =	sbarrier.arrive $0xFFFF  }
0xdb: {  	_ =	shalt  }

// kernel: kernel.15.cloned.1.call-start
scs
__scs_entry_jumppad:
0x0: {  	(pc) =	sbr.rel $0x88, $3  }
0x1: {  	(tag) =	ssettag $0x0;
	lr =	simm.s32 $0x1  }
0x2: {  	[smem:$0x3F99] =	sst lr;
	_ =	strace $0xD0000000  }
0x3: {  	_ = 	snop  }
0x4: {  	_ = 	snop  }
0x5: {  	_ = 	snop  }
0x6: {  	_ = 	snop  }
0x7: {  	_ = 	snop  }
__scs_overlays_trampoline_lowered:
0x8: {  	[smem:$0x3FA8] =	sst s0  }
0x9: {  	[smem:$0x3FA9] =	sst s1  }
0xa: {  	[smem:$0x3FAA] =	sst s2  }
0xb: {  	[smem:$0x3FAB] =	sst s3  }
0xc: {  	[smem:$0x3FAC] =	sst s4  }
0xd: {  	[smem:$0x3FAD] =	sst s5  }
0xe: {  	[smem:$0x3FAE] =	sst s6  }
0xf: {  	[smem:$0x3FAF] =	sst s7  }
0x10: {  	[smem:$0x3FB0] =	sst s8  }
0x11: {  	[smem:$0x3FB1] =	sst s9;
	s0 =	simm.s32 @!p0 $0x0  }
0x12: {  	s1 =	sld [smem:$0x3F97];
	s0 =	simm.s32 @p0 $0x1  }
0x13: {  	[smem:$0x3FB2] =	sst s0;
	s0 =	simm.s32 @!p1 $0x0  }
0x14: {  	s2 =	sld [smem:$0x3F96];
	s0 =	simm.s32 @p1 $0x1  }
0x15: {  	[smem:$0x3FB3] =	sst s0;
	s0 =	simm.s32 @!p2 $0x0  }
0x16: {  	s3 =	sld [smem:$0x3FDB];
	s0 =	simm.s32 @p2 $0x1  }
0x17: {  	s4 =	simm.s32 $0x1BF5;
	[smem:$0x3FB5] =	sst s0  }
0x18: {  	s0 =	sld [smem:$0x3F98];
	_ =	swait.ge [sflag:s4], $0x0  }
0x19: {  	s7 =	sld [smem:$0x3F99]  }
0x1a: {  	s8 =	sadd.s32 $0xFFFFE003, lr  }
0x1b: {  	s9 =	sadd.s32 $0xFFFFFEF7, lr;
	s5 =	simm.s32 $0xFFFFFFFF;
	p2 =	slt.u32 s8, $0xFFFFF086  }
0x1c: {  	p1 =	slt.u32 s9, $0xF7A;
	s5 =	simm.s32 @!p2 $0x0  }
0x1d: {  	s5 =	simm.s32 @p1 $0x1;
	p0 =	seq.s32 s7, s2  }
0x1e: {  	s7 =	smul.u32 @!p0 $0xF7A, s2;
	p2 =	seq.s32 @!p0 s5, $0x0  }
0x1f: {  	s9 =	smul.u32 $0xF7A, s1;
	s8 =	simm.s32 @!p0 $0x1BF5;
	p2 =	por !p2, p0  }
0x20: {  	[sflag:s8] =	ssyncset.s32 @!p0 $0xFFFFF086;
	s6 =	sadd.s32 @!p0 s3, s7;
	s7 =	simm.s32 @!p0 $0x108  }
0x21: {  	s3 =	sadd.s32 s3, s9;
	s6 =	sadd.s32 @!p0 $0x88, s6;
	s7 =	simm.s32 @p2 $0x1082  }
0x22: {  	[simem:s7], [sflag:s8] =	dma.local @!p0 [hbm:s6], $0xF7A  }
0x23: {  	s9 =	sor.u32 $0xD0000000, s2;
	s6 =	simm.s32 $0x108;
	_ =	swait.ge @!p0 [sflag:s8], $0x0  }
0x24: {  	s3 =	sadd.s32 $0x88, s3;
	s6 =	simm.s32 @!p1 $0x1082;
	[sflag:s4] =	ssyncset.s32 $0xFFFFF086  }
0x25: {  	[simem:s6], [sflag:s4] =	dma.local [hbm:s3], $0xF7A  }
0x26: {  	[smem:$0x3F99] =	sst s1;
	(tag) =	ssettag s2;
	_ =	strace s9  }
0x27: {  	s1 =	sld [smem:$0x3FA9]  }
0x28: {  	s2 =	sld [smem:$0x3FAA]  }
0x29: {  	s4 =	sld [smem:$0x3FAC]  }
0x2a: {  	p0 =	seq.s32 s5, $0x0;
	s5 =	sld [smem:$0x3FAD]  }
0x2b: {  	s6 =	sld [smem:$0x3FAE]  }
0x2c: {  	s7 =	sld [smem:$0x3FAF]  }
0x2d: {  	s3 =	simm.s32 $0x108;
	s8 =	sld [smem:$0x3FB0]  }
0x2e: {  	s3 =	simm.s32 @!p0 $0x1082;
	s9 =	sld [smem:$0x3FB1]  }
0x2f: {  	lr =	sadd.s32 s0, s3;
	s0 =	sld [smem:$0x3FA8]  }
0x30: {  	s3 =	sld [smem:$0x3FAB]  }
0x31: {  	[smem:$0x3FB4] =	sst s10  }
0x32: {  	s10 =	sld [smem:$0x3FB2];
	_ =	sdelay $0x3  }
0x33: {  	p0 =	seq.s32 s10, $0x1;
	s10 =	sld [smem:$0x3FB4];
	_ =	sdelay $0x3  }
0x34: {  	[smem:$0x3FB4] =	sst s10  }
0x35: {  	s10 =	sld [smem:$0x3FB3];
	_ =	sdelay $0x3  }
0x36: {  	p1 =	seq.s32 s10, $0x1;
	s10 =	sld [smem:$0x3FB4];
	_ =	sdelay $0x3  }
0x37: {  	[smem:$0x3FB4] =	sst s10  }
0x38: {  	s10 =	sld [smem:$0x3FB5]  }
0x39: {  	_ = 	snop;
	(pc) =	sbr.ind lr, $3  }
0x3a: {  	_ = 	snop  }
0x3b: {  	_ = 	snop  }
0x3c: {  	p2 =	seq.s32 s10, $0x1;
	s10 =	sld [smem:$0x3FB4]  }
0x3d: {  	_ =	shalt  }
0x3e: {  	_ =	shalt  }
0x3f: {  	_ =	shalt  }
0x40: {  	_ =	shalt  }
0x41: {  	_ =	shalt  }
0x42: {  	_ =	shalt  }
0x43: {  	_ =	shalt  }
0x44: {  	_ =	shalt  }
0x45: {  	_ =	shalt  }
0x46: {  	_ =	shalt  }
0x47: {  	_ =	shalt  }
0x48: {  	_ =	shalt  }
0x49: {  	_ =	shalt  }
0x4a: {  	_ =	shalt  }
0x4b: {  	_ =	shalt  }
0x4c: {  	_ =	shalt  }
0x4d: {  	_ =	shalt  }
0x4e: {  	_ =	shalt  }
0x4f: {  	_ =	shalt  }
0x50: {  	_ =	shalt  }
0x51: {  	_ =	shalt  }
0x52: {  	_ =	shalt  }
0x53: {  	_ =	shalt  }
0x54: {  	_ =	shalt  }
0x55: {  	_ =	shalt  }
0x56: {  	_ =	shalt  }
0x57: {  	_ =	shalt  }
0x58: {  	_ =	shalt  }
0x59: {  	_ =	shalt  }
0x5a: {  	_ =	shalt  }
0x5b: {  	_ =	shalt  }
0x5c: {  	_ =	shalt  }
0x5d: {  	_ =	shalt  }
0x5e: {  	_ =	shalt  }
0x5f: {  	_ =	shalt  }
0x60: {  	_ =	shalt  }
0x61: {  	_ =	shalt  }
0x62: {  	_ =	shalt  }
0x63: {  	_ =	shalt  }
0x64: {  	_ =	shalt  }
0x65: {  	_ =	shalt  }
0x66: {  	_ =	shalt  }
0x67: {  	_ =	shalt  }
0x68: {  	_ =	shalt  }
0x69: {  	_ =	shalt  }
0x6a: {  	_ =	shalt  }
0x6b: {  	_ =	shalt  }
0x6c: {  	_ =	shalt  }
0x6d: {  	_ =	shalt  }
0x6e: {  	_ =	shalt  }
0x6f: {  	_ =	shalt  }
0x70: {  	_ =	shalt  }
0x71: {  	_ =	shalt  }
0x72: {  	_ =	shalt  }
0x73: {  	_ =	shalt  }
0x74: {  	_ =	shalt  }
0x75: {  	_ =	shalt  }
0x76: {  	_ =	shalt  }
0x77: {  	_ =	shalt  }
0x78: {  	_ =	shalt  }
0x79: {  	_ =	shalt  }
0x7a: {  	_ =	shalt  }
0x7b: {  	_ =	shalt  }
0x7c: {  	_ =	shalt  }
0x7d: {  	_ =	shalt  }
0x7e: {  	_ =	shalt  }
0x7f: {  	_ =	shalt  }
0x80: {  	_ =	shalt  }
0x81: {  	_ =	shalt  }
0x82: {  	_ =	shalt  }
0x83: {  	_ =	shalt  }
0x84: {  	_ =	shalt  }
0x85: {  	_ =	shalt  }
0x86: {  	_ =	shalt  }
0x87: {  	_ =	shalt  }
.Lfunc_end0:
.L_simem_size_0:
called_computation.1_lowered:
.L_overlay_start_0:
0x88: {  	s2 =	sld [smem:$0x3FD9]  }
0x89: {  	s3 =	sld [smem:$0x3FFE];
	_ =	sdelay $0x1  }
0x8a: {  	s1 =	srdreg.scid  }
0x8b: {  	s0 =	sand.u32 $0x1, s1  }
0x8c: {  	s17 =	sshll.u32 s0, $0xA;
	s2 =	sadd.s32 s3, s2  }
0x8d: {  	s2 =	sadd.s32 s2, s17  }
0x8e: {  	[smem:$0x3FC0] =	sst s2  }
0x8f: {  	_ = 	snop  }
0x90: {  	s18 =	sld [smem:$0x3FC6];
	(tm) =	ssettm $0x1  }
0x91: {  	s19 =	sld [smem:$0x3FFB];
	_ =	sdelay $0x3  }
0x92: {  	_ =	strace s19  }
0x93: {  	s2 =	sld [smem:$0x3FFC];
	_ =	sdelay $0x3  }
0x94: {  	_ =	strace s2  }
0x95: {  	s2 =	sld [smem:$0x3FFD];
	_ =	sdelay $0x3  }
0x96: {  	_ =	strace s2  }
0x97: {  	_ =	strace $0x8FFFFFFF  }
0x98: {  	s20 =	sld [smem:$0x3FDB];
	_ =	sdelay $0x1  }
0x99: {  	s4 =	simm.s32 $_scs_section_size  }
0x9a: {  	s5 =	simm.s32 $_size__tile_overlayer_lowered;
	s6 =	simm.s32 $_tile_overlayer_lowered  }
0x9b: {  	s7 =	simm.s32 $0x1BFF;
	s21 =	sshll.u32 s6, $0x1;
	s4 =	sadd.s32 s4, s20  }
0x9c: {  	s22 =	simm.s32 $0x0;
	s5 =	sshll.u32 s5, $0x1;
	s6 =	sadd.s32 s21, s4  }
0x9d: {  	[timem:s22], [sflag:s7] =	dma.local [hbm:s6], s5  }
0x9e: {  	_ =	swait.ge [sflag:s7], s5  }
0x9f: {  	s5 =	ssub.s32 $0x0, s5;
	[sflag:s7] =	ssyncset.done $0x0  }
0xa0: {  	[sflag:s7] =	ssyncadd.s32 s5;
	_ =	sdelay $0x1  }
0xa1: {  	s23 =	simm.s32 $0x1B8B  }
0xa2: {  	_ =	swait.ge [sflag:s23], $0x1  }
0xa3: {  	[sflag:s23] =	ssyncset.done $0x0  }
0xa4: {  	[sflag:s23] =	ssyncadd.s32 $0xFFFFFFFF  }
0xa5: {  	s5 =	sld [smem:$0x0]  }
0xa6: {  	s6 =	sand.u32 $0xFFFFFFFE, s1  }
0xa7: {  	p0 =	sne.s32 s1, s6  }
0xa8: {  	s6 =	sshll.u32 @p0 s6, $0xE  }
0xa9: {  	s6 =	sadd.s32 @p0 $0x11B8D, s6;
	s7 =	sshll.u32 @p0 s5, $0x11  }
0xaa: {  	s6 =	sor.u32 @p0 s7, s6  }
0xab: {  	[sflag:s6] =	ssyncadd.remote.s32 @p0 $0x1;
	_ =	sdelay $0x1  }
0xac: {  	s6 =	simm.s32 @p0 $0x1B8D  }
0xad: {  	_ =	swait.eq @p0 [sflag:s6], $0x1  }
0xae: {  	[sflag:s6] =	ssyncadd.s32 @p0 $0xFFFFFFFF  }
0xaf: {  	s7 =	sshll.u32 @!p0 s1, $0xE  }
0xb0: {  	s7 =	sor.u32 @!p0 $0x4000, s7;
	s6 =	simm.s32 @!p0 $0x1B8D  }
0xb1: {  	s5 =	sshll.u32 @!p0 s5, $0x11;
	s7 =	sadd.s32 @!p0 $0x11B8D, s7;
	_ =	swait.eq @!p0 [sflag:s6], $0x1  }
0xb2: {  	s5 =	sor.u32 @!p0 s5, s7;
	[sflag:s6] =	ssyncadd.s32 @!p0 $0xFFFFFFFF  }
0xb3: {  	s25 =	simm.s32 $0x1B8E;
	s24 =	sld [smem:$0x3FFE];
	[sflag:s5] =	ssyncadd.remote.s32 @!p0 $0x1  }
0xb4: {  	s26 =	simm.s32 $execute0_lowered;
	[smem:$0x3FD2] =	sst s25  }
0xb5: {  	s6 =	sshll.u32 s26, $0x1;
	_ =	strace $0x80000049;
	[dreg:$0x1] =	wrdreg $0xFFFFFFFF  }
0xb6: {  	s28 =	simm.s32 $_size_execute0_lowered;
	s4 =	sadd.s32 s4, s6;
	[dreg:$0x0] =	wrdreg $0x0  }
0xb7: {  	s6 =	sshll.u32 s28, $0x1;
	[dreg:$0x2] =	wrdreg s4  }
0xb8: {  	[dreg:$0x3] =	wrdreg s6  }
0xb9: {  	[dreg:$0x4] =	wrdreg $0xC0  }
0xba: {  	_ =	task [dreg:s22], $0x5FFFF  }
0xbb: {  	[dreg:$0x1] =	wrdreg $0xFFFFFFFF  }
0xbc: {  	[dreg:$0x0] =	wrdreg $0x60  }
0xbd: {  	[dreg:$0x2] =	wrdreg s18  }
0xbe: {  	[dreg:$0x3] =	wrdreg s24  }
0xbf: {  	[dreg:$0x4] =	wrdreg $0xA  }
0xc0: {  	_ =	task.clear_ibuf [dreg:s22], $0x5FFFF;
	_ =	strace $0x90000049  }
0xc1: {  	s29 =	simm.s32 $0xA;
	_ =	strace $0x8000004B  }
0xc2: {  	_ =	swait.ge [sflag:s29], $0x1  }
0xc3: {  	[sflag:s29] =	ssyncadd.s32 $0xFFFFFFFF  }
0xc4: {  	_ =	strace $0x9000004B  }
0xc5: {  	_ =	sfence  }
0xc6: {  	s30 =	sld [smem:$0x0];
	_ =	sdelay $0x2  }
0xc7: {  	s31 =	sshll.u32 s1, $0xD;
	s1 =	sshrl.u32 s1, $0x2  }
0xc8: {  	s4 =	sand.u32 $0x4000, s31;
	s1 =	sadd.s32 s1, s30  }
0xc9: {  	s0 =	sor.u32 s4, s0;
	s1 =	sshll.u32 s1, $0x11  }
0xca: {  	s0 =	sor.u32 s1, s0  }
0xcb: {  	s0 =	sadd.s32 $0x8F2B, s0  }
0xcc: {  	[sflag:s0] =	ssyncadd.remote.s32 $0x1  }
0xcd: {  	_ =	sfence.sel $0xFFFF  }
0xce: {  	[dreg:$0x0] =	wrdreg $0xFFFFFFFF;
	(pc) =	sbr.abs _section_cstart, $3  }
0xcf: {  	[dreg:$0x1] =	wrdreg $0xFFFFFFFF  }
0xd0: {  	_ =	task.clear_ibuf [dreg:s22], $0x2FFFF;
	_ =	strace $0x9FFFFFFF  }
0xd1: {  	(tm) =	ssettm $0x7FFFFFFF  }
tec
execute0_lowered:
.L_overlay_start_1:
0x0: {  	(tag) =	ssettag $0x1  }
0x1: {  	s0 =	srdreg.scid  }
0x2: {  	s1 =	stileid.u32;
	s2 =	rddreg [dreg:$0x0]  }
0x3: {  	s5 =	rddreg [dreg:$0x1];
	s3 =	simm.s32 $0x0;
	s10 =	simm.s32 $0x180  }
0x4: {  	s31 =	simm.s32 $0x1;
	s22 =	simm.s32 $0x9180;
	s23 =	simm.s32 $0x9980  }
0x5: {  	s24 =	simm.s32 $0xA980;
	s25 =	simm.s32 $0xB180;
	s29 =	simm.s32 $0xB980  }
0x6: {  	s30 =	simm.s32 $0xC180;
	s8 =	simm.s32 $0xD980;
	s9 =	simm.s32 $0xE180  }
0x7: {  	s11 =	simm.s32 $0xE980;
	s12 =	simm.s32 $0xF180;
	s13 =	simm.s32 $0xF980  }
0x8: {  	s14 =	simm.s32 $0x10180;
	s15 =	simm.s32 $0x10980;
	s16 =	simm.s32 $0x11180  }
0x9: {  	s17 =	simm.s32 $0x11980;
	s0 =	sand.u32 $0x1, s0;
	s1 =	sshll.u32 s1, $0x1  }
0xa: {  	s18 =	simm.s32 $0x12180;
	s19 =	simm.s32 $0x12980;
	s1 =	sor.u32 s0, s1  }
0xb: {  	s20 =	simm.s32 $0x13180;
	s0 =	ssub.s32 $0x2, s0;
	s4 =	smul.u32 $0x140, s1  }
0xc: {  	s21 =	simm.s32 $0x13980;
	[smem:$0x7FF] =	sst s3;
	s6 =	sshrl.u32 s0, $0x1  }
0xd: {  	s7 =	sadd.s32 $0x100, s2;
	s0 =	ssub.s32 s0, s6;
	s1 =	sshrl.u32 s4, $0x3  }
0xe: {  	v2 =	vlaneseq.u32;
	_ =	strace $0x8000004A;
	s0 =	smax.u32 s0, $0x1;
	s1 =	sadd.s32 s1, s5  }
0xf: {  	vm0 =	vmmov $0xffff;
	v1 =	vshrl.u32 v2, $0x3;
	s6 =	simm.s32 $0x0;
	[dreg:$0x4] =	wrdreg s0;
	s1 =	sadd.s32 $0xA2400, s1  }
0x10: {  	v0 =	vand.u32 $0x7, v2;
	v2 =	vor.u32 $0x8, v2;
	v1 =	vmul.u32 $0x8, v1;
	s5 =	sadd.s32 $0xA3C00, s5;
	[dreg:$0x3] =	wrdreg s1;
	s1 =	simm.s32 $0xA180  }
.LBB2_1:
0x11: {  	[dreg:$0x5] =	wrdreg s6  }
0x12: {  	s26 =	rddreg [dreg:$0x3];
	s28 =	simm.s32 $0x4  }
0x13: {  	[tilespmem:s3], [sflag:$0x4] =	stream.linear.gather [hbm4b:s26+s3], $0x140, $0x38;
	[tilespmem:$0x14180] =	vst v63  }
0x14: {  	_ =	swait.ge [sflag:s28], $0x140  }
0x15: {  	p1 =	por $0x1, $0x1;
	s0 =	simm.s32 $0xC980;
	[sflag:s28] =	ssyncset.done $0x0  }
0x16: {  	s6 =	simm.s32 $0xD180;
	s26 =	simm.s32 $0x0;
	[sflag:s28] =	ssyncadd.s32 $0xFFFFFEC0  }
.LBB2_2:
0x17: {  	s28 =	simm.s32 @!p1 $0x2  }
0x18: {  	_ =	swait.ge @!p1 [sflag:s28], $0xA000  }
0x19: {  	[sflag:s28] =	ssyncset.done @!p1 $0x0  }
0x1a: {  	[sflag:s28] =	ssyncadd.s32 @!p1 $0xFFFF6000  }
0x1b: {  	v3 =	vld [tilespmem:s26+$0x0];
	_ =	sdelay $0x4  }
0x1c: {  	v4 =	vshll.u32 v3, $0x2  }
0x1d: {  	v3 =	vand.u32 $0x7, v3;
	v4 =	vand.u32 $0xFFFFFFE0, v4  }
0x1e: {  	v3 =	vor.u32 v3, v4  }
0x1f: {  	v4 =	vperm.xlane v3, v0;
	_ =	sdelay $0x1  }
0x20: {  	v4 =	vadd.s32 v1, v4;
	_ =	sdelay $0x1  }
0x21: {  	v3 =	vperm.xlane v3, v2;
	_ =	sdelay $0x1  }
0x22: {  	v3 =	vadd.s32 v1, v3  }
0x23: {  	[tilespmem:s10], [sflag:$0x1] =	stream.indirect_vreg.gather [hbm4b:s2+s3], $0x80, v4, vm0, $0xb8;
	[tilespmem:$0x14180] =	vst v63  }
0x24: {  	s28 =	simm.s32 $0x980  }
0x25: {  	[tilespmem:s28], [sflag:$0x1] =	stream.indirect_vreg.gather [hbm4b:s7+s3], $0x80, v4, vm0, $0xb8;
	[tilespmem:$0x14180] =	vst v63  }
0x26: {  	s28 =	simm.s32 $0x1180  }
0x27: {  	[tilespmem:s28], [sflag:$0x1] =	stream.indirect_vreg.gather [hbm4b:s2+s3], $0x80, v3, vm0, $0xb8;
	[tilespmem:$0x14180] =	vst v63  }
0x28: {  	s28 =	simm.s32 $0x1980  }
0x29: {  	[tilespmem:s28], [sflag:$0x1] =	stream.indirect_vreg.gather [hbm4b:s7+s3], $0x80, v3, vm0, $0xb8;
	[tilespmem:$0x14180] =	vst v63  }
0x2a: {  	v3 =	vld [tilespmem:s26+$0x10];
	_ =	sdelay $0x4  }
0x2b: {  	v55 =	vshll.u32 v3, $0x2  }
0x2c: {  	v3 =	vand.u32 $0x7, v3;
	v4 =	vand.u32 $0xFFFFFFE0, v55  }
0x2d: {  	v3 =	vor.u32 v3, v4  }
0x2e: {  	v4 =	vperm.xlane v3, v0;
	_ =	sdelay $0x1  }
0x2f: {  	v4 =	vadd.s32 v1, v4;
	_ =	sdelay $0x1  }
0x30: {  	v3 =	vperm.xlane v3, v2;
	_ =	sdelay $0x1  }
0x31: {  	s28 =	simm.s32 $0x2180;
	v3 =	vadd.s32 v1, v3  }
0x32: {  	[tilespmem:s28], [sflag:$0x1] =	stream.indirect_vreg.gather [hbm4b:s2+s3], $0x80, v4, vm0, $0xb8;
	[tilespmem:$0x14180] =	vst v63  }
0x33: {  	s28 =	simm.s32 $0x2980  }
0x34: {  	[tilespmem:s28], [sflag:$0x1] =	stream.indirect_vreg.gather [hbm4b:s7+s3], $0x80, v4, vm0, $0xb8;
	[tilespmem:$0x14180] =	vst v63  }
0x35: {  	s28 =	simm.s32 $0x3180  }
0x36: {  	[tilespmem:s28], [sflag:$0x1] =	stream.indirect_vreg.gather [hbm4b:s2+s3], $0x80, v3, vm0, $0xb8;
	[tilespmem:$0x14180] =	vst v63  }
0x37: {  	s28 =	simm.s32 $0x3980  }
0x38: {  	[tilespmem:s28], [sflag:$0x1] =	stream.indirect_vreg.gather [hbm4b:s7+s3], $0x80, v3, vm0, $0xb8;
	[tilespmem:$0x14180] =	vst v63  }
0x39: {  	v3 =	vld [tilespmem:s26+$0x20];
	_ =	sdelay $0x4  }
0x3a: {  	v56 =	vshll.u32 v3, $0x2  }
0x3b: {  	v3 =	vand.u32 $0x7, v3;
	v4 =	vand.u32 $0xFFFFFFE0, v56  }
0x3c: {  	v3 =	vor.u32 v3, v4  }
0x3d: {  	v4 =	vperm.xlane v3, v0;
	_ =	sdelay $0x1  }
0x3e: {  	v4 =	vadd.s32 v1, v4;
	_ =	sdelay $0x1  }
0x3f: {  	v3 =	vperm.xlane v3, v2;
	_ =	sdelay $0x1  }
0x40: {  	s28 =	simm.s32 $0x4180;
	v3 =	vadd.s32 v1, v3  }
0x41: {  	[tilespmem:s28], [sflag:$0x1] =	stream.indirect_vreg.gather [hbm4b:s2+s3], $0x80, v4, vm0, $0xb8;
	[tilespmem:$0x14180] =	vst v63  }
0x42: {  	s28 =	simm.s32 $0x4980  }
0x43: {  	[tilespmem:s28], [sflag:$0x1] =	stream.indirect_vreg.gather [hbm4b:s7+s3], $0x80, v4, vm0, $0xb8;
	[tilespmem:$0x14180] =	vst v63  }
0x44: {  	s28 =	simm.s32 $0x5180  }
0x45: {  	[tilespmem:s28], [sflag:$0x1] =	stream.indirect_vreg.gather [hbm4b:s2+s3], $0x80, v3, vm0, $0xb8;
	[tilespmem:$0x14180] =	vst v63  }
0x46: {  	s28 =	simm.s32 $0x5980  }
0x47: {  	[tilespmem:s28], [sflag:$0x1] =	stream.indirect_vreg.gather [hbm4b:s7+s3], $0x80, v3, vm0, $0xb8;
	[tilespmem:$0x14180] =	vst v63  }
0x48: {  	v3 =	vld [tilespmem:s26+$0x30];
	_ =	sdelay $0x4  }
0x49: {  	v57 =	vshll.u32 v3, $0x2  }
0x4a: {  	v3 =	vand.u32 $0x7, v3;
	v4 =	vand.u32 $0xFFFFFFE0, v57  }
0x4b: {  	v3 =	vor.u32 v3, v4  }
0x4c: {  	v4 =	vperm.xlane v3, v0;
	_ =	sdelay $0x1  }
0x4d: {  	v4 =	vadd.s32 v1, v4;
	_ =	sdelay $0x1  }
0x4e: {  	v3 =	vperm.xlane v3, v2;
	_ =	sdelay $0x1  }
0x4f: {  	s28 =	simm.s32 $0x6180;
	v3 =	vadd.s32 v1, v3  }
0x50: {  	[tilespmem:s28], [sflag:$0x1] =	stream.indirect_vreg.gather [hbm4b:s2+s3], $0x80, v4, vm0, $0xb8;
	[tilespmem:$0x14180] =	vst v63  }
0x51: {  	s28 =	simm.s32 $0x6980  }
0x52: {  	[tilespmem:s28], [sflag:$0x1] =	stream.indirect_vreg.gather [hbm4b:s7+s3], $0x80, v4, vm0, $0xb8;
	[tilespmem:$0x14180] =	vst v63  }
0x53: {  	s28 =	simm.s32 $0x7180  }
0x54: {  	[tilespmem:s28], [sflag:$0x1] =	stream.indirect_vreg.gather [hbm4b:s2+s3], $0x80, v3, vm0, $0xb8;
	[tilespmem:$0x14180] =	vst v63  }
0x55: {  	s28 =	simm.s32 $0x7980  }
0x56: {  	[tilespmem:s28], [sflag:$0x1] =	stream.indirect_vreg.gather [hbm4b:s7+s3], $0x80, v3, vm0, $0xb8;
	[tilespmem:$0x14180] =	vst v63  }
0x57: {  	v3 =	vld [tilespmem:s26+$0x40];
	_ =	sdelay $0x4  }
0x58: {  	v58 =	vshll.u32 v3, $0x2  }
0x59: {  	v3 =	vand.u32 $0x7, v3;
	v4 =	vand.u32 $0xFFFFFFE0, v58  }
0x5a: {  	v3 =	vor.u32 v3, v4  }
0x5b: {  	v4 =	vperm.xlane v3, v0;
	_ =	sdelay $0x1  }
0x5c: {  	v4 =	vadd.s32 v1, v4;
	_ =	sdelay $0x1  }
0x5d: {  	v3 =	vperm.xlane v3, v2;
	_ =	sdelay $0x1  }
0x5e: {  	s28 =	simm.s32 $0x8180;
	v3 =	vadd.s32 v1, v3  }
0x5f: {  	[tilespmem:s28], [sflag:$0x1] =	stream.indirect_vreg.gather [hbm4b:s2+s3], $0x80, v4, vm0, $0xb8;
	[tilespmem:$0x14180] =	vst v63  }
0x60: {  	s28 =	simm.s32 $0x8980  }
0x61: {  	[tilespmem:s28], [sflag:$0x1] =	stream.indirect_vreg.gather [hbm4b:s7+s3], $0x80, v4, vm0, $0xb8;
	[tilespmem:$0x14180] =	vst v63  }
0x62: {  	_ = 	snop  }
0x63: {  	[tilespmem:s22], [sflag:$0x1] =	stream.indirect_vreg.gather [hbm4b:s2+s3], $0x80, v3, vm0, $0xb8;
	[tilespmem:$0x14180] =	vst v63  }
0x64: {  	_ = 	snop  }
0x65: {  	[tilespmem:s23], [sflag:$0x1] =	stream.indirect_vreg.gather [hbm4b:s7+s3], $0x80, v3, vm0, $0xb8;
	[tilespmem:$0x14180] =	vst v63  }
0x66: {  	s28 =	sadd.s32 s4, s26;
	_ =	swait.ge [sflag:s31], $0xA000  }
0x67: {  	s28 =	sshll.u32 s28, $0x6;
	[sflag:s31] =	ssyncset.done $0x0  }
0x68: {  	s28 =	sadd.s32 s5, s28;
	[sflag:s31] =	ssyncadd.s32 $0xFFFF6000  }
0x69: {  	[hbm4b:s28+s3] =	stream.linear.scatter [tilespmem:s10], [sflag:$0x2], $0xA000, $0x38;
	[tilespmem:$0x14180] =	vst v63  }
0x6a: {  	s28 =	simm.s32 @!p1 $0x3  }
0x6b: {  	_ =	swait.ge @!p1 [sflag:s28], $0xA000  }
0x6c: {  	[sflag:s28] =	ssyncset.done @!p1 $0x0  }
0x6d: {  	[sflag:s28] =	ssyncadd.s32 @!p1 $0xFFFF6000;
	s28 =	sor.u32 $0x50, s26  }
0x6e: {  	v3 =	vld [tilespmem:s28+$0x0];
	_ =	sdelay $0x4  }
0x6f: {  	v59 =	vshll.u32 v3, $0x2  }
0x70: {  	v3 =	vand.u32 $0x7, v3;
	v4 =	vand.u32 $0xFFFFFFE0, v59  }
0x71: {  	v3 =	vor.u32 v3, v4  }
0x72: {  	v4 =	vperm.xlane v3, v0;
	_ =	sdelay $0x1  }
0x73: {  	v4 =	vadd.s32 v1, v4;
	_ =	sdelay $0x1  }
0x74: {  	v3 =	vperm.xlane v3, v2;
	_ =	sdelay $0x1  }
0x75: {  	v3 =	vadd.s32 v1, v3  }
0x76: {  	[tilespmem:s1], [sflag:$0x1] =	stream.indirect_vreg.gather [hbm4b:s2+s3], $0x80, v4, vm0, $0xb8;
	[tilespmem:$0x14180] =	vst v63  }
0x77: {  	_ = 	snop  }
0x78: {  	[tilespmem:s24], [sflag:$0x1] =	stream.indirect_vreg.gather [hbm4b:s7+s3], $0x80, v4, vm0, $0xb8;
	[tilespmem:$0x14180] =	vst v63  }
0x79: {  	_ = 	snop  }
0x7a: {  	[tilespmem:s25], [sflag:$0x1] =	stream.indirect_vreg.gather [hbm4b:s2+s3], $0x80, v3, vm0, $0xb8;
	[tilespmem:$0x14180] =	vst v63  }
0x7b: {  	_ = 	snop  }
0x7c: {  	[tilespmem:s29], [sflag:$0x1] =	stream.indirect_vreg.gather [hbm4b:s7+s3], $0x80, v3, vm0, $0xb8;
	[tilespmem:$0x14180] =	vst v63  }
0x7d: {  	v3 =	vld [tilespmem:s26+$0x60];
	_ =	sdelay $0x4  }
0x7e: {  	v60 =	vshll.u32 v3, $0x2  }
0x7f: {  	v3 =	vand.u32 $0x7, v3;
	v4 =	vand.u32 $0xFFFFFFE0, v60  }
0x80: {  	v3 =	vor.u32 v3, v4  }
0x81: {  	v4 =	vperm.xlane v3, v0;
	_ =	sdelay $0x1  }
0x82: {  	v4 =	vadd.s32 v1, v4;
	_ =	sdelay $0x1  }
0x83: {  	v3 =	vperm.xlane v3, v2;
	_ =	sdelay $0x1  }
0x84: {  	v3 =	vadd.s32 v1, v3  }
0x85: {  	[tilespmem:s30], [sflag:$0x1] =	stream.indirect_vreg.gather [hbm4b:s2+s3], $0x80, v4, vm0, $0xb8;
	[tilespmem:$0x14180] =	vst v63  }
0x86: {  	_ = 	snop  }
0x87: {  	[tilespmem:s0], [sflag:$0x1] =	stream.indirect_vreg.gather [hbm4b:s7+s3], $0x80, v4, vm0, $0xb8;
	[tilespmem:$0x14180] =	vst v63  }
0x88: {  	_ = 	snop  }
0x89: {  	[tilespmem:s6], [sflag:$0x1] =	stream.indirect_vreg.gather [hbm4b:s2+s3], $0x80, v3, vm0, $0xb8;
	[tilespmem:$0x14180] =	vst v63  }
0x8a: {  	_ = 	snop  }
0x8b: {  	[tilespmem:s8], [sflag:$0x1] =	stream.indirect_vreg.gather [hbm4b:s7+s3], $0x80, v3, vm0, $0xb8;
	[tilespmem:$0x14180] =	vst v63  }
0x8c: {  	v3 =	vld [tilespmem:s26+$0x70];
	_ =	sdelay $0x4  }
0x8d: {  	v61 =	vshll.u32 v3, $0x2  }
0x8e: {  	v3 =	vand.u32 $0x7, v3;
	v4 =	vand.u32 $0xFFFFFFE0, v61  }
0x8f: {  	v3 =	vor.u32 v3, v4  }
0x90: {  	v4 =	vperm.xlane v3, v0;
	_ =	sdelay $0x1  }
0x91: {  	v4 =	vadd.s32 v1, v4;
	_ =	sdelay $0x1  }
0x92: {  	v3 =	vperm.xlane v3, v2;
	_ =	sdelay $0x1  }
0x93: {  	v3 =	vadd.s32 v1, v3  }
0x94: {  	[tilespmem:s9], [sflag:$0x1] =	stream.indirect_vreg.gather [hbm4b:s2+s3], $0x80, v4, vm0, $0xb8;
	[tilespmem:$0x14180] =	vst v63  }
0x95: {  	_ = 	snop  }
0x96: {  	[tilespmem:s11], [sflag:$0x1] =	stream.indirect_vreg.gather [hbm4b:s7+s3], $0x80, v4, vm0, $0xb8;
	[tilespmem:$0x14180] =	vst v63  }
0x97: {  	_ = 	snop  }
0x98: {  	[tilespmem:s12], [sflag:$0x1] =	stream.indirect_vreg.gather [hbm4b:s2+s3], $0x80, v3, vm0, $0xb8;
	[tilespmem:$0x14180] =	vst v63  }
0x99: {  	_ = 	snop  }
0x9a: {  	[tilespmem:s13], [sflag:$0x1] =	stream.indirect_vreg.gather [hbm4b:s7+s3], $0x80, v3, vm0, $0xb8;
	[tilespmem:$0x14180] =	vst v63  }
0x9b: {  	v3 =	vld [tilespmem:s26+$0x80];
	_ =	sdelay $0x4  }
0x9c: {  	v62 =	vshll.u32 v3, $0x2  }
0x9d: {  	v3 =	vand.u32 $0x7, v3;
	v4 =	vand.u32 $0xFFFFFFE0, v62  }
0x9e: {  	v3 =	vor.u32 v3, v4  }
0x9f: {  	v4 =	vperm.xlane v3, v0;
	_ =	sdelay $0x1  }
0xa0: {  	v4 =	vadd.s32 v1, v4;
	_ =	sdelay $0x1  }
0xa1: {  	v3 =	vperm.xlane v3, v2;
	_ =	sdelay $0x1  }
0xa2: {  	v3 =	vadd.s32 v1, v3  }
0xa3: {  	[tilespmem:s14], [sflag:$0x1] =	stream.indirect_vreg.gather [hbm4b:s2+s3], $0x80, v4, vm0, $0xb8;
	[tilespmem:$0x14180] =	vst v63  }
0xa4: {  	_ = 	snop  }
0xa5: {  	[tilespmem:s15], [sflag:$0x1] =	stream.indirect_vreg.gather [hbm4b:s7+s3], $0x80, v4, vm0, $0xb8;
	[tilespmem:$0x14180] =	vst v63  }
0xa6: {  	_ = 	snop  }
0xa7: {  	[tilespmem:s16], [sflag:$0x1] =	stream.indirect_vreg.gather [hbm4b:s2+s3], $0x80, v3, vm0, $0xb8;
	[tilespmem:$0x14180] =	vst v63  }
0xa8: {  	_ = 	snop  }
0xa9: {  	[tilespmem:s17], [sflag:$0x1] =	stream.indirect_vreg.gather [hbm4b:s7+s3], $0x80, v3, vm0, $0xb8;
	[tilespmem:$0x14180] =	vst v63  }
0xaa: {  	v3 =	vld [tilespmem:s26+$0x90];
	_ =	sdelay $0x4  }
0xab: {  	v63 =	vshll.u32 v3, $0x2  }
0xac: {  	v3 =	vand.u32 $0x7, v3;
	v4 =	vand.u32 $0xFFFFFFE0, v63  }
0xad: {  	v3 =	vor.u32 v3, v4  }
0xae: {  	v4 =	vperm.xlane v3, v0;
	_ =	sdelay $0x1  }
0xaf: {  	v4 =	vadd.s32 v1, v4;
	_ =	sdelay $0x1  }
0xb0: {  	v3 =	vperm.xlane v3, v2;
	_ =	sdelay $0x1  }
0xb1: {  	v3 =	vadd.s32 v1, v3  }
0xb2: {  	[tilespmem:s18], [sflag:$0x1] =	stream.indirect_vreg.gather [hbm4b:s2+s3], $0x80, v4, vm0, $0xb8;
	[tilespmem:$0x14180] =	vst v63  }
0xb3: {  	_ = 	snop  }
0xb4: {  	[tilespmem:s19], [sflag:$0x1] =	stream.indirect_vreg.gather [hbm4b:s7+s3], $0x80, v4, vm0, $0xb8;
	[tilespmem:$0x14180] =	vst v63  }
0xb5: {  	_ = 	snop  }
0xb6: {  	[tilespmem:s20], [sflag:$0x1] =	stream.indirect_vreg.gather [hbm4b:s2+s3], $0x80, v3, vm0, $0xb8;
	[tilespmem:$0x14180] =	vst v63  }
0xb7: {  	p0 =	por p1, p1  }
0xb8: {  	[tilespmem:s21], [sflag:$0x1] =	stream.indirect_vreg.gather [hbm4b:s7+s3], $0x80, v3, vm0, $0xb8;
	[tilespmem:$0x14180] =	vst v63  }
.Ltmp0:
0xb9: {  	s28 =	sadd.s32 s4, s28;
	_ =	swait.ge [sflag:s31], $0xA000;
	(pc) =	sbr.rel @p0 .LBB2_2-.Ltmp0, $4  }
0xba: {  	s26 =	sshll.u32 s28, $0x6;
	[sflag:s31] =	ssyncset.done $0x0  }
0xbb: {  	s26 =	sadd.s32 s5, s26;
	[sflag:s31] =	ssyncadd.s32 $0xFFFF6000  }
0xbc: {  	[hbm4b:s26+s3] =	stream.linear.scatter [tilespmem:s1], [sflag:$0x3], $0xA000, $0x38;
	[tilespmem:$0x14180] =	vst v63  }
0xbd: {  	p1 =	por $0x0, $0x0;
	s26 =	simm.s32 $0xA0  }
0xbe: {  	s0 =	simm.s32 $0x2  }
0xbf: {  	_ =	swait.ge [sflag:s0], $0xA000  }
0xc0: {  	[sflag:s0] =	ssyncset.done $0x0  }
0xc1: {  	s28 =	simm.s32 $0x3;
	[sflag:s0] =	ssyncadd.s32 $0xFFFF6000  }
0xc2: {  	_ =	swait.ge [sflag:s28], $0xA000  }
0xc3: {  	s6 =	rddreg [dreg:$0x5]  }
0xc4: {  	s26 =	rddreg [dreg:$0x4];
	s6 =	sadd.s32 $0x1, s6  }
0xc5: {  	p0 =	sne.s32 s6, s26  }
.Ltmp1:
0xc6: {  	_ = 	snop;
	(pc) =	sbr.rel @p0 .LBB2_1-.Ltmp1, $3  }
0xc7: {  	_ =	sdelay $0x1  }
0xc8: {  	[sflag:s28] =	ssyncset.done $0x0  }
0xc9: {  	[sflag:s28] =	ssyncadd.s32 $0xFFFF6000  }
0xca: {  	_ =	sfence.sel $0x180000  }
0xcb: {  	[bflag:$0x0] =	sbarrier.arrive $0xFFFF  }
0xcc: {  	_ =	strace $0x9000004A  }
0xcd: {  	s0 =	stileid.u32;
	[bflag:$0x2] =	sbarrier.arrive $0xFFFF  }
0xce: {  	p0 =	sne.s32 s0, $0x0;
	s0 =	rddreg [dreg:$0x2]  }
0xcf: {  	s0 =	sadd.s32 @!p0 $0x100000, s0  }
0xd0: {  	[sflag:s0] =	ssyncadd.tile.s32 @!p0 $0x1;
	_ =	shalt  }
.Lfunc_end2:
_tile_overlayer_lowered:
.L_overlay_start_2:
0xd1: {  	(tag) =	ssettag $0x2  }
0xd2: {  	s0 =	rddreg [dreg:$0x0];
	s2 =	stileid.u32  }
0xd3: {  	s1 =	rddreg [dreg:$0x1];
	p0 =	sne.s32 s2, $0x0  }
0xd4: {  	s3 =	rddreg [dreg:$0x2];
	[bflag:$0x3] =	sbarrier.arrive $0xFFFF;
	s2 =	simm.s32 @!p0 $0x1C04  }
0xd5: {  	[timem:s3], [sflag:s2] =	dma.local @!p0 [hbm:s0], s1  }
0xd6: {  	s0 =	simm.s32 @!p0 $0x4  }
0xd7: {  	_ =	swait.ge @!p0 [sflag:s0], s1  }
0xd8: {  	s1 =	ssub.s32 @!p0 $0x0, s1;
	[sflag:s0] =	ssyncset.done @!p0 $0x0  }
0xd9: {  	[sflag:s0] =	ssyncadd.s32 @!p0 s1  }
0xda: {  	[bflag:$0x3] =	sbarrier.arrive $0xFFFF  }
0xdb: {  	_ =	shalt  }

// kernel: kernel.18.cloned.1.call-start
scs
__scs_entry_jumppad:
0x0: {  	(pc) =	sbr.rel $0x88, $3  }
0x1: {  	(tag) =	ssettag $0x0;
	lr =	simm.s32 $0x1  }
0x2: {  	[smem:$0x3F99] =	sst lr;
	_ =	strace $0xD0000000  }
0x3: {  	_ = 	snop  }
0x4: {  	_ = 	snop  }
0x5: {  	_ = 	snop  }
0x6: {  	_ = 	snop  }
0x7: {  	_ = 	snop  }
__scs_overlays_trampoline_lowered:
0x8: {  	[smem:$0x3FA8] =	sst s0  }
0x9: {  	[smem:$0x3FA9] =	sst s1  }
0xa: {  	[smem:$0x3FAA] =	sst s2  }
0xb: {  	[smem:$0x3FAB] =	sst s3  }
0xc: {  	[smem:$0x3FAC] =	sst s4  }
0xd: {  	[smem:$0x3FAD] =	sst s5  }
0xe: {  	[smem:$0x3FAE] =	sst s6  }
0xf: {  	[smem:$0x3FAF] =	sst s7  }
0x10: {  	[smem:$0x3FB0] =	sst s8  }
0x11: {  	[smem:$0x3FB1] =	sst s9;
	s0 =	simm.s32 @!p0 $0x0  }
0x12: {  	s1 =	sld [smem:$0x3F97];
	s0 =	simm.s32 @p0 $0x1  }
0x13: {  	[smem:$0x3FB2] =	sst s0;
	s0 =	simm.s32 @!p1 $0x0  }
0x14: {  	s2 =	sld [smem:$0x3F96];
	s0 =	simm.s32 @p1 $0x1  }
0x15: {  	[smem:$0x3FB3] =	sst s0;
	s0 =	simm.s32 @!p2 $0x0  }
0x16: {  	s3 =	sld [smem:$0x3FDB];
	s0 =	simm.s32 @p2 $0x1  }
0x17: {  	s4 =	simm.s32 $0x1BF5;
	[smem:$0x3FB5] =	sst s0  }
0x18: {  	s0 =	sld [smem:$0x3F98];
	_ =	swait.ge [sflag:s4], $0x0  }
0x19: {  	s7 =	sld [smem:$0x3F99]  }
0x1a: {  	s8 =	sadd.s32 $0xFFFFE003, lr  }
0x1b: {  	s9 =	sadd.s32 $0xFFFFFEF7, lr;
	s5 =	simm.s32 $0xFFFFFFFF;
	p2 =	slt.u32 s8, $0xFFFFF086  }
0x1c: {  	p1 =	slt.u32 s9, $0xF7A;
	s5 =	simm.s32 @!p2 $0x0  }
0x1d: {  	s5 =	simm.s32 @p1 $0x1;
	p0 =	seq.s32 s7, s2  }
0x1e: {  	s7 =	smul.u32 @!p0 $0xF7A, s2;
	p2 =	seq.s32 @!p0 s5, $0x0  }
0x1f: {  	s9 =	smul.u32 $0xF7A, s1;
	s8 =	simm.s32 @!p0 $0x1BF5;
	p2 =	por !p2, p0  }
0x20: {  	[sflag:s8] =	ssyncset.s32 @!p0 $0xFFFFF086;
	s6 =	sadd.s32 @!p0 s3, s7;
	s7 =	simm.s32 @!p0 $0x108  }
0x21: {  	s3 =	sadd.s32 s3, s9;
	s6 =	sadd.s32 @!p0 $0x88, s6;
	s7 =	simm.s32 @p2 $0x1082  }
0x22: {  	[simem:s7], [sflag:s8] =	dma.local @!p0 [hbm:s6], $0xF7A  }
0x23: {  	s9 =	sor.u32 $0xD0000000, s2;
	s6 =	simm.s32 $0x108;
	_ =	swait.ge @!p0 [sflag:s8], $0x0  }
0x24: {  	s3 =	sadd.s32 $0x88, s3;
	s6 =	simm.s32 @!p1 $0x1082;
	[sflag:s4] =	ssyncset.s32 $0xFFFFF086  }
0x25: {  	[simem:s6], [sflag:s4] =	dma.local [hbm:s3], $0xF7A  }
0x26: {  	[smem:$0x3F99] =	sst s1;
	(tag) =	ssettag s2;
	_ =	strace s9  }
0x27: {  	s1 =	sld [smem:$0x3FA9]  }
0x28: {  	s2 =	sld [smem:$0x3FAA]  }
0x29: {  	s4 =	sld [smem:$0x3FAC]  }
0x2a: {  	p0 =	seq.s32 s5, $0x0;
	s5 =	sld [smem:$0x3FAD]  }
0x2b: {  	s6 =	sld [smem:$0x3FAE]  }
0x2c: {  	s7 =	sld [smem:$0x3FAF]  }
0x2d: {  	s3 =	simm.s32 $0x108;
	s8 =	sld [smem:$0x3FB0]  }
0x2e: {  	s3 =	simm.s32 @!p0 $0x1082;
	s9 =	sld [smem:$0x3FB1]  }
0x2f: {  	lr =	sadd.s32 s0, s3;
	s0 =	sld [smem:$0x3FA8]  }
0x30: {  	s3 =	sld [smem:$0x3FAB]  }
0x31: {  	[smem:$0x3FB4] =	sst s10  }
0x32: {  	s10 =	sld [smem:$0x3FB2];
	_ =	sdelay $0x3  }
0x33: {  	p0 =	seq.s32 s10, $0x1;
	s10 =	sld [smem:$0x3FB4];
	_ =	sdelay $0x3  }
0x34: {  	[smem:$0x3FB4] =	sst s10  }
0x35: {  	s10 =	sld [smem:$0x3FB3];
	_ =	sdelay $0x3  }
0x36: {  	p1 =	seq.s32 s10, $0x1;
	s10 =	sld [smem:$0x3FB4];
	_ =	sdelay $0x3  }
0x37: {  	[smem:$0x3FB4] =	sst s10  }
0x38: {  	s10 =	sld [smem:$0x3FB5]  }
0x39: {  	_ = 	snop;
	(pc) =	sbr.ind lr, $3  }
0x3a: {  	_ = 	snop  }
0x3b: {  	_ = 	snop  }
0x3c: {  	p2 =	seq.s32 s10, $0x1;
	s10 =	sld [smem:$0x3FB4]  }
0x3d: {  	_ =	shalt  }
0x3e: {  	_ =	shalt  }
0x3f: {  	_ =	shalt  }
0x40: {  	_ =	shalt  }
0x41: {  	_ =	shalt  }
0x42: {  	_ =	shalt  }
0x43: {  	_ =	shalt  }
0x44: {  	_ =	shalt  }
0x45: {  	_ =	shalt  }
0x46: {  	_ =	shalt  }
0x47: {  	_ =	shalt  }
0x48: {  	_ =	shalt  }
0x49: {  	_ =	shalt  }
0x4a: {  	_ =	shalt  }
0x4b: {  	_ =	shalt  }
0x4c: {  	_ =	shalt  }
0x4d: {  	_ =	shalt  }
0x4e: {  	_ =	shalt  }
0x4f: {  	_ =	shalt  }
0x50: {  	_ =	shalt  }
0x51: {  	_ =	shalt  }
0x52: {  	_ =	shalt  }
0x53: {  	_ =	shalt  }
0x54: {  	_ =	shalt  }
0x55: {  	_ =	shalt  }
0x56: {  	_ =	shalt  }
0x57: {  	_ =	shalt  }
0x58: {  	_ =	shalt  }
0x59: {  	_ =	shalt  }
0x5a: {  	_ =	shalt  }
0x5b: {  	_ =	shalt  }
0x5c: {  	_ =	shalt  }
0x5d: {  	_ =	shalt  }
0x5e: {  	_ =	shalt  }
0x5f: {  	_ =	shalt  }
0x60: {  	_ =	shalt  }
0x61: {  	_ =	shalt  }
0x62: {  	_ =	shalt  }
0x63: {  	_ =	shalt  }
0x64: {  	_ =	shalt  }
0x65: {  	_ =	shalt  }
0x66: {  	_ =	shalt  }
0x67: {  	_ =	shalt  }
0x68: {  	_ =	shalt  }
0x69: {  	_ =	shalt  }
0x6a: {  	_ =	shalt  }
0x6b: {  	_ =	shalt  }
0x6c: {  	_ =	shalt  }
0x6d: {  	_ =	shalt  }
0x6e: {  	_ =	shalt  }
0x6f: {  	_ =	shalt  }
0x70: {  	_ =	shalt  }
0x71: {  	_ =	shalt  }
0x72: {  	_ =	shalt  }
0x73: {  	_ =	shalt  }
0x74: {  	_ =	shalt  }
0x75: {  	_ =	shalt  }
0x76: {  	_ =	shalt  }
0x77: {  	_ =	shalt  }
0x78: {  	_ =	shalt  }
0x79: {  	_ =	shalt  }
0x7a: {  	_ =	shalt  }
0x7b: {  	_ =	shalt  }
0x7c: {  	_ =	shalt  }
0x7d: {  	_ =	shalt  }
0x7e: {  	_ =	shalt  }
0x7f: {  	_ =	shalt  }
0x80: {  	_ =	shalt  }
0x81: {  	_ =	shalt  }
0x82: {  	_ =	shalt  }
0x83: {  	_ =	shalt  }
0x84: {  	_ =	shalt  }
0x85: {  	_ =	shalt  }
0x86: {  	_ =	shalt  }
0x87: {  	_ =	shalt  }
.Lfunc_end0:
.L_simem_size_0:
called_computation.2_lowered:
.L_overlay_start_0:
0x88: {  	s2 =	sld [smem:$0x3FD9]  }
0x89: {  	s3 =	sld [smem:$0x3FFE];
	_ =	sdelay $0x1  }
0x8a: {  	s1 =	srdreg.scid  }
0x8b: {  	s0 =	sand.u32 $0x1, s1  }
0x8c: {  	s17 =	sshll.u32 s0, $0xA;
	s2 =	sadd.s32 s3, s2  }
0x8d: {  	s2 =	sadd.s32 s2, s17  }
0x8e: {  	[smem:$0x3FC0] =	sst s2  }
0x8f: {  	_ = 	snop  }
0x90: {  	s18 =	sld [smem:$0x3FC6];
	(tm) =	ssettm $0x1  }
0x91: {  	s19 =	sld [smem:$0x3FFB];
	_ =	sdelay $0x3  }
0x92: {  	_ =	strace s19  }
0x93: {  	s2 =	sld [smem:$0x3FFC];
	_ =	sdelay $0x3  }
0x94: {  	_ =	strace s2  }
0x95: {  	s2 =	sld [smem:$0x3FFD];
	_ =	sdelay $0x3  }
0x96: {  	_ =	strace s2  }
0x97: {  	_ =	strace $0x8FFFFFFF  }
0x98: {  	s20 =	sld [smem:$0x3FDB];
	_ =	sdelay $0x1  }
0x99: {  	s4 =	simm.s32 $_scs_section_size  }
0x9a: {  	s5 =	simm.s32 $_size__tile_overlayer_lowered;
	s6 =	simm.s32 $_tile_overlayer_lowered  }
0x9b: {  	s7 =	simm.s32 $0x1BFF;
	s21 =	sshll.u32 s6, $0x1;
	s4 =	sadd.s32 s4, s20  }
0x9c: {  	s22 =	simm.s32 $0x0;
	s5 =	sshll.u32 s5, $0x1;
	s6 =	sadd.s32 s21, s4  }
0x9d: {  	[timem:s22], [sflag:s7] =	dma.local [hbm:s6], s5  }
0x9e: {  	_ =	swait.ge [sflag:s7], s5  }
0x9f: {  	s5 =	ssub.s32 $0x0, s5;
	[sflag:s7] =	ssyncset.done $0x0  }
0xa0: {  	[sflag:s7] =	ssyncadd.s32 s5;
	_ =	sdelay $0x1  }
0xa1: {  	s23 =	simm.s32 $0x1B8B  }
0xa2: {  	_ =	swait.ge [sflag:s23], $0x1  }
0xa3: {  	[sflag:s23] =	ssyncset.done $0x0  }
0xa4: {  	[sflag:s23] =	ssyncadd.s32 $0xFFFFFFFF  }
0xa5: {  	s5 =	sld [smem:$0x0]  }
0xa6: {  	s6 =	sand.u32 $0xFFFFFFFE, s1  }
0xa7: {  	p0 =	sne.s32 s1, s6  }
0xa8: {  	s6 =	sshll.u32 @p0 s6, $0xE  }
0xa9: {  	s6 =	sadd.s32 @p0 $0x11B8D, s6;
	s7 =	sshll.u32 @p0 s5, $0x11  }
0xaa: {  	s6 =	sor.u32 @p0 s7, s6  }
0xab: {  	[sflag:s6] =	ssyncadd.remote.s32 @p0 $0x1;
	_ =	sdelay $0x1  }
0xac: {  	s6 =	simm.s32 @p0 $0x1B8D  }
0xad: {  	_ =	swait.eq @p0 [sflag:s6], $0x1  }
0xae: {  	[sflag:s6] =	ssyncadd.s32 @p0 $0xFFFFFFFF  }
0xaf: {  	s7 =	sshll.u32 @!p0 s1, $0xE  }
0xb0: {  	s7 =	sor.u32 @!p0 $0x4000, s7;
	s6 =	simm.s32 @!p0 $0x1B8D  }
0xb1: {  	s5 =	sshll.u32 @!p0 s5, $0x11;
	s7 =	sadd.s32 @!p0 $0x11B8D, s7;
	_ =	swait.eq @!p0 [sflag:s6], $0x1  }
0xb2: {  	s5 =	sor.u32 @!p0 s5, s7;
	[sflag:s6] =	ssyncadd.s32 @!p0 $0xFFFFFFFF  }
0xb3: {  	s25 =	simm.s32 $0x1B8E;
	s24 =	sld [smem:$0x3FFE];
	[sflag:s5] =	ssyncadd.remote.s32 @!p0 $0x1  }
0xb4: {  	s26 =	simm.s32 $execute0_lowered;
	[smem:$0x3FD2] =	sst s25  }
0xb5: {  	s6 =	sshll.u32 s26, $0x1;
	_ =	strace $0x8000004C;
	[dreg:$0x1] =	wrdreg $0xFFFFFFFF  }
0xb6: {  	s28 =	simm.s32 $_size_execute0_lowered;
	s4 =	sadd.s32 s4, s6;
	[dreg:$0x0] =	wrdreg $0x0  }
0xb7: {  	s6 =	sshll.u32 s28, $0x1;
	[dreg:$0x2] =	wrdreg s4  }
0xb8: {  	[dreg:$0x3] =	wrdreg s6  }
0xb9: {  	[dreg:$0x4] =	wrdreg $0xC0  }
0xba: {  	_ =	task [dreg:s22], $0x5FFFF  }
0xbb: {  	[dreg:$0x1] =	wrdreg $0xFFFFFFFF  }
0xbc: {  	[dreg:$0x0] =	wrdreg $0x60  }
0xbd: {  	[dreg:$0x2] =	wrdreg s18  }
0xbe: {  	[dreg:$0x3] =	wrdreg s24  }
0xbf: {  	[dreg:$0x4] =	wrdreg $0xB  }
0xc0: {  	_ =	task.clear_ibuf [dreg:s22], $0x5FFFF;
	_ =	strace $0x9000004C  }
0xc1: {  	s29 =	simm.s32 $0xB;
	_ =	strace $0x8000004E  }
0xc2: {  	_ =	swait.ge [sflag:s29], $0x1  }
0xc3: {  	[sflag:s29] =	ssyncadd.s32 $0xFFFFFFFF  }
0xc4: {  	_ =	strace $0x9000004E  }
0xc5: {  	_ =	sfence  }
0xc6: {  	s30 =	sld [smem:$0x0];
	_ =	sdelay $0x2  }
0xc7: {  	s31 =	sshll.u32 s1, $0xD;
	s1 =	sshrl.u32 s1, $0x2  }
0xc8: {  	s4 =	sand.u32 $0x4000, s31;
	s1 =	sadd.s32 s1, s30  }
0xc9: {  	s0 =	sor.u32 s4, s0;
	s1 =	sshll.u32 s1, $0x11  }
0xca: {  	s0 =	sor.u32 s1, s0  }
0xcb: {  	s0 =	sadd.s32 $0x8F2B, s0  }
0xcc: {  	[sflag:s0] =	ssyncadd.remote.s32 $0x1  }
0xcd: {  	_ =	sfence.sel $0xFFFF  }
0xce: {  	[dreg:$0x0] =	wrdreg $0xFFFFFFFF;
	(pc) =	sbr.abs _section_cstart, $3  }
0xcf: {  	[dreg:$0x1] =	wrdreg $0xFFFFFFFF  }
0xd0: {  	_ =	task.clear_ibuf [dreg:s22], $0x2FFFF;
	_ =	strace $0x9FFFFFFF  }
0xd1: {  	(tm) =	ssettm $0x7FFFFFFF  }
tec
execute0_lowered:
.L_overlay_start_1:
0x0: {  	(tag) =	ssettag $0x1  }
0x1: {  	s0 =	srdreg.scid  }
0x2: {  	s1 =	stileid.u32;
	s2 =	rddreg [dreg:$0x0]  }
0x3: {  	s5 =	rddreg [dreg:$0x1];
	s3 =	simm.s32 $0x0;
	s10 =	simm.s32 $0x180  }
0x4: {  	s31 =	simm.s32 $0x1;
	s22 =	simm.s32 $0x9180;
	s23 =	simm.s32 $0x9980  }
0x5: {  	s24 =	simm.s32 $0xA980;
	s25 =	simm.s32 $0xB180;
	s29 =	simm.s32 $0xB980  }
0x6: {  	s30 =	simm.s32 $0xC180;
	s8 =	simm.s32 $0xD980;
	s9 =	simm.s32 $0xE180  }
0x7: {  	s11 =	simm.s32 $0xE980;
	s12 =	simm.s32 $0xF180;
	s13 =	simm.s32 $0xF980  }
0x8: {  	s14 =	simm.s32 $0x10180;
	s15 =	simm.s32 $0x10980;
	s16 =	simm.s32 $0x11180  }
0x9: {  	s17 =	simm.s32 $0x11980;
	s0 =	sand.u32 $0x1, s0;
	s1 =	sshll.u32 s1, $0x1  }
0xa: {  	s18 =	simm.s32 $0x12180;
	s19 =	simm.s32 $0x12980;
	s1 =	sor.u32 s0, s1  }
0xb: {  	s20 =	simm.s32 $0x13180;
	s0 =	ssub.s32 $0x2, s0;
	s4 =	smul.u32 $0x140, s1  }
0xc: {  	s21 =	simm.s32 $0x13980;
	[smem:$0x7FF] =	sst s3;
	s6 =	sshrl.u32 s0, $0x1  }
0xd: {  	s7 =	sadd.s32 $0x100, s2;
	s0 =	ssub.s32 s0, s6;
	s1 =	sshrl.u32 s4, $0x3  }
0xe: {  	v2 =	vlaneseq.u32;
	_ =	strace $0x8000004D;
	s0 =	smax.u32 s0, $0x1;
	s1 =	sadd.s32 s1, s5  }
0xf: {  	vm0 =	vmmov $0xffff;
	v1 =	vshrl.u32 v2, $0x3;
	s6 =	simm.s32 $0x0;
	[dreg:$0x4] =	wrdreg s0;
	s1 =	sadd.s32 $0xA2A00, s1  }
0x10: {  	v0 =	vand.u32 $0x7, v2;
	v2 =	vor.u32 $0x8, v2;
	v1 =	vmul.u32 $0x8, v1;
	s5 =	sadd.s32 $0x143C00, s5;
	[dreg:$0x3] =	wrdreg s1;
	s1 =	simm.s32 $0xA180  }
.LBB2_1:
0x11: {  	[dreg:$0x5] =	wrdreg s6  }
0x12: {  	s26 =	rddreg [dreg:$0x3];
	s28 =	simm.s32 $0x4  }
0x13: {  	[tilespmem:s3], [sflag:$0x4] =	stream.linear.gather [hbm4b:s26+s3], $0x140, $0x38;
	[tilespmem:$0x14180] =	vst v63  }
0x14: {  	_ =	swait.ge [sflag:s28], $0x140  }
0x15: {  	p1 =	por $0x1, $0x1;
	s0 =	simm.s32 $0xC980;
	[sflag:s28] =	ssyncset.done $0x0  }
0x16: {  	s6 =	simm.s32 $0xD180;
	s26 =	simm.s32 $0x0;
	[sflag:s28] =	ssyncadd.s32 $0xFFFFFEC0  }
.LBB2_2:
0x17: {  	s28 =	simm.s32 @!p1 $0x2  }
0x18: {  	_ =	swait.ge @!p1 [sflag:s28], $0xA000  }
0x19: {  	[sflag:s28] =	ssyncset.done @!p1 $0x0  }
0x1a: {  	[sflag:s28] =	ssyncadd.s32 @!p1 $0xFFFF6000  }
0x1b: {  	v3 =	vld [tilespmem:s26+$0x0];
	_ =	sdelay $0x4  }
0x1c: {  	v4 =	vshll.u32 v3, $0x2  }
0x1d: {  	v3 =	vand.u32 $0x7, v3;
	v4 =	vand.u32 $0xFFFFFFE0, v4  }
0x1e: {  	v3 =	vor.u32 v3, v4  }
0x1f: {  	v4 =	vperm.xlane v3, v0;
	_ =	sdelay $0x1  }
0x20: {  	v4 =	vadd.s32 v1, v4;
	_ =	sdelay $0x1  }
0x21: {  	v3 =	vperm.xlane v3, v2;
	_ =	sdelay $0x1  }
0x22: {  	v3 =	vadd.s32 v1, v3  }
0x23: {  	[tilespmem:s10], [sflag:$0x1] =	stream.indirect_vreg.gather [hbm4b:s2+s3], $0x80, v4, vm0, $0xb8;
	[tilespmem:$0x14180] =	vst v63  }
0x24: {  	s28 =	simm.s32 $0x980  }
0x25: {  	[tilespmem:s28], [sflag:$0x1] =	stream.indirect_vreg.gather [hbm4b:s7+s3], $0x80, v4, vm0, $0xb8;
	[tilespmem:$0x14180] =	vst v63  }
0x26: {  	s28 =	simm.s32 $0x1180  }
0x27: {  	[tilespmem:s28], [sflag:$0x1] =	stream.indirect_vreg.gather [hbm4b:s2+s3], $0x80, v3, vm0, $0xb8;
	[tilespmem:$0x14180] =	vst v63  }
0x28: {  	s28 =	simm.s32 $0x1980  }
0x29: {  	[tilespmem:s28], [sflag:$0x1] =	stream.indirect_vreg.gather [hbm4b:s7+s3], $0x80, v3, vm0, $0xb8;
	[tilespmem:$0x14180] =	vst v63  }
0x2a: {  	v3 =	vld [tilespmem:s26+$0x10];
	_ =	sdelay $0x4  }
0x2b: {  	v55 =	vshll.u32 v3, $0x2  }
0x2c: {  	v3 =	vand.u32 $0x7, v3;
	v4 =	vand.u32 $0xFFFFFFE0, v55  }
0x2d: {  	v3 =	vor.u32 v3, v4  }
0x2e: {  	v4 =	vperm.xlane v3, v0;
	_ =	sdelay $0x1  }
0x2f: {  	v4 =	vadd.s32 v1, v4;
	_ =	sdelay $0x1  }
0x30: {  	v3 =	vperm.xlane v3, v2;
	_ =	sdelay $0x1  }
0x31: {  	s28 =	simm.s32 $0x2180;
	v3 =	vadd.s32 v1, v3  }
0x32: {  	[tilespmem:s28], [sflag:$0x1] =	stream.indirect_vreg.gather [hbm4b:s2+s3], $0x80, v4, vm0, $0xb8;
	[tilespmem:$0x14180] =	vst v63  }
0x33: {  	s28 =	simm.s32 $0x2980  }
0x34: {  	[tilespmem:s28], [sflag:$0x1] =	stream.indirect_vreg.gather [hbm4b:s7+s3], $0x80, v4, vm0, $0xb8;
	[tilespmem:$0x14180] =	vst v63  }
0x35: {  	s28 =	simm.s32 $0x3180  }
0x36: {  	[tilespmem:s28], [sflag:$0x1] =	stream.indirect_vreg.gather [hbm4b:s2+s3], $0x80, v3, vm0, $0xb8;
	[tilespmem:$0x14180] =	vst v63  }
0x37: {  	s28 =	simm.s32 $0x3980  }
0x38: {  	[tilespmem:s28], [sflag:$0x1] =	stream.indirect_vreg.gather [hbm4b:s7+s3], $0x80, v3, vm0, $0xb8;
	[tilespmem:$0x14180] =	vst v63  }
0x39: {  	v3 =	vld [tilespmem:s26+$0x20];
	_ =	sdelay $0x4  }
0x3a: {  	v56 =	vshll.u32 v3, $0x2  }
0x3b: {  	v3 =	vand.u32 $0x7, v3;
	v4 =	vand.u32 $0xFFFFFFE0, v56  }
0x3c: {  	v3 =	vor.u32 v3, v4  }
0x3d: {  	v4 =	vperm.xlane v3, v0;
	_ =	sdelay $0x1  }
0x3e: {  	v4 =	vadd.s32 v1, v4;
	_ =	sdelay $0x1  }
0x3f: {  	v3 =	vperm.xlane v3, v2;
	_ =	sdelay $0x1  }
0x40: {  	s28 =	simm.s32 $0x4180;
	v3 =	vadd.s32 v1, v3  }
0x41: {  	[tilespmem:s28], [sflag:$0x1] =	stream.indirect_vreg.gather [hbm4b:s2+s3], $0x80, v4, vm0, $0xb8;
	[tilespmem:$0x14180] =	vst v63  }
0x42: {  	s28 =	simm.s32 $0x4980  }
0x43: {  	[tilespmem:s28], [sflag:$0x1] =	stream.indirect_vreg.gather [hbm4b:s7+s3], $0x80, v4, vm0, $0xb8;
	[tilespmem:$0x14180] =	vst v63  }
0x44: {  	s28 =	simm.s32 $0x5180  }
0x45: {  	[tilespmem:s28], [sflag:$0x1] =	stream.indirect_vreg.gather [hbm4b:s2+s3], $0x80, v3, vm0, $0xb8;
	[tilespmem:$0x14180] =	vst v63  }
0x46: {  	s28 =	simm.s32 $0x5980  }
0x47: {  	[tilespmem:s28], [sflag:$0x1] =	stream.indirect_vreg.gather [hbm4b:s7+s3], $0x80, v3, vm0, $0xb8;
	[tilespmem:$0x14180] =	vst v63  }
0x48: {  	v3 =	vld [tilespmem:s26+$0x30];
	_ =	sdelay $0x4  }
0x49: {  	v57 =	vshll.u32 v3, $0x2  }
0x4a: {  	v3 =	vand.u32 $0x7, v3;
	v4 =	vand.u32 $0xFFFFFFE0, v57  }
0x4b: {  	v3 =	vor.u32 v3, v4  }
0x4c: {  	v4 =	vperm.xlane v3, v0;
	_ =	sdelay $0x1  }
0x4d: {  	v4 =	vadd.s32 v1, v4;
	_ =	sdelay $0x1  }
0x4e: {  	v3 =	vperm.xlane v3, v2;
	_ =	sdelay $0x1  }
0x4f: {  	s28 =	simm.s32 $0x6180;
	v3 =	vadd.s32 v1, v3  }
0x50: {  	[tilespmem:s28], [sflag:$0x1] =	stream.indirect_vreg.gather [hbm4b:s2+s3], $0x80, v4, vm0, $0xb8;
	[tilespmem:$0x14180] =	vst v63  }
0x51: {  	s28 =	simm.s32 $0x6980  }
0x52: {  	[tilespmem:s28], [sflag:$0x1] =	stream.indirect_vreg.gather [hbm4b:s7+s3], $0x80, v4, vm0, $0xb8;
	[tilespmem:$0x14180] =	vst v63  }
0x53: {  	s28 =	simm.s32 $0x7180  }
0x54: {  	[tilespmem:s28], [sflag:$0x1] =	stream.indirect_vreg.gather [hbm4b:s2+s3], $0x80, v3, vm0, $0xb8;
	[tilespmem:$0x14180] =	vst v63  }
0x55: {  	s28 =	simm.s32 $0x7980  }
0x56: {  	[tilespmem:s28], [sflag:$0x1] =	stream.indirect_vreg.gather [hbm4b:s7+s3], $0x80, v3, vm0, $0xb8;
	[tilespmem:$0x14180] =	vst v63  }
0x57: {  	v3 =	vld [tilespmem:s26+$0x40];
	_ =	sdelay $0x4  }
0x58: {  	v58 =	vshll.u32 v3, $0x2  }
0x59: {  	v3 =	vand.u32 $0x7, v3;
	v4 =	vand.u32 $0xFFFFFFE0, v58  }
0x5a: {  	v3 =	vor.u32 v3, v4  }
0x5b: {  	v4 =	vperm.xlane v3, v0;
	_ =	sdelay $0x1  }
0x5c: {  	v4 =	vadd.s32 v1, v4;
	_ =	sdelay $0x1  }
0x5d: {  	v3 =	vperm.xlane v3, v2;
	_ =	sdelay $0x1  }
0x5e: {  	s28 =	simm.s32 $0x8180;
	v3 =	vadd.s32 v1, v3  }
0x5f: {  	[tilespmem:s28], [sflag:$0x1] =	stream.indirect_vreg.gather [hbm4b:s2+s3], $0x80, v4, vm0, $0xb8;
	[tilespmem:$0x14180] =	vst v63  }
0x60: {  	s28 =	simm.s32 $0x8980  }
0x61: {  	[tilespmem:s28], [sflag:$0x1] =	stream.indirect_vreg.gather [hbm4b:s7+s3], $0x80, v4, vm0, $0xb8;
	[tilespmem:$0x14180] =	vst v63  }
0x62: {  	_ = 	snop  }
0x63: {  	[tilespmem:s22], [sflag:$0x1] =	stream.indirect_vreg.gather [hbm4b:s2+s3], $0x80, v3, vm0, $0xb8;
	[tilespmem:$0x14180] =	vst v63  }
0x64: {  	_ = 	snop  }
0x65: {  	[tilespmem:s23], [sflag:$0x1] =	stream.indirect_vreg.gather [hbm4b:s7+s3], $0x80, v3, vm0, $0xb8;
	[tilespmem:$0x14180] =	vst v63  }
0x66: {  	s28 =	sadd.s32 s4, s26;
	_ =	swait.ge [sflag:s31], $0xA000  }
0x67: {  	s28 =	sshll.u32 s28, $0x6;
	[sflag:s31] =	ssyncset.done $0x0  }
0x68: {  	s28 =	sadd.s32 s5, s28;
	[sflag:s31] =	ssyncadd.s32 $0xFFFF6000  }
0x69: {  	[hbm4b:s28+s3] =	stream.linear.scatter [tilespmem:s10], [sflag:$0x2], $0xA000, $0x38;
	[tilespmem:$0x14180] =	vst v63  }
0x6a: {  	s28 =	simm.s32 @!p1 $0x3  }
0x6b: {  	_ =	swait.ge @!p1 [sflag:s28], $0xA000  }
0x6c: {  	[sflag:s28] =	ssyncset.done @!p1 $0x0  }
0x6d: {  	[sflag:s28] =	ssyncadd.s32 @!p1 $0xFFFF6000;
	s28 =	sor.u32 $0x50, s26  }
0x6e: {  	v3 =	vld [tilespmem:s28+$0x0];
	_ =	sdelay $0x4  }
0x6f: {  	v59 =	vshll.u32 v3, $0x2  }
0x70: {  	v3 =	vand.u32 $0x7, v3;
	v4 =	vand.u32 $0xFFFFFFE0, v59  }
0x71: {  	v3 =	vor.u32 v3, v4  }
0x72: {  	v4 =	vperm.xlane v3, v0;
	_ =	sdelay $0x1  }
0x73: {  	v4 =	vadd.s32 v1, v4;
	_ =	sdelay $0x1  }
0x74: {  	v3 =	vperm.xlane v3, v2;
	_ =	sdelay $0x1  }
0x75: {  	v3 =	vadd.s32 v1, v3  }
0x76: {  	[tilespmem:s1], [sflag:$0x1] =	stream.indirect_vreg.gather [hbm4b:s2+s3], $0x80, v4, vm0, $0xb8;
	[tilespmem:$0x14180] =	vst v63  }
0x77: {  	_ = 	snop  }
0x78: {  	[tilespmem:s24], [sflag:$0x1] =	stream.indirect_vreg.gather [hbm4b:s7+s3], $0x80, v4, vm0, $0xb8;
	[tilespmem:$0x14180] =	vst v63  }
0x79: {  	_ = 	snop  }
0x7a: {  	[tilespmem:s25], [sflag:$0x1] =	stream.indirect_vreg.gather [hbm4b:s2+s3], $0x80, v3, vm0, $0xb8;
	[tilespmem:$0x14180] =	vst v63  }
0x7b: {  	_ = 	snop  }
0x7c: {  	[tilespmem:s29], [sflag:$0x1] =	stream.indirect_vreg.gather [hbm4b:s7+s3], $0x80, v3, vm0, $0xb8;
	[tilespmem:$0x14180] =	vst v63  }
0x7d: {  	v3 =	vld [tilespmem:s26+$0x60];
	_ =	sdelay $0x4  }
0x7e: {  	v60 =	vshll.u32 v3, $0x2  }
0x7f: {  	v3 =	vand.u32 $0x7, v3;
	v4 =	vand.u32 $0xFFFFFFE0, v60  }
0x80: {  	v3 =	vor.u32 v3, v4  }
0x81: {  	v4 =	vperm.xlane v3, v0;
	_ =	sdelay $0x1  }
0x82: {  	v4 =	vadd.s32 v1, v4;
	_ =	sdelay $0x1  }
0x83: {  	v3 =	vperm.xlane v3, v2;
	_ =	sdelay $0x1  }
0x84: {  	v3 =	vadd.s32 v1, v3  }
0x85: {  	[tilespmem:s30], [sflag:$0x1] =	stream.indirect_vreg.gather [hbm4b:s2+s3], $0x80, v4, vm0, $0xb8;
	[tilespmem:$0x14180] =	vst v63  }
0x86: {  	_ = 	snop  }
0x87: {  	[tilespmem:s0], [sflag:$0x1] =	stream.indirect_vreg.gather [hbm4b:s7+s3], $0x80, v4, vm0, $0xb8;
	[tilespmem:$0x14180] =	vst v63  }
0x88: {  	_ = 	snop  }
0x89: {  	[tilespmem:s6], [sflag:$0x1] =	stream.indirect_vreg.gather [hbm4b:s2+s3], $0x80, v3, vm0, $0xb8;
	[tilespmem:$0x14180] =	vst v63  }
0x8a: {  	_ = 	snop  }
0x8b: {  	[tilespmem:s8], [sflag:$0x1] =	stream.indirect_vreg.gather [hbm4b:s7+s3], $0x80, v3, vm0, $0xb8;
	[tilespmem:$0x14180] =	vst v63  }
0x8c: {  	v3 =	vld [tilespmem:s26+$0x70];
	_ =	sdelay $0x4  }
0x8d: {  	v61 =	vshll.u32 v3, $0x2  }
0x8e: {  	v3 =	vand.u32 $0x7, v3;
	v4 =	vand.u32 $0xFFFFFFE0, v61  }
0x8f: {  	v3 =	vor.u32 v3, v4  }
0x90: {  	v4 =	vperm.xlane v3, v0;
	_ =	sdelay $0x1  }
0x91: {  	v4 =	vadd.s32 v1, v4;
	_ =	sdelay $0x1  }
0x92: {  	v3 =	vperm.xlane v3, v2;
	_ =	sdelay $0x1  }
0x93: {  	v3 =	vadd.s32 v1, v3  }
0x94: {  	[tilespmem:s9], [sflag:$0x1] =	stream.indirect_vreg.gather [hbm4b:s2+s3], $0x80, v4, vm0, $0xb8;
	[tilespmem:$0x14180] =	vst v63  }
0x95: {  	_ = 	snop  }
0x96: {  	[tilespmem:s11], [sflag:$0x1] =	stream.indirect_vreg.gather [hbm4b:s7+s3], $0x80, v4, vm0, $0xb8;
	[tilespmem:$0x14180] =	vst v63  }
0x97: {  	_ = 	snop  }
0x98: {  	[tilespmem:s12], [sflag:$0x1] =	stream.indirect_vreg.gather [hbm4b:s2+s3], $0x80, v3, vm0, $0xb8;
	[tilespmem:$0x14180] =	vst v63  }
0x99: {  	_ = 	snop  }
0x9a: {  	[tilespmem:s13], [sflag:$0x1] =	stream.indirect_vreg.gather [hbm4b:s7+s3], $0x80, v3, vm0, $0xb8;
	[tilespmem:$0x14180] =	vst v63  }
0x9b: {  	v3 =	vld [tilespmem:s26+$0x80];
	_ =	sdelay $0x4  }
0x9c: {  	v62 =	vshll.u32 v3, $0x2  }
0x9d: {  	v3 =	vand.u32 $0x7, v3;
	v4 =	vand.u32 $0xFFFFFFE0, v62  }
0x9e: {  	v3 =	vor.u32 v3, v4  }
0x9f: {  	v4 =	vperm.xlane v3, v0;
	_ =	sdelay $0x1  }
0xa0: {  	v4 =	vadd.s32 v1, v4;
	_ =	sdelay $0x1  }
0xa1: {  	v3 =	vperm.xlane v3, v2;
	_ =	sdelay $0x1  }
0xa2: {  	v3 =	vadd.s32 v1, v3  }
0xa3: {  	[tilespmem:s14], [sflag:$0x1] =	stream.indirect_vreg.gather [hbm4b:s2+s3], $0x80, v4, vm0, $0xb8;
	[tilespmem:$0x14180] =	vst v63  }
0xa4: {  	_ = 	snop  }
0xa5: {  	[tilespmem:s15], [sflag:$0x1] =	stream.indirect_vreg.gather [hbm4b:s7+s3], $0x80, v4, vm0, $0xb8;
	[tilespmem:$0x14180] =	vst v63  }
0xa6: {  	_ = 	snop  }
0xa7: {  	[tilespmem:s16], [sflag:$0x1] =	stream.indirect_vreg.gather [hbm4b:s2+s3], $0x80, v3, vm0, $0xb8;
	[tilespmem:$0x14180] =	vst v63  }
0xa8: {  	_ = 	snop  }
0xa9: {  	[tilespmem:s17], [sflag:$0x1] =	stream.indirect_vreg.gather [hbm4b:s7+s3], $0x80, v3, vm0, $0xb8;
	[tilespmem:$0x14180] =	vst v63  }
0xaa: {  	v3 =	vld [tilespmem:s26+$0x90];
	_ =	sdelay $0x4  }
0xab: {  	v63 =	vshll.u32 v3, $0x2  }
0xac: {  	v3 =	vand.u32 $0x7, v3;
	v4 =	vand.u32 $0xFFFFFFE0, v63  }
0xad: {  	v3 =	vor.u32 v3, v4  }
0xae: {  	v4 =	vperm.xlane v3, v0;
	_ =	sdelay $0x1  }
0xaf: {  	v4 =	vadd.s32 v1, v4;
	_ =	sdelay $0x1  }
0xb0: {  	v3 =	vperm.xlane v3, v2;
	_ =	sdelay $0x1  }
0xb1: {  	v3 =	vadd.s32 v1, v3  }
0xb2: {  	[tilespmem:s18], [sflag:$0x1] =	stream.indirect_vreg.gather [hbm4b:s2+s3], $0x80, v4, vm0, $0xb8;
	[tilespmem:$0x14180] =	vst v63  }
0xb3: {  	_ = 	snop  }
0xb4: {  	[tilespmem:s19], [sflag:$0x1] =	stream.indirect_vreg.gather [hbm4b:s7+s3], $0x80, v4, vm0, $0xb8;
	[tilespmem:$0x14180] =	vst v63  }
0xb5: {  	_ = 	snop  }
0xb6: {  	[tilespmem:s20], [sflag:$0x1] =	stream.indirect_vreg.gather [hbm4b:s2+s3], $0x80, v3, vm0, $0xb8;
	[tilespmem:$0x14180] =	vst v63  }
0xb7: {  	p0 =	por p1, p1  }
0xb8: {  	[tilespmem:s21], [sflag:$0x1] =	stream.indirect_vreg.gather [hbm4b:s7+s3], $0x80, v3, vm0, $0xb8;
	[tilespmem:$0x14180] =	vst v63  }
.Ltmp0:
0xb9: {  	s28 =	sadd.s32 s4, s28;
	_ =	swait.ge [sflag:s31], $0xA000;
	(pc) =	sbr.rel @p0 .LBB2_2-.Ltmp0, $4  }
0xba: {  	s26 =	sshll.u32 s28, $0x6;
	[sflag:s31] =	ssyncset.done $0x0  }
0xbb: {  	s26 =	sadd.s32 s5, s26;
	[sflag:s31] =	ssyncadd.s32 $0xFFFF6000  }
0xbc: {  	[hbm4b:s26+s3] =	stream.linear.scatter [tilespmem:s1], [sflag:$0x3], $0xA000, $0x38;
	[tilespmem:$0x14180] =	vst v63  }
0xbd: {  	p1 =	por $0x0, $0x0;
	s26 =	simm.s32 $0xA0  }
0xbe: {  	s0 =	simm.s32 $0x2  }
0xbf: {  	_ =	swait.ge [sflag:s0], $0xA000  }
0xc0: {  	[sflag:s0] =	ssyncset.done $0x0  }
0xc1: {  	s28 =	simm.s32 $0x3;
	[sflag:s0] =	ssyncadd.s32 $0xFFFF6000  }
0xc2: {  	_ =	swait.ge [sflag:s28], $0xA000  }
0xc3: {  	s6 =	rddreg [dreg:$0x5]  }
0xc4: {  	s26 =	rddreg [dreg:$0x4];
	s6 =	sadd.s32 $0x1, s6  }
0xc5: {  	p0 =	sne.s32 s6, s26  }
.Ltmp1:
0xc6: {  	_ = 	snop;
	(pc) =	sbr.rel @p0 .LBB2_1-.Ltmp1, $3  }
0xc7: {  	_ =	sdelay $0x1  }
0xc8: {  	[sflag:s28] =	ssyncset.done $0x0  }
0xc9: {  	[sflag:s28] =	ssyncadd.s32 $0xFFFF6000  }
0xca: {  	_ =	sfence.sel $0x180000  }
0xcb: {  	[bflag:$0x0] =	sbarrier.arrive $0xFFFF  }
0xcc: {  	_ =	strace $0x9000004D  }
0xcd: {  	s0 =	stileid.u32;
	[bflag:$0x2] =	sbarrier.arrive $0xFFFF  }
0xce: {  	p0 =	sne.s32 s0, $0x0;
	s0 =	rddreg [dreg:$0x2]  }
0xcf: {  	s0 =	sadd.s32 @!p0 $0x100000, s0  }
0xd0: {  	[sflag:s0] =	ssyncadd.tile.s32 @!p0 $0x1;
	_ =	shalt  }
.Lfunc_end2:
_tile_overlayer_lowered:
.L_overlay_start_2:
0xd1: {  	(tag) =	ssettag $0x2  }
0xd2: {  	s0 =	rddreg [dreg:$0x0];
	s2 =	stileid.u32  }
0xd3: {  	s1 =	rddreg [dreg:$0x1];
	p0 =	sne.s32 s2, $0x0  }
0xd4: {  	s3 =	rddreg [dreg:$0x2];
	[bflag:$0x3] =	sbarrier.arrive $0xFFFF;
	s2 =	simm.s32 @!p0 $0x1C04  }
0xd5: {  	[timem:s3], [sflag:s2] =	dma.local @!p0 [hbm:s0], s1  }
0xd6: {  	s0 =	simm.s32 @!p0 $0x4  }
0xd7: {  	_ =	swait.ge @!p0 [sflag:s0], s1  }
0xd8: {  	s1 =	ssub.s32 @!p0 $0x0, s1;
	[sflag:s0] =	ssyncset.done @!p0 $0x0  }
0xd9: {  	[sflag:s0] =	ssyncadd.s32 @!p0 s1  }
0xda: {  	[bflag:$0x3] =	sbarrier.arrive $0xFFFF  }
0xdb: {  	_ =	shalt  }

// kernel: kernel.21.cloned.1.call-start
scs
__scs_entry_jumppad:
0x0: {  	(pc) =	sbr.rel $0x88, $3  }
0x1: {  	(tag) =	ssettag $0x0;
	lr =	simm.s32 $0x1  }
0x2: {  	[smem:$0x3F99] =	sst lr;
	_ =	strace $0xD0000000  }
0x3: {  	_ = 	snop  }
0x4: {  	_ = 	snop  }
0x5: {  	_ = 	snop  }
0x6: {  	_ = 	snop  }
0x7: {  	_ = 	snop  }
__scs_overlays_trampoline_lowered:
0x8: {  	[smem:$0x3FA8] =	sst s0  }
0x9: {  	[smem:$0x3FA9] =	sst s1  }
0xa: {  	[smem:$0x3FAA] =	sst s2  }
0xb: {  	[smem:$0x3FAB] =	sst s3  }
0xc: {  	[smem:$0x3FAC] =	sst s4  }
0xd: {  	[smem:$0x3FAD] =	sst s5  }
0xe: {  	[smem:$0x3FAE] =	sst s6  }
0xf: {  	[smem:$0x3FAF] =	sst s7  }
0x10: {  	[smem:$0x3FB0] =	sst s8  }
0x11: {  	[smem:$0x3FB1] =	sst s9;
	s0 =	simm.s32 @!p0 $0x0  }
0x12: {  	s1 =	sld [smem:$0x3F97];
	s0 =	simm.s32 @p0 $0x1  }
0x13: {  	[smem:$0x3FB2] =	sst s0;
	s0 =	simm.s32 @!p1 $0x0  }
0x14: {  	s2 =	sld [smem:$0x3F96];
	s0 =	simm.s32 @p1 $0x1  }
0x15: {  	[smem:$0x3FB3] =	sst s0;
	s0 =	simm.s32 @!p2 $0x0  }
0x16: {  	s3 =	sld [smem:$0x3FDB];
	s0 =	simm.s32 @p2 $0x1  }
0x17: {  	s4 =	simm.s32 $0x1BF5;
	[smem:$0x3FB5] =	sst s0  }
0x18: {  	s0 =	sld [smem:$0x3F98];
	_ =	swait.ge [sflag:s4], $0x0  }
0x19: {  	s7 =	sld [smem:$0x3F99]  }
0x1a: {  	s8 =	sadd.s32 $0xFFFFE003, lr  }
0x1b: {  	s9 =	sadd.s32 $0xFFFFFEF7, lr;
	s5 =	simm.s32 $0xFFFFFFFF;
	p2 =	slt.u32 s8, $0xFFFFF086  }
0x1c: {  	p1 =	slt.u32 s9, $0xF7A;
	s5 =	simm.s32 @!p2 $0x0  }
0x1d: {  	s5 =	simm.s32 @p1 $0x1;
	p0 =	seq.s32 s7, s2  }
0x1e: {  	s7 =	smul.u32 @!p0 $0xF7A, s2;
	p2 =	seq.s32 @!p0 s5, $0x0  }
0x1f: {  	s9 =	smul.u32 $0xF7A, s1;
	s8 =	simm.s32 @!p0 $0x1BF5;
	p2 =	por !p2, p0  }
0x20: {  	[sflag:s8] =	ssyncset.s32 @!p0 $0xFFFFF086;
	s6 =	sadd.s32 @!p0 s3, s7;
	s7 =	simm.s32 @!p0 $0x108  }
0x21: {  	s3 =	sadd.s32 s3, s9;
	s6 =	sadd.s32 @!p0 $0x88, s6;
	s7 =	simm.s32 @p2 $0x1082  }
0x22: {  	[simem:s7], [sflag:s8] =	dma.local @!p0 [hbm:s6], $0xF7A  }
0x23: {  	s9 =	sor.u32 $0xD0000000, s2;
	s6 =	simm.s32 $0x108;
	_ =	swait.ge @!p0 [sflag:s8], $0x0  }
0x24: {  	s3 =	sadd.s32 $0x88, s3;
	s6 =	simm.s32 @!p1 $0x1082;
	[sflag:s4] =	ssyncset.s32 $0xFFFFF086  }
0x25: {  	[simem:s6], [sflag:s4] =	dma.local [hbm:s3], $0xF7A  }
0x26: {  	[smem:$0x3F99] =	sst s1;
	(tag) =	ssettag s2;
	_ =	strace s9  }
0x27: {  	s1 =	sld [smem:$0x3FA9]  }
0x28: {  	s2 =	sld [smem:$0x3FAA]  }
0x29: {  	s4 =	sld [smem:$0x3FAC]  }
0x2a: {  	p0 =	seq.s32 s5, $0x0;
	s5 =	sld [smem:$0x3FAD]  }
0x2b: {  	s6 =	sld [smem:$0x3FAE]  }
0x2c: {  	s7 =	sld [smem:$0x3FAF]  }
0x2d: {  	s3 =	simm.s32 $0x108;
	s8 =	sld [smem:$0x3FB0]  }
0x2e: {  	s3 =	simm.s32 @!p0 $0x1082;
	s9 =	sld [smem:$0x3FB1]  }
0x2f: {  	lr =	sadd.s32 s0, s3;
	s0 =	sld [smem:$0x3FA8]  }
0x30: {  	s3 =	sld [smem:$0x3FAB]  }
0x31: {  	[smem:$0x3FB4] =	sst s10  }
0x32: {  	s10 =	sld [smem:$0x3FB2];
	_ =	sdelay $0x3  }
0x33: {  	p0 =	seq.s32 s10, $0x1;
	s10 =	sld [smem:$0x3FB4];
	_ =	sdelay $0x3  }
0x34: {  	[smem:$0x3FB4] =	sst s10  }
0x35: {  	s10 =	sld [smem:$0x3FB3];
	_ =	sdelay $0x3  }
0x36: {  	p1 =	seq.s32 s10, $0x1;
	s10 =	sld [smem:$0x3FB4];
	_ =	sdelay $0x3  }
0x37: {  	[smem:$0x3FB4] =	sst s10  }
0x38: {  	s10 =	sld [smem:$0x3FB5]  }
0x39: {  	_ = 	snop;
	(pc) =	sbr.ind lr, $3  }
0x3a: {  	_ = 	snop  }
0x3b: {  	_ = 	snop  }
0x3c: {  	p2 =	seq.s32 s10, $0x1;
	s10 =	sld [smem:$0x3FB4]  }
0x3d: {  	_ =	shalt  }
0x3e: {  	_ =	shalt  }
0x3f: {  	_ =	shalt  }
0x40: {  	_ =	shalt  }
0x41: {  	_ =	shalt  }
0x42: {  	_ =	shalt  }
0x43: {  	_ =	shalt  }
0x44: {  	_ =	shalt  }
0x45: {  	_ =	shalt  }
0x46: {  	_ =	shalt  }
0x47: {  	_ =	shalt  }
0x48: {  	_ =	shalt  }
0x49: {  	_ =	shalt  }
0x4a: {  	_ =	shalt  }
0x4b: {  	_ =	shalt  }
0x4c: {  	_ =	shalt  }
0x4d: {  	_ =	shalt  }
0x4e: {  	_ =	shalt  }
0x4f: {  	_ =	shalt  }
0x50: {  	_ =	shalt  }
0x51: {  	_ =	shalt  }
0x52: {  	_ =	shalt  }
0x53: {  	_ =	shalt  }
0x54: {  	_ =	shalt  }
0x55: {  	_ =	shalt  }
0x56: {  	_ =	shalt  }
0x57: {  	_ =	shalt  }
0x58: {  	_ =	shalt  }
0x59: {  	_ =	shalt  }
0x5a: {  	_ =	shalt  }
0x5b: {  	_ =	shalt  }
0x5c: {  	_ =	shalt  }
0x5d: {  	_ =	shalt  }
0x5e: {  	_ =	shalt  }
0x5f: {  	_ =	shalt  }
0x60: {  	_ =	shalt  }
0x61: {  	_ =	shalt  }
0x62: {  	_ =	shalt  }
0x63: {  	_ =	shalt  }
0x64: {  	_ =	shalt  }
0x65: {  	_ =	shalt  }
0x66: {  	_ =	shalt  }
0x67: {  	_ =	shalt  }
0x68: {  	_ =	shalt  }
0x69: {  	_ =	shalt  }
0x6a: {  	_ =	shalt  }
0x6b: {  	_ =	shalt  }
0x6c: {  	_ =	shalt  }
0x6d: {  	_ =	shalt  }
0x6e: {  	_ =	shalt  }
0x6f: {  	_ =	shalt  }
0x70: {  	_ =	shalt  }
0x71: {  	_ =	shalt  }
0x72: {  	_ =	shalt  }
0x73: {  	_ =	shalt  }
0x74: {  	_ =	shalt  }
0x75: {  	_ =	shalt  }
0x76: {  	_ =	shalt  }
0x77: {  	_ =	shalt  }
0x78: {  	_ =	shalt  }
0x79: {  	_ =	shalt  }
0x7a: {  	_ =	shalt  }
0x7b: {  	_ =	shalt  }
0x7c: {  	_ =	shalt  }
0x7d: {  	_ =	shalt  }
0x7e: {  	_ =	shalt  }
0x7f: {  	_ =	shalt  }
0x80: {  	_ =	shalt  }
0x81: {  	_ =	shalt  }
0x82: {  	_ =	shalt  }
0x83: {  	_ =	shalt  }
0x84: {  	_ =	shalt  }
0x85: {  	_ =	shalt  }
0x86: {  	_ =	shalt  }
0x87: {  	_ =	shalt  }
.Lfunc_end0:
.L_simem_size_0:
called_computation.3_lowered:
.L_overlay_start_0:
0x88: {  	s2 =	sld [smem:$0x3FD9]  }
0x89: {  	s3 =	sld [smem:$0x3FFE];
	_ =	sdelay $0x1  }
0x8a: {  	s1 =	srdreg.scid  }
0x8b: {  	s0 =	sand.u32 $0x1, s1  }
0x8c: {  	s17 =	sshll.u32 s0, $0xA;
	s2 =	sadd.s32 s3, s2  }
0x8d: {  	s2 =	sadd.s32 s2, s17  }
0x8e: {  	[smem:$0x3FC0] =	sst s2  }
0x8f: {  	_ = 	snop  }
0x90: {  	s18 =	sld [smem:$0x3FC6];
	(tm) =	ssettm $0x1  }
0x91: {  	s19 =	sld [smem:$0x3FFB];
	_ =	sdelay $0x3  }
0x92: {  	_ =	strace s19  }
0x93: {  	s2 =	sld [smem:$0x3FFC];
	_ =	sdelay $0x3  }
0x94: {  	_ =	strace s2  }
0x95: {  	s2 =	sld [smem:$0x3FFD];
	_ =	sdelay $0x3  }
0x96: {  	_ =	strace s2  }
0x97: {  	_ =	strace $0x8FFFFFFF  }
0x98: {  	s20 =	sld [smem:$0x3FDB];
	_ =	sdelay $0x1  }
0x99: {  	s4 =	simm.s32 $_scs_section_size  }
0x9a: {  	s5 =	simm.s32 $_size__tile_overlayer_lowered;
	s6 =	simm.s32 $_tile_overlayer_lowered  }
0x9b: {  	s7 =	simm.s32 $0x1BFF;
	s21 =	sshll.u32 s6, $0x1;
	s4 =	sadd.s32 s4, s20  }
0x9c: {  	s22 =	simm.s32 $0x0;
	s5 =	sshll.u32 s5, $0x1;
	s6 =	sadd.s32 s21, s4  }
0x9d: {  	[timem:s22], [sflag:s7] =	dma.local [hbm:s6], s5  }
0x9e: {  	_ =	swait.ge [sflag:s7], s5  }
0x9f: {  	s5 =	ssub.s32 $0x0, s5;
	[sflag:s7] =	ssyncset.done $0x0  }
0xa0: {  	[sflag:s7] =	ssyncadd.s32 s5;
	_ =	sdelay $0x1  }
0xa1: {  	s23 =	simm.s32 $0x1B8B  }
0xa2: {  	_ =	swait.ge [sflag:s23], $0x1  }
0xa3: {  	[sflag:s23] =	ssyncset.done $0x0  }
0xa4: {  	[sflag:s23] =	ssyncadd.s32 $0xFFFFFFFF  }
0xa5: {  	s5 =	sld [smem:$0x0]  }
0xa6: {  	s6 =	sand.u32 $0xFFFFFFFE, s1  }
0xa7: {  	p0 =	sne.s32 s1, s6  }
0xa8: {  	s6 =	sshll.u32 @p0 s6, $0xE  }
0xa9: {  	s6 =	sadd.s32 @p0 $0x11B8D, s6;
	s7 =	sshll.u32 @p0 s5, $0x11  }
0xaa: {  	s6 =	sor.u32 @p0 s7, s6  }
0xab: {  	[sflag:s6] =	ssyncadd.remote.s32 @p0 $0x1;
	_ =	sdelay $0x1  }
0xac: {  	s6 =	simm.s32 @p0 $0x1B8D  }
0xad: {  	_ =	swait.eq @p0 [sflag:s6], $0x1  }
0xae: {  	[sflag:s6] =	ssyncadd.s32 @p0 $0xFFFFFFFF  }
0xaf: {  	s7 =	sshll.u32 @!p0 s1, $0xE  }
0xb0: {  	s7 =	sor.u32 @!p0 $0x4000, s7;
	s6 =	simm.s32 @!p0 $0x1B8D  }
0xb1: {  	s5 =	sshll.u32 @!p0 s5, $0x11;
	s7 =	sadd.s32 @!p0 $0x11B8D, s7;
	_ =	swait.eq @!p0 [sflag:s6], $0x1  }
0xb2: {  	s5 =	sor.u32 @!p0 s5, s7;
	[sflag:s6] =	ssyncadd.s32 @!p0 $0xFFFFFFFF  }
0xb3: {  	s25 =	simm.s32 $0x1B8E;
	s24 =	sld [smem:$0x3FFE];
	[sflag:s5] =	ssyncadd.remote.s32 @!p0 $0x1  }
0xb4: {  	s26 =	simm.s32 $execute0_lowered;
	[smem:$0x3FD2] =	sst s25  }
0xb5: {  	s6 =	sshll.u32 s26, $0x1;
	_ =	strace $0x8000004F;
	[dreg:$0x1] =	wrdreg $0xFFFFFFFF  }
0xb6: {  	s28 =	simm.s32 $_size_execute0_lowered;
	s4 =	sadd.s32 s4, s6;
	[dreg:$0x0] =	wrdreg $0x0  }
0xb7: {  	s6 =	sshll.u32 s28, $0x1;
	[dreg:$0x2] =	wrdreg s4  }
0xb8: {  	[dreg:$0x3] =	wrdreg s6  }
0xb9: {  	[dreg:$0x4] =	wrdreg $0xC0  }
0xba: {  	_ =	task [dreg:s22], $0x5FFFF  }
0xbb: {  	[dreg:$0x1] =	wrdreg $0xFFFFFFFF  }
0xbc: {  	[dreg:$0x0] =	wrdreg $0x60  }
0xbd: {  	[dreg:$0x2] =	wrdreg s18  }
0xbe: {  	[dreg:$0x3] =	wrdreg s24  }
0xbf: {  	[dreg:$0x4] =	wrdreg $0xC  }
0xc0: {  	_ =	task.clear_ibuf [dreg:s22], $0x5FFFF;
	_ =	strace $0x9000004F  }
0xc1: {  	s29 =	simm.s32 $0xC;
	_ =	strace $0x80000051  }
0xc2: {  	_ =	swait.ge [sflag:s29], $0x1  }
0xc3: {  	[sflag:s29] =	ssyncadd.s32 $0xFFFFFFFF  }
0xc4: {  	_ =	strace $0x90000051  }
0xc5: {  	_ =	sfence  }
0xc6: {  	s30 =	sld [smem:$0x0];
	_ =	sdelay $0x2  }
0xc7: {  	s31 =	sshll.u32 s1, $0xD;
	s1 =	sshrl.u32 s1, $0x2  }
0xc8: {  	s4 =	sand.u32 $0x4000, s31;
	s1 =	sadd.s32 s1, s30  }
0xc9: {  	s0 =	sor.u32 s4, s0;
	s1 =	sshll.u32 s1, $0x11  }
0xca: {  	s0 =	sor.u32 s1, s0  }
0xcb: {  	s0 =	sadd.s32 $0x8F2B, s0  }
0xcc: {  	[sflag:s0] =	ssyncadd.remote.s32 $0x1  }
0xcd: {  	_ =	sfence.sel $0xFFFF  }
0xce: {  	[dreg:$0x0] =	wrdreg $0xFFFFFFFF;
	(pc) =	sbr.abs _section_cstart, $3  }
0xcf: {  	[dreg:$0x1] =	wrdreg $0xFFFFFFFF  }
0xd0: {  	_ =	task.clear_ibuf [dreg:s22], $0x2FFFF;
	_ =	strace $0x9FFFFFFF  }
0xd1: {  	(tm) =	ssettm $0x7FFFFFFF  }
tec
execute0_lowered:
.L_overlay_start_1:
0x0: {  	(tag) =	ssettag $0x1  }
0x1: {  	s0 =	srdreg.scid  }
0x2: {  	s1 =	stileid.u32;
	s2 =	rddreg [dreg:$0x0]  }
0x3: {  	s5 =	rddreg [dreg:$0x1];
	s3 =	simm.s32 $0x0;
	s10 =	simm.s32 $0x180  }
0x4: {  	s31 =	simm.s32 $0x1;
	s22 =	simm.s32 $0x9180;
	s23 =	simm.s32 $0x9980  }
0x5: {  	s24 =	simm.s32 $0xA980;
	s25 =	simm.s32 $0xB180;
	s29 =	simm.s32 $0xB980  }
0x6: {  	s30 =	simm.s32 $0xC180;
	s8 =	simm.s32 $0xD980;
	s9 =	simm.s32 $0xE180  }
0x7: {  	s11 =	simm.s32 $0xE980;
	s12 =	simm.s32 $0xF180;
	s13 =	simm.s32 $0xF980  }
0x8: {  	s14 =	simm.s32 $0x10180;
	s15 =	simm.s32 $0x10980;
	s16 =	simm.s32 $0x11180  }
0x9: {  	s17 =	simm.s32 $0x11980;
	s0 =	sand.u32 $0x1, s0;
	s1 =	sshll.u32 s1, $0x1  }
0xa: {  	s18 =	simm.s32 $0x12180;
	s19 =	simm.s32 $0x12980;
	s1 =	sor.u32 s0, s1  }
0xb: {  	s20 =	simm.s32 $0x13180;
	s0 =	ssub.s32 $0x2, s0;
	s4 =	smul.u32 $0x140, s1  }
0xc: {  	s21 =	simm.s32 $0x13980;
	[smem:$0x7FF] =	sst s3;
	s6 =	sshrl.u32 s0, $0x1  }
0xd: {  	s7 =	sadd.s32 $0x100, s2;
	s0 =	ssub.s32 s0, s6;
	s1 =	sshrl.u32 s4, $0x3  }
0xe: {  	v2 =	vlaneseq.u32;
	_ =	strace $0x80000050;
	s0 =	smax.u32 s0, $0x1;
	s1 =	sadd.s32 s1, s5  }
0xf: {  	vm0 =	vmmov $0xffff;
	v1 =	vshrl.u32 v2, $0x3;
	s6 =	simm.s32 $0x0;
	[dreg:$0x4] =	wrdreg s0;
	s1 =	sadd.s32 $0xA3000, s1  }
0x10: {  	v0 =	vand.u32 $0x7, v2;
	v2 =	vor.u32 $0x8, v2;
	v1 =	vmul.u32 $0x8, v1;
	s5 =	sadd.s32 $0x1E3C00, s5;
	[dreg:$0x3] =	wrdreg s1;
	s1 =	simm.s32 $0xA180  }
.LBB2_1:
0x11: {  	[dreg:$0x5] =	wrdreg s6  }
0x12: {  	s26 =	rddreg [dreg:$0x3];
	s28 =	simm.s32 $0x4  }
0x13: {  	[tilespmem:s3], [sflag:$0x4] =	stream.linear.gather [hbm4b:s26+s3], $0x140, $0x38;
	[tilespmem:$0x14180] =	vst v63  }
0x14: {  	_ =	swait.ge [sflag:s28], $0x140  }
0x15: {  	p1 =	por $0x1, $0x1;
	s0 =	simm.s32 $0xC980;
	[sflag:s28] =	ssyncset.done $0x0  }
0x16: {  	s6 =	simm.s32 $0xD180;
	s26 =	simm.s32 $0x0;
	[sflag:s28] =	ssyncadd.s32 $0xFFFFFEC0  }
.LBB2_2:
0x17: {  	s28 =	simm.s32 @!p1 $0x2  }
0x18: {  	_ =	swait.ge @!p1 [sflag:s28], $0xA000  }
0x19: {  	[sflag:s28] =	ssyncset.done @!p1 $0x0  }
0x1a: {  	[sflag:s28] =	ssyncadd.s32 @!p1 $0xFFFF6000  }
0x1b: {  	v3 =	vld [tilespmem:s26+$0x0];
	_ =	sdelay $0x4  }
0x1c: {  	v4 =	vshll.u32 v3, $0x2  }
0x1d: {  	v3 =	vand.u32 $0x7, v3;
	v4 =	vand.u32 $0xFFFFFFE0, v4  }
0x1e: {  	v3 =	vor.u32 v3, v4  }
0x1f: {  	v4 =	vperm.xlane v3, v0;
	_ =	sdelay $0x1  }
0x20: {  	v4 =	vadd.s32 v1, v4;
	_ =	sdelay $0x1  }
0x21: {  	v3 =	vperm.xlane v3, v2;
	_ =	sdelay $0x1  }
0x22: {  	v3 =	vadd.s32 v1, v3  }
0x23: {  	[tilespmem:s10], [sflag:$0x1] =	stream.indirect_vreg.gather [hbm4b:s2+s3], $0x80, v4, vm0, $0xb8;
	[tilespmem:$0x14180] =	vst v63  }
0x24: {  	s28 =	simm.s32 $0x980  }
0x25: {  	[tilespmem:s28], [sflag:$0x1] =	stream.indirect_vreg.gather [hbm4b:s7+s3], $0x80, v4, vm0, $0xb8;
	[tilespmem:$0x14180] =	vst v63  }
0x26: {  	s28 =	simm.s32 $0x1180  }
0x27: {  	[tilespmem:s28], [sflag:$0x1] =	stream.indirect_vreg.gather [hbm4b:s2+s3], $0x80, v3, vm0, $0xb8;
	[tilespmem:$0x14180] =	vst v63  }
0x28: {  	s28 =	simm.s32 $0x1980  }
0x29: {  	[tilespmem:s28], [sflag:$0x1] =	stream.indirect_vreg.gather [hbm4b:s7+s3], $0x80, v3, vm0, $0xb8;
	[tilespmem:$0x14180] =	vst v63  }
0x2a: {  	v3 =	vld [tilespmem:s26+$0x10];
	_ =	sdelay $0x4  }
0x2b: {  	v55 =	vshll.u32 v3, $0x2  }
0x2c: {  	v3 =	vand.u32 $0x7, v3;
	v4 =	vand.u32 $0xFFFFFFE0, v55  }
0x2d: {  	v3 =	vor.u32 v3, v4  }
0x2e: {  	v4 =	vperm.xlane v3, v0;
	_ =	sdelay $0x1  }
0x2f: {  	v4 =	vadd.s32 v1, v4;
	_ =	sdelay $0x1  }
0x30: {  	v3 =	vperm.xlane v3, v2;
	_ =	sdelay $0x1  }
0x31: {  	s28 =	simm.s32 $0x2180;
	v3 =	vadd.s32 v1, v3  }
0x32: {  	[tilespmem:s28], [sflag:$0x1] =	stream.indirect_vreg.gather [hbm4b:s2+s3], $0x80, v4, vm0, $0xb8;
	[tilespmem:$0x14180] =	vst v63  }
0x33: {  	s28 =	simm.s32 $0x2980  }
0x34: {  	[tilespmem:s28], [sflag:$0x1] =	stream.indirect_vreg.gather [hbm4b:s7+s3], $0x80, v4, vm0, $0xb8;
	[tilespmem:$0x14180] =	vst v63  }
0x35: {  	s28 =	simm.s32 $0x3180  }
0x36: {  	[tilespmem:s28], [sflag:$0x1] =	stream.indirect_vreg.gather [hbm4b:s2+s3], $0x80, v3, vm0, $0xb8;
	[tilespmem:$0x14180] =	vst v63  }
0x37: {  	s28 =	simm.s32 $0x3980  }
0x38: {  	[tilespmem:s28], [sflag:$0x1] =	stream.indirect_vreg.gather [hbm4b:s7+s3], $0x80, v3, vm0, $0xb8;
	[tilespmem:$0x14180] =	vst v63  }
0x39: {  	v3 =	vld [tilespmem:s26+$0x20];
	_ =	sdelay $0x4  }
0x3a: {  	v56 =	vshll.u32 v3, $0x2  }
0x3b: {  	v3 =	vand.u32 $0x7, v3;
	v4 =	vand.u32 $0xFFFFFFE0, v56  }
0x3c: {  	v3 =	vor.u32 v3, v4  }
0x3d: {  	v4 =	vperm.xlane v3, v0;
	_ =	sdelay $0x1  }
0x3e: {  	v4 =	vadd.s32 v1, v4;
	_ =	sdelay $0x1  }
0x3f: {  	v3 =	vperm.xlane v3, v2;
	_ =	sdelay $0x1  }
0x40: {  	s28 =	simm.s32 $0x4180;
	v3 =	vadd.s32 v1, v3  }
0x41: {  	[tilespmem:s28], [sflag:$0x1] =	stream.indirect_vreg.gather [hbm4b:s2+s3], $0x80, v4, vm0, $0xb8;
	[tilespmem:$0x14180] =	vst v63  }
0x42: {  	s28 =	simm.s32 $0x4980  }
0x43: {  	[tilespmem:s28], [sflag:$0x1] =	stream.indirect_vreg.gather [hbm4b:s7+s3], $0x80, v4, vm0, $0xb8;
	[tilespmem:$0x14180] =	vst v63  }
0x44: {  	s28 =	simm.s32 $0x5180  }
0x45: {  	[tilespmem:s28], [sflag:$0x1] =	stream.indirect_vreg.gather [hbm4b:s2+s3], $0x80, v3, vm0, $0xb8;
	[tilespmem:$0x14180] =	vst v63  }
0x46: {  	s28 =	simm.s32 $0x5980  }
0x47: {  	[tilespmem:s28], [sflag:$0x1] =	stream.indirect_vreg.gather [hbm4b:s7+s3], $0x80, v3, vm0, $0xb8;
	[tilespmem:$0x14180] =	vst v63  }
0x48: {  	v3 =	vld [tilespmem:s26+$0x30];
	_ =	sdelay $0x4  }
0x49: {  	v57 =	vshll.u32 v3, $0x2  }
0x4a: {  	v3 =	vand.u32 $0x7, v3;
	v4 =	vand.u32 $0xFFFFFFE0, v57  }
0x4b: {  	v3 =	vor.u32 v3, v4  }
0x4c: {  	v4 =	vperm.xlane v3, v0;
	_ =	sdelay $0x1  }
0x4d: {  	v4 =	vadd.s32 v1, v4;
	_ =	sdelay $0x1  }
0x4e: {  	v3 =	vperm.xlane v3, v2;
	_ =	sdelay $0x1  }
0x4f: {  	s28 =	simm.s32 $0x6180;
	v3 =	vadd.s32 v1, v3  }
0x50: {  	[tilespmem:s28], [sflag:$0x1] =	stream.indirect_vreg.gather [hbm4b:s2+s3], $0x80, v4, vm0, $0xb8;
	[tilespmem:$0x14180] =	vst v63  }
0x51: {  	s28 =	simm.s32 $0x6980  }
0x52: {  	[tilespmem:s28], [sflag:$0x1] =	stream.indirect_vreg.gather [hbm4b:s7+s3], $0x80, v4, vm0, $0xb8;
	[tilespmem:$0x14180] =	vst v63  }
0x53: {  	s28 =	simm.s32 $0x7180  }
0x54: {  	[tilespmem:s28], [sflag:$0x1] =	stream.indirect_vreg.gather [hbm4b:s2+s3], $0x80, v3, vm0, $0xb8;
	[tilespmem:$0x14180] =	vst v63  }
0x55: {  	s28 =	simm.s32 $0x7980  }
0x56: {  	[tilespmem:s28], [sflag:$0x1] =	stream.indirect_vreg.gather [hbm4b:s7+s3], $0x80, v3, vm0, $0xb8;
	[tilespmem:$0x14180] =	vst v63  }
0x57: {  	v3 =	vld [tilespmem:s26+$0x40];
	_ =	sdelay $0x4  }
0x58: {  	v58 =	vshll.u32 v3, $0x2  }
0x59: {  	v3 =	vand.u32 $0x7, v3;
	v4 =	vand.u32 $0xFFFFFFE0, v58  }
0x5a: {  	v3 =	vor.u32 v3, v4  }
0x5b: {  	v4 =	vperm.xlane v3, v0;
	_ =	sdelay $0x1  }
0x5c: {  	v4 =	vadd.s32 v1, v4;
	_ =	sdelay $0x1  }
0x5d: {  	v3 =	vperm.xlane v3, v2;
	_ =	sdelay $0x1  }
0x5e: {  	s28 =	simm.s32 $0x8180;
	v3 =	vadd.s32 v1, v3  }
0x5f: {  	[tilespmem:s28], [sflag:$0x1] =	stream.indirect_vreg.gather [hbm4b:s2+s3], $0x80, v4, vm0, $0xb8;
	[tilespmem:$0x14180] =	vst v63  }
0x60: {  	s28 =	simm.s32 $0x8980  }
0x61: {  	[tilespmem:s28], [sflag:$0x1] =	stream.indirect_vreg.gather [hbm4b:s7+s3], $0x80, v4, vm0, $0xb8;
	[tilespmem:$0x14180] =	vst v63  }
0x62: {  	_ = 	snop  }
0x63: {  	[tilespmem:s22], [sflag:$0x1] =	stream.indirect_vreg.gather [hbm4b:s2+s3], $0x80, v3, vm0, $0xb8;
	[tilespmem:$0x14180] =	vst v63  }
0x64: {  	_ = 	snop  }
0x65: {  	[tilespmem:s23], [sflag:$0x1] =	stream.indirect_vreg.gather [hbm4b:s7+s3], $0x80, v3, vm0, $0xb8;
	[tilespmem:$0x14180] =	vst v63  }
0x66: {  	s28 =	sadd.s32 s4, s26;
	_ =	swait.ge [sflag:s31], $0xA000  }
0x67: {  	s28 =	sshll.u32 s28, $0x6;
	[sflag:s31] =	ssyncset.done $0x0  }
0x68: {  	s28 =	sadd.s32 s5, s28;
	[sflag:s31] =	ssyncadd.s32 $0xFFFF6000  }
0x69: {  	[hbm4b:s28+s3] =	stream.linear.scatter [tilespmem:s10], [sflag:$0x2], $0xA000, $0x38;
	[tilespmem:$0x14180] =	vst v63  }
0x6a: {  	s28 =	simm.s32 @!p1 $0x3  }
0x6b: {  	_ =	swait.ge @!p1 [sflag:s28], $0xA000  }
0x6c: {  	[sflag:s28] =	ssyncset.done @!p1 $0x0  }
0x6d: {  	[sflag:s28] =	ssyncadd.s32 @!p1 $0xFFFF6000;
	s28 =	sor.u32 $0x50, s26  }
0x6e: {  	v3 =	vld [tilespmem:s28+$0x0];
	_ =	sdelay $0x4  }
0x6f: {  	v59 =	vshll.u32 v3, $0x2  }
0x70: {  	v3 =	vand.u32 $0x7, v3;
	v4 =	vand.u32 $0xFFFFFFE0, v59  }
0x71: {  	v3 =	vor.u32 v3, v4  }
0x72: {  	v4 =	vperm.xlane v3, v0;
	_ =	sdelay $0x1  }
0x73: {  	v4 =	vadd.s32 v1, v4;
	_ =	sdelay $0x1  }
0x74: {  	v3 =	vperm.xlane v3, v2;
	_ =	sdelay $0x1  }
0x75: {  	v3 =	vadd.s32 v1, v3  }
0x76: {  	[tilespmem:s1], [sflag:$0x1] =	stream.indirect_vreg.gather [hbm4b:s2+s3], $0x80, v4, vm0, $0xb8;
	[tilespmem:$0x14180] =	vst v63  }
0x77: {  	_ = 	snop  }
0x78: {  	[tilespmem:s24], [sflag:$0x1] =	stream.indirect_vreg.gather [hbm4b:s7+s3], $0x80, v4, vm0, $0xb8;
	[tilespmem:$0x14180] =	vst v63  }
0x79: {  	_ = 	snop  }
0x7a: {  	[tilespmem:s25], [sflag:$0x1] =	stream.indirect_vreg.gather [hbm4b:s2+s3], $0x80, v3, vm0, $0xb8;
	[tilespmem:$0x14180] =	vst v63  }
0x7b: {  	_ = 	snop  }
0x7c: {  	[tilespmem:s29], [sflag:$0x1] =	stream.indirect_vreg.gather [hbm4b:s7+s3], $0x80, v3, vm0, $0xb8;
	[tilespmem:$0x14180] =	vst v63  }
0x7d: {  	v3 =	vld [tilespmem:s26+$0x60];
	_ =	sdelay $0x4  }
0x7e: {  	v60 =	vshll.u32 v3, $0x2  }
0x7f: {  	v3 =	vand.u32 $0x7, v3;
	v4 =	vand.u32 $0xFFFFFFE0, v60  }
0x80: {  	v3 =	vor.u32 v3, v4  }
0x81: {  	v4 =	vperm.xlane v3, v0;
	_ =	sdelay $0x1  }
0x82: {  	v4 =	vadd.s32 v1, v4;
	_ =	sdelay $0x1  }
0x83: {  	v3 =	vperm.xlane v3, v2;
	_ =	sdelay $0x1  }
0x84: {  	v3 =	vadd.s32 v1, v3  }
0x85: {  	[tilespmem:s30], [sflag:$0x1] =	stream.indirect_vreg.gather [hbm4b:s2+s3], $0x80, v4, vm0, $0xb8;
	[tilespmem:$0x14180] =	vst v63  }
0x86: {  	_ = 	snop  }
0x87: {  	[tilespmem:s0], [sflag:$0x1] =	stream.indirect_vreg.gather [hbm4b:s7+s3], $0x80, v4, vm0, $0xb8;
	[tilespmem:$0x14180] =	vst v63  }
0x88: {  	_ = 	snop  }
0x89: {  	[tilespmem:s6], [sflag:$0x1] =	stream.indirect_vreg.gather [hbm4b:s2+s3], $0x80, v3, vm0, $0xb8;
	[tilespmem:$0x14180] =	vst v63  }
0x8a: {  	_ = 	snop  }
0x8b: {  	[tilespmem:s8], [sflag:$0x1] =	stream.indirect_vreg.gather [hbm4b:s7+s3], $0x80, v3, vm0, $0xb8;
	[tilespmem:$0x14180] =	vst v63  }
0x8c: {  	v3 =	vld [tilespmem:s26+$0x70];
	_ =	sdelay $0x4  }
0x8d: {  	v61 =	vshll.u32 v3, $0x2  }
0x8e: {  	v3 =	vand.u32 $0x7, v3;
	v4 =	vand.u32 $0xFFFFFFE0, v61  }
0x8f: {  	v3 =	vor.u32 v3, v4  }
0x90: {  	v4 =	vperm.xlane v3, v0;
	_ =	sdelay $0x1  }
0x91: {  	v4 =	vadd.s32 v1, v4;
	_ =	sdelay $0x1  }
0x92: {  	v3 =	vperm.xlane v3, v2;
	_ =	sdelay $0x1  }
0x93: {  	v3 =	vadd.s32 v1, v3  }
0x94: {  	[tilespmem:s9], [sflag:$0x1] =	stream.indirect_vreg.gather [hbm4b:s2+s3], $0x80, v4, vm0, $0xb8;
	[tilespmem:$0x14180] =	vst v63  }
0x95: {  	_ = 	snop  }
0x96: {  	[tilespmem:s11], [sflag:$0x1] =	stream.indirect_vreg.gather [hbm4b:s7+s3], $0x80, v4, vm0, $0xb8;
	[tilespmem:$0x14180] =	vst v63  }
0x97: {  	_ = 	snop  }
0x98: {  	[tilespmem:s12], [sflag:$0x1] =	stream.indirect_vreg.gather [hbm4b:s2+s3], $0x80, v3, vm0, $0xb8;
	[tilespmem:$0x14180] =	vst v63  }
0x99: {  	_ = 	snop  }
0x9a: {  	[tilespmem:s13], [sflag:$0x1] =	stream.indirect_vreg.gather [hbm4b:s7+s3], $0x80, v3, vm0, $0xb8;
	[tilespmem:$0x14180] =	vst v63  }
0x9b: {  	v3 =	vld [tilespmem:s26+$0x80];
	_ =	sdelay $0x4  }
0x9c: {  	v62 =	vshll.u32 v3, $0x2  }
0x9d: {  	v3 =	vand.u32 $0x7, v3;
	v4 =	vand.u32 $0xFFFFFFE0, v62  }
0x9e: {  	v3 =	vor.u32 v3, v4  }
0x9f: {  	v4 =	vperm.xlane v3, v0;
	_ =	sdelay $0x1  }
0xa0: {  	v4 =	vadd.s32 v1, v4;
	_ =	sdelay $0x1  }
0xa1: {  	v3 =	vperm.xlane v3, v2;
	_ =	sdelay $0x1  }
0xa2: {  	v3 =	vadd.s32 v1, v3  }
0xa3: {  	[tilespmem:s14], [sflag:$0x1] =	stream.indirect_vreg.gather [hbm4b:s2+s3], $0x80, v4, vm0, $0xb8;
	[tilespmem:$0x14180] =	vst v63  }
0xa4: {  	_ = 	snop  }
0xa5: {  	[tilespmem:s15], [sflag:$0x1] =	stream.indirect_vreg.gather [hbm4b:s7+s3], $0x80, v4, vm0, $0xb8;
	[tilespmem:$0x14180] =	vst v63  }
0xa6: {  	_ = 	snop  }
0xa7: {  	[tilespmem:s16], [sflag:$0x1] =	stream.indirect_vreg.gather [hbm4b:s2+s3], $0x80, v3, vm0, $0xb8;
	[tilespmem:$0x14180] =	vst v63  }
0xa8: {  	_ = 	snop  }
0xa9: {  	[tilespmem:s17], [sflag:$0x1] =	stream.indirect_vreg.gather [hbm4b:s7+s3], $0x80, v3, vm0, $0xb8;
	[tilespmem:$0x14180] =	vst v63  }
0xaa: {  	v3 =	vld [tilespmem:s26+$0x90];
	_ =	sdelay $0x4  }
0xab: {  	v63 =	vshll.u32 v3, $0x2  }
0xac: {  	v3 =	vand.u32 $0x7, v3;
	v4 =	vand.u32 $0xFFFFFFE0, v63  }
0xad: {  	v3 =	vor.u32 v3, v4  }
0xae: {  	v4 =	vperm.xlane v3, v0;
	_ =	sdelay $0x1  }
0xaf: {  	v4 =	vadd.s32 v1, v4;
	_ =	sdelay $0x1  }
0xb0: {  	v3 =	vperm.xlane v3, v2;
	_ =	sdelay $0x1  }
0xb1: {  	v3 =	vadd.s32 v1, v3  }
0xb2: {  	[tilespmem:s18], [sflag:$0x1] =	stream.indirect_vreg.gather [hbm4b:s2+s3], $0x80, v4, vm0, $0xb8;
	[tilespmem:$0x14180] =	vst v63  }
0xb3: {  	_ = 	snop  }
0xb4: {  	[tilespmem:s19], [sflag:$0x1] =	stream.indirect_vreg.gather [hbm4b:s7+s3], $0x80, v4, vm0, $0xb8;
	[tilespmem:$0x14180] =	vst v63  }
0xb5: {  	_ = 	snop  }
0xb6: {  	[tilespmem:s20], [sflag:$0x1] =	stream.indirect_vreg.gather [hbm4b:s2+s3], $0x80, v3, vm0, $0xb8;
	[tilespmem:$0x14180] =	vst v63  }
0xb7: {  	p0 =	por p1, p1  }
0xb8: {  	[tilespmem:s21], [sflag:$0x1] =	stream.indirect_vreg.gather [hbm4b:s7+s3], $0x80, v3, vm0, $0xb8;
	[tilespmem:$0x14180] =	vst v63  }
.Ltmp0:
0xb9: {  	s28 =	sadd.s32 s4, s28;
	_ =	swait.ge [sflag:s31], $0xA000;
	(pc) =	sbr.rel @p0 .LBB2_2-.Ltmp0, $4  }
0xba: {  	s26 =	sshll.u32 s28, $0x6;
	[sflag:s31] =	ssyncset.done $0x0  }
0xbb: {  	s26 =	sadd.s32 s5, s26;
	[sflag:s31] =	ssyncadd.s32 $0xFFFF6000  }
0xbc: {  	[hbm4b:s26+s3] =	stream.linear.scatter [tilespmem:s1], [sflag:$0x3], $0xA000, $0x38;
	[tilespmem:$0x14180] =	vst v63  }
0xbd: {  	p1 =	por $0x0, $0x0;
	s26 =	simm.s32 $0xA0  }
0xbe: {  	s0 =	simm.s32 $0x2  }
0xbf: {  	_ =	swait.ge [sflag:s0], $0xA000  }
0xc0: {  	[sflag:s0] =	ssyncset.done $0x0  }
0xc1: {  	s28 =	simm.s32 $0x3;
	[sflag:s0] =	ssyncadd.s32 $0xFFFF6000  }
0xc2: {  	_ =	swait.ge [sflag:s28], $0xA000  }
0xc3: {  	s6 =	rddreg [dreg:$0x5]  }
0xc4: {  	s26 =	rddreg [dreg:$0x4];
	s6 =	sadd.s32 $0x1, s6  }
0xc5: {  	p0 =	sne.s32 s6, s26  }
.Ltmp1:
0xc6: {  	_ = 	snop;
	(pc) =	sbr.rel @p0 .LBB2_1-.Ltmp1, $3  }
0xc7: {  	_ =	sdelay $0x1  }
0xc8: {  	[sflag:s28] =	ssyncset.done $0x0  }
0xc9: {  	[sflag:s28] =	ssyncadd.s32 $0xFFFF6000  }
0xca: {  	_ =	sfence.sel $0x180000  }
0xcb: {  	[bflag:$0x0] =	sbarrier.arrive $0xFFFF  }
0xcc: {  	_ =	strace $0x90000050  }
0xcd: {  	s0 =	stileid.u32;
	[bflag:$0x2] =	sbarrier.arrive $0xFFFF  }
0xce: {  	p0 =	sne.s32 s0, $0x0;
	s0 =	rddreg [dreg:$0x2]  }
0xcf: {  	s0 =	sadd.s32 @!p0 $0x100000, s0  }
0xd0: {  	[sflag:s0] =	ssyncadd.tile.s32 @!p0 $0x1;
	_ =	shalt  }
.Lfunc_end2:
_tile_overlayer_lowered:
.L_overlay_start_2:
0xd1: {  	(tag) =	ssettag $0x2  }
0xd2: {  	s0 =	rddreg [dreg:$0x0];
	s2 =	stileid.u32  }
0xd3: {  	s1 =	rddreg [dreg:$0x1];
	p0 =	sne.s32 s2, $0x0  }
0xd4: {  	s3 =	rddreg [dreg:$0x2];
	[bflag:$0x3] =	sbarrier.arrive $0xFFFF;
	s2 =	simm.s32 @!p0 $0x1C04  }
0xd5: {  	[timem:s3], [sflag:s2] =	dma.local @!p0 [hbm:s0], s1  }
0xd6: {  	s0 =	simm.s32 @!p0 $0x4  }
0xd7: {  	_ =	swait.ge @!p0 [sflag:s0], s1  }
0xd8: {  	s1 =	ssub.s32 @!p0 $0x0, s1;
	[sflag:s0] =	ssyncset.done @!p0 $0x0  }
0xd9: {  	[sflag:s0] =	ssyncadd.s32 @!p0 s1  }
0xda: {  	[bflag:$0x3] =	sbarrier.arrive $0xFFFF  }
0xdb: {  	_ =	shalt  }

// kernel: kernel.24.cloned.1.call-start
scs
__scs_entry_jumppad:
0x0: {  	(pc) =	sbr.rel $0x88, $3  }
0x1: {  	(tag) =	ssettag $0x0;
	lr =	simm.s32 $0x1  }
0x2: {  	[smem:$0x3F99] =	sst lr;
	_ =	strace $0xD0000000  }
0x3: {  	_ = 	snop  }
0x4: {  	_ = 	snop  }
0x5: {  	_ = 	snop  }
0x6: {  	_ = 	snop  }
0x7: {  	_ = 	snop  }
__scs_overlays_trampoline_lowered:
0x8: {  	[smem:$0x3FA8] =	sst s0  }
0x9: {  	[smem:$0x3FA9] =	sst s1  }
0xa: {  	[smem:$0x3FAA] =	sst s2  }
0xb: {  	[smem:$0x3FAB] =	sst s3  }
0xc: {  	[smem:$0x3FAC] =	sst s4  }
0xd: {  	[smem:$0x3FAD] =	sst s5  }
0xe: {  	[smem:$0x3FAE] =	sst s6  }
0xf: {  	[smem:$0x3FAF] =	sst s7  }
0x10: {  	[smem:$0x3FB0] =	sst s8  }
0x11: {  	[smem:$0x3FB1] =	sst s9;
	s0 =	simm.s32 @!p0 $0x0  }
0x12: {  	s1 =	sld [smem:$0x3F97];
	s0 =	simm.s32 @p0 $0x1  }
0x13: {  	[smem:$0x3FB2] =	sst s0;
	s0 =	simm.s32 @!p1 $0x0  }
0x14: {  	s2 =	sld [smem:$0x3F96];
	s0 =	simm.s32 @p1 $0x1  }
0x15: {  	[smem:$0x3FB3] =	sst s0;
	s0 =	simm.s32 @!p2 $0x0  }
0x16: {  	s3 =	sld [smem:$0x3FDB];
	s0 =	simm.s32 @p2 $0x1  }
0x17: {  	s4 =	simm.s32 $0x1BF5;
	[smem:$0x3FB5] =	sst s0  }
0x18: {  	s0 =	sld [smem:$0x3F98];
	_ =	swait.ge [sflag:s4], $0x0  }
0x19: {  	s7 =	sld [smem:$0x3F99]  }
0x1a: {  	s8 =	sadd.s32 $0xFFFFE003, lr  }
0x1b: {  	s9 =	sadd.s32 $0xFFFFFEF7, lr;
	s5 =	simm.s32 $0xFFFFFFFF;
	p2 =	slt.u32 s8, $0xFFFFF086  }
0x1c: {  	p1 =	slt.u32 s9, $0xF7A;
	s5 =	simm.s32 @!p2 $0x0  }
0x1d: {  	s5 =	simm.s32 @p1 $0x1;
	p0 =	seq.s32 s7, s2  }
0x1e: {  	s7 =	smul.u32 @!p0 $0xF7A, s2;
	p2 =	seq.s32 @!p0 s5, $0x0  }
0x1f: {  	s9 =	smul.u32 $0xF7A, s1;
	s8 =	simm.s32 @!p0 $0x1BF5;
	p2 =	por !p2, p0  }
0x20: {  	[sflag:s8] =	ssyncset.s32 @!p0 $0xFFFFF086;
	s6 =	sadd.s32 @!p0 s3, s7;
	s7 =	simm.s32 @!p0 $0x108  }
0x21: {  	s3 =	sadd.s32 s3, s9;
	s6 =	sadd.s32 @!p0 $0x88, s6;
	s7 =	simm.s32 @p2 $0x1082  }
0x22: {  	[simem:s7], [sflag:s8] =	dma.local @!p0 [hbm:s6], $0xF7A  }
0x23: {  	s9 =	sor.u32 $0xD0000000, s2;
	s6 =	simm.s32 $0x108;
	_ =	swait.ge @!p0 [sflag:s8], $0x0  }
0x24: {  	s3 =	sadd.s32 $0x88, s3;
	s6 =	simm.s32 @!p1 $0x1082;
	[sflag:s4] =	ssyncset.s32 $0xFFFFF086  }
0x25: {  	[simem:s6], [sflag:s4] =	dma.local [hbm:s3], $0xF7A  }
0x26: {  	[smem:$0x3F99] =	sst s1;
	(tag) =	ssettag s2;
	_ =	strace s9  }
0x27: {  	s1 =	sld [smem:$0x3FA9]  }
0x28: {  	s2 =	sld [smem:$0x3FAA]  }
0x29: {  	s4 =	sld [smem:$0x3FAC]  }
0x2a: {  	p0 =	seq.s32 s5, $0x0;
	s5 =	sld [smem:$0x3FAD]  }
0x2b: {  	s6 =	sld [smem:$0x3FAE]  }
0x2c: {  	s7 =	sld [smem:$0x3FAF]  }
0x2d: {  	s3 =	simm.s32 $0x108;
	s8 =	sld [smem:$0x3FB0]  }
0x2e: {  	s3 =	simm.s32 @!p0 $0x1082;
	s9 =	sld [smem:$0x3FB1]  }
0x2f: {  	lr =	sadd.s32 s0, s3;
	s0 =	sld [smem:$0x3FA8]  }
0x30: {  	s3 =	sld [smem:$0x3FAB]  }
0x31: {  	[smem:$0x3FB4] =	sst s10  }
0x32: {  	s10 =	sld [smem:$0x3FB2];
	_ =	sdelay $0x3  }
0x33: {  	p0 =	seq.s32 s10, $0x1;
	s10 =	sld [smem:$0x3FB4];
	_ =	sdelay $0x3  }
0x34: {  	[smem:$0x3FB4] =	sst s10  }
0x35: {  	s10 =	sld [smem:$0x3FB3];
	_ =	sdelay $0x3  }
0x36: {  	p1 =	seq.s32 s10, $0x1;
	s10 =	sld [smem:$0x3FB4];
	_ =	sdelay $0x3  }
0x37: {  	[smem:$0x3FB4] =	sst s10  }
0x38: {  	s10 =	sld [smem:$0x3FB5]  }
0x39: {  	_ = 	snop;
	(pc) =	sbr.ind lr, $3  }
0x3a: {  	_ = 	snop  }
0x3b: {  	_ = 	snop  }
0x3c: {  	p2 =	seq.s32 s10, $0x1;
	s10 =	sld [smem:$0x3FB4]  }
0x3d: {  	_ =	shalt  }
0x3e: {  	_ =	shalt  }
0x3f: {  	_ =	shalt  }
0x40: {  	_ =	shalt  }
0x41: {  	_ =	shalt  }
0x42: {  	_ =	shalt  }
0x43: {  	_ =	shalt  }
0x44: {  	_ =	shalt  }
0x45: {  	_ =	shalt  }
0x46: {  	_ =	shalt  }
0x47: {  	_ =	shalt  }
0x48: {  	_ =	shalt  }
0x49: {  	_ =	shalt  }
0x4a: {  	_ =	shalt  }
0x4b: {  	_ =	shalt  }
0x4c: {  	_ =	shalt  }
0x4d: {  	_ =	shalt  }
0x4e: {  	_ =	shalt  }
0x4f: {  	_ =	shalt  }
0x50: {  	_ =	shalt  }
0x51: {  	_ =	shalt  }
0x52: {  	_ =	shalt  }
0x53: {  	_ =	shalt  }
0x54: {  	_ =	shalt  }
0x55: {  	_ =	shalt  }
0x56: {  	_ =	shalt  }
0x57: {  	_ =	shalt  }
0x58: {  	_ =	shalt  }
0x59: {  	_ =	shalt  }
0x5a: {  	_ =	shalt  }
0x5b: {  	_ =	shalt  }
0x5c: {  	_ =	shalt  }
0x5d: {  	_ =	shalt  }
0x5e: {  	_ =	shalt  }
0x5f: {  	_ =	shalt  }
0x60: {  	_ =	shalt  }
0x61: {  	_ =	shalt  }
0x62: {  	_ =	shalt  }
0x63: {  	_ =	shalt  }
0x64: {  	_ =	shalt  }
0x65: {  	_ =	shalt  }
0x66: {  	_ =	shalt  }
0x67: {  	_ =	shalt  }
0x68: {  	_ =	shalt  }
0x69: {  	_ =	shalt  }
0x6a: {  	_ =	shalt  }
0x6b: {  	_ =	shalt  }
0x6c: {  	_ =	shalt  }
0x6d: {  	_ =	shalt  }
0x6e: {  	_ =	shalt  }
0x6f: {  	_ =	shalt  }
0x70: {  	_ =	shalt  }
0x71: {  	_ =	shalt  }
0x72: {  	_ =	shalt  }
0x73: {  	_ =	shalt  }
0x74: {  	_ =	shalt  }
0x75: {  	_ =	shalt  }
0x76: {  	_ =	shalt  }
0x77: {  	_ =	shalt  }
0x78: {  	_ =	shalt  }
0x79: {  	_ =	shalt  }
0x7a: {  	_ =	shalt  }
0x7b: {  	_ =	shalt  }
0x7c: {  	_ =	shalt  }
0x7d: {  	_ =	shalt  }
0x7e: {  	_ =	shalt  }
0x7f: {  	_ =	shalt  }
0x80: {  	_ =	shalt  }
0x81: {  	_ =	shalt  }
0x82: {  	_ =	shalt  }
0x83: {  	_ =	shalt  }
0x84: {  	_ =	shalt  }
0x85: {  	_ =	shalt  }
0x86: {  	_ =	shalt  }
0x87: {  	_ =	shalt  }
.Lfunc_end0:
.L_simem_size_0:
called_computation.4_lowered:
.L_overlay_start_0:
0x88: {  	s2 =	sld [smem:$0x3FD9]  }
0x89: {  	s3 =	sld [smem:$0x3FFE];
	_ =	sdelay $0x1  }
0x8a: {  	s1 =	srdreg.scid  }
0x8b: {  	s0 =	sand.u32 $0x1, s1  }
0x8c: {  	s17 =	sshll.u32 s0, $0xA;
	s2 =	sadd.s32 s3, s2  }
0x8d: {  	s2 =	sadd.s32 s2, s17  }
0x8e: {  	[smem:$0x3FC0] =	sst s2  }
0x8f: {  	_ = 	snop  }
0x90: {  	s18 =	sld [smem:$0x3FC6];
	(tm) =	ssettm $0x1  }
0x91: {  	s19 =	sld [smem:$0x3FFB];
	_ =	sdelay $0x3  }
0x92: {  	_ =	strace s19  }
0x93: {  	s2 =	sld [smem:$0x3FFC];
	_ =	sdelay $0x3  }
0x94: {  	_ =	strace s2  }
0x95: {  	s2 =	sld [smem:$0x3FFD];
	_ =	sdelay $0x3  }
0x96: {  	_ =	strace s2  }
0x97: {  	_ =	strace $0x8FFFFFFF  }
0x98: {  	s20 =	sld [smem:$0x3FDB];
	_ =	sdelay $0x1  }
0x99: {  	s4 =	simm.s32 $_scs_section_size  }
0x9a: {  	s5 =	simm.s32 $_size__tile_overlayer_lowered;
	s6 =	simm.s32 $_tile_overlayer_lowered  }
0x9b: {  	s7 =	simm.s32 $0x1BFF;
	s21 =	sshll.u32 s6, $0x1;
	s4 =	sadd.s32 s4, s20  }
0x9c: {  	s22 =	simm.s32 $0x0;
	s5 =	sshll.u32 s5, $0x1;
	s6 =	sadd.s32 s21, s4  }
0x9d: {  	[timem:s22], [sflag:s7] =	dma.local [hbm:s6], s5  }
0x9e: {  	_ =	swait.ge [sflag:s7], s5  }
0x9f: {  	s5 =	ssub.s32 $0x0, s5;
	[sflag:s7] =	ssyncset.done $0x0  }
0xa0: {  	[sflag:s7] =	ssyncadd.s32 s5;
	_ =	sdelay $0x1  }
0xa1: {  	s23 =	simm.s32 $0x1B8B  }
0xa2: {  	_ =	swait.ge [sflag:s23], $0x1  }
0xa3: {  	[sflag:s23] =	ssyncset.done $0x0  }
0xa4: {  	[sflag:s23] =	ssyncadd.s32 $0xFFFFFFFF  }
0xa5: {  	s5 =	sld [smem:$0x0]  }
0xa6: {  	s6 =	sand.u32 $0xFFFFFFFE, s1  }
0xa7: {  	p0 =	sne.s32 s1, s6  }
0xa8: {  	s6 =	sshll.u32 @p0 s6, $0xE  }
0xa9: {  	s6 =	sadd.s32 @p0 $0x11B8D, s6;
	s7 =	sshll.u32 @p0 s5, $0x11  }
0xaa: {  	s6 =	sor.u32 @p0 s7, s6  }
0xab: {  	[sflag:s6] =	ssyncadd.remote.s32 @p0 $0x1;
	_ =	sdelay $0x1  }
0xac: {  	s6 =	simm.s32 @p0 $0x1B8D  }
0xad: {  	_ =	swait.eq @p0 [sflag:s6], $0x1  }
0xae: {  	[sflag:s6] =	ssyncadd.s32 @p0 $0xFFFFFFFF  }
0xaf: {  	s7 =	sshll.u32 @!p0 s1, $0xE  }
0xb0: {  	s7 =	sor.u32 @!p0 $0x4000, s7;
	s6 =	simm.s32 @!p0 $0x1B8D  }
0xb1: {  	s5 =	sshll.u32 @!p0 s5, $0x11;
	s7 =	sadd.s32 @!p0 $0x11B8D, s7;
	_ =	swait.eq @!p0 [sflag:s6], $0x1  }
0xb2: {  	s5 =	sor.u32 @!p0 s5, s7;
	[sflag:s6] =	ssyncadd.s32 @!p0 $0xFFFFFFFF  }
0xb3: {  	s25 =	simm.s32 $0x1B8E;
	s24 =	sld [smem:$0x3FFE];
	[sflag:s5] =	ssyncadd.remote.s32 @!p0 $0x1  }
0xb4: {  	s26 =	simm.s32 $execute0_lowered;
	[smem:$0x3FD2] =	sst s25  }
0xb5: {  	s6 =	sshll.u32 s26, $0x1;
	_ =	strace $0x80000052;
	[dreg:$0x1] =	wrdreg $0xFFFFFFFF  }
0xb6: {  	s28 =	simm.s32 $_size_execute0_lowered;
	s4 =	sadd.s32 s4, s6;
	[dreg:$0x0] =	wrdreg $0x0  }
0xb7: {  	s6 =	sshll.u32 s28, $0x1;
	[dreg:$0x2] =	wrdreg s4  }
0xb8: {  	[dreg:$0x3] =	wrdreg s6  }
0xb9: {  	[dreg:$0x4] =	wrdreg $0xC0  }
0xba: {  	_ =	task [dreg:s22], $0x5FFFF  }
0xbb: {  	[dreg:$0x1] =	wrdreg $0xFFFFFFFF  }
0xbc: {  	[dreg:$0x0] =	wrdreg $0x60  }
0xbd: {  	[dreg:$0x2] =	wrdreg s18  }
0xbe: {  	[dreg:$0x3] =	wrdreg s24  }
0xbf: {  	[dreg:$0x4] =	wrdreg $0xD  }
0xc0: {  	_ =	task.clear_ibuf [dreg:s22], $0x5FFFF;
	_ =	strace $0x90000052  }
0xc1: {  	s29 =	simm.s32 $0xD;
	_ =	strace $0x80000054  }
0xc2: {  	_ =	swait.ge [sflag:s29], $0x1  }
0xc3: {  	[sflag:s29] =	ssyncadd.s32 $0xFFFFFFFF  }
0xc4: {  	_ =	strace $0x90000054  }
0xc5: {  	_ =	sfence  }
0xc6: {  	s30 =	sld [smem:$0x0];
	_ =	sdelay $0x2  }
0xc7: {  	s31 =	sshll.u32 s1, $0xD;
	s1 =	sshrl.u32 s1, $0x2  }
0xc8: {  	s4 =	sand.u32 $0x4000, s31;
	s1 =	sadd.s32 s1, s30  }
0xc9: {  	s0 =	sor.u32 s4, s0;
	s1 =	sshll.u32 s1, $0x11  }
0xca: {  	s0 =	sor.u32 s1, s0  }
0xcb: {  	s0 =	sadd.s32 $0x8F2B, s0  }
0xcc: {  	[sflag:s0] =	ssyncadd.remote.s32 $0x1  }
0xcd: {  	_ =	sfence.sel $0xFFFF  }
0xce: {  	[dreg:$0x0] =	wrdreg $0xFFFFFFFF;
	(pc) =	sbr.abs _section_cstart, $3  }
0xcf: {  	[dreg:$0x1] =	wrdreg $0xFFFFFFFF  }
0xd0: {  	_ =	task.clear_ibuf [dreg:s22], $0x2FFFF;
	_ =	strace $0x9FFFFFFF  }
0xd1: {  	(tm) =	ssettm $0x7FFFFFFF  }
tec
execute0_lowered:
.L_overlay_start_1:
0x0: {  	(tag) =	ssettag $0x1  }
0x1: {  	s0 =	srdreg.scid  }
0x2: {  	s1 =	stileid.u32;
	s2 =	rddreg [dreg:$0x0]  }
0x3: {  	s5 =	rddreg [dreg:$0x1];
	s3 =	simm.s32 $0x0;
	s10 =	simm.s32 $0x180  }
0x4: {  	s31 =	simm.s32 $0x1;
	s22 =	simm.s32 $0x9180;
	s23 =	simm.s32 $0x9980  }
0x5: {  	s24 =	simm.s32 $0xA980;
	s25 =	simm.s32 $0xB180;
	s29 =	simm.s32 $0xB980  }
0x6: {  	s30 =	simm.s32 $0xC180;
	s8 =	simm.s32 $0xD980;
	s9 =	simm.s32 $0xE180  }
0x7: {  	s11 =	simm.s32 $0xE980;
	s12 =	simm.s32 $0xF180;
	s13 =	simm.s32 $0xF980  }
0x8: {  	s14 =	simm.s32 $0x10180;
	s15 =	simm.s32 $0x10980;
	s16 =	simm.s32 $0x11180  }
0x9: {  	s17 =	simm.s32 $0x11980;
	s0 =	sand.u32 $0x1, s0;
	s1 =	sshll.u32 s1, $0x1  }
0xa: {  	s18 =	simm.s32 $0x12180;
	s19 =	simm.s32 $0x12980;
	s1 =	sor.u32 s0, s1  }
0xb: {  	s20 =	simm.s32 $0x13180;
	s0 =	ssub.s32 $0x2, s0;
	s4 =	smul.u32 $0x140, s1  }
0xc: {  	s21 =	simm.s32 $0x13980;
	[smem:$0x7FF] =	sst s3;
	s6 =	sshrl.u32 s0, $0x1  }
0xd: {  	s7 =	sadd.s32 $0x100, s2;
	s0 =	ssub.s32 s0, s6;
	s1 =	sshrl.u32 s4, $0x3  }
0xe: {  	v2 =	vlaneseq.u32;
	_ =	strace $0x80000053;
	s0 =	smax.u32 s0, $0x1;
	s1 =	sadd.s32 s1, s5  }
0xf: {  	vm0 =	vmmov $0xffff;
	v1 =	vshrl.u32 v2, $0x3;
	s6 =	simm.s32 $0x0;
	[dreg:$0x4] =	wrdreg s0;
	s1 =	sadd.s32 $0xA3600, s1  }
0x10: {  	v0 =	vand.u32 $0x7, v2;
	v2 =	vor.u32 $0x8, v2;
	v1 =	vmul.u32 $0x8, v1;
	s5 =	sadd.s32 $0x283C00, s5;
	[dreg:$0x3] =	wrdreg s1;
	s1 =	simm.s32 $0xA180  }
.LBB2_1:
0x11: {  	[dreg:$0x5] =	wrdreg s6  }
0x12: {  	s26 =	rddreg [dreg:$0x3];
	s28 =	simm.s32 $0x4  }
0x13: {  	[tilespmem:s3], [sflag:$0x4] =	stream.linear.gather [hbm4b:s26+s3], $0x140, $0x38;
	[tilespmem:$0x14180] =	vst v63  }
0x14: {  	_ =	swait.ge [sflag:s28], $0x140  }
0x15: {  	p1 =	por $0x1, $0x1;
	s0 =	simm.s32 $0xC980;
	[sflag:s28] =	ssyncset.done $0x0  }
0x16: {  	s6 =	simm.s32 $0xD180;
	s26 =	simm.s32 $0x0;
	[sflag:s28] =	ssyncadd.s32 $0xFFFFFEC0  }
.LBB2_2:
0x17: {  	s28 =	simm.s32 @!p1 $0x2  }
0x18: {  	_ =	swait.ge @!p1 [sflag:s28], $0xA000  }
0x19: {  	[sflag:s28] =	ssyncset.done @!p1 $0x0  }
0x1a: {  	[sflag:s28] =	ssyncadd.s32 @!p1 $0xFFFF6000  }
0x1b: {  	v3 =	vld [tilespmem:s26+$0x0];
	_ =	sdelay $0x4  }
0x1c: {  	v4 =	vshll.u32 v3, $0x2  }
0x1d: {  	v3 =	vand.u32 $0x7, v3;
	v4 =	vand.u32 $0xFFFFFFE0, v4  }
0x1e: {  	v3 =	vor.u32 v3, v4  }
0x1f: {  	v4 =	vperm.xlane v3, v0;
	_ =	sdelay $0x1  }
0x20: {  	v4 =	vadd.s32 v1, v4;
	_ =	sdelay $0x1  }
0x21: {  	v3 =	vperm.xlane v3, v2;
	_ =	sdelay $0x1  }
0x22: {  	v3 =	vadd.s32 v1, v3  }
0x23: {  	[tilespmem:s10], [sflag:$0x1] =	stream.indirect_vreg.gather [hbm4b:s2+s3], $0x80, v4, vm0, $0xb8;
	[tilespmem:$0x14180] =	vst v63  }
0x24: {  	s28 =	simm.s32 $0x980  }
0x25: {  	[tilespmem:s28], [sflag:$0x1] =	stream.indirect_vreg.gather [hbm4b:s7+s3], $0x80, v4, vm0, $0xb8;
	[tilespmem:$0x14180] =	vst v63  }
0x26: {  	s28 =	simm.s32 $0x1180  }
0x27: {  	[tilespmem:s28], [sflag:$0x1] =	stream.indirect_vreg.gather [hbm4b:s2+s3], $0x80, v3, vm0, $0xb8;
	[tilespmem:$0x14180] =	vst v63  }
0x28: {  	s28 =	simm.s32 $0x1980  }
0x29: {  	[tilespmem:s28], [sflag:$0x1] =	stream.indirect_vreg.gather [hbm4b:s7+s3], $0x80, v3, vm0, $0xb8;
	[tilespmem:$0x14180] =	vst v63  }
0x2a: {  	v3 =	vld [tilespmem:s26+$0x10];
	_ =	sdelay $0x4  }
0x2b: {  	v55 =	vshll.u32 v3, $0x2  }
0x2c: {  	v3 =	vand.u32 $0x7, v3;
	v4 =	vand.u32 $0xFFFFFFE0, v55  }
0x2d: {  	v3 =	vor.u32 v3, v4  }
0x2e: {  	v4 =	vperm.xlane v3, v0;
	_ =	sdelay $0x1  }
0x2f: {  	v4 =	vadd.s32 v1, v4;
	_ =	sdelay $0x1  }
0x30: {  	v3 =	vperm.xlane v3, v2;
	_ =	sdelay $0x1  }
0x31: {  	s28 =	simm.s32 $0x2180;
	v3 =	vadd.s32 v1, v3  }
0x32: {  	[tilespmem:s28], [sflag:$0x1] =	stream.indirect_vreg.gather [hbm4b:s2+s3], $0x80, v4, vm0, $0xb8;
	[tilespmem:$0x14180] =	vst v63  }
0x33: {  	s28 =	simm.s32 $0x2980  }
0x34: {  	[tilespmem:s28], [sflag:$0x1] =	stream.indirect_vreg.gather [hbm4b:s7+s3], $0x80, v4, vm0, $0xb8;
	[tilespmem:$0x14180] =	vst v63  }
0x35: {  	s28 =	simm.s32 $0x3180  }
0x36: {  	[tilespmem:s28], [sflag:$0x1] =	stream.indirect_vreg.gather [hbm4b:s2+s3], $0x80, v3, vm0, $0xb8;
	[tilespmem:$0x14180] =	vst v63  }
0x37: {  	s28 =	simm.s32 $0x3980  }
0x38: {  	[tilespmem:s28], [sflag:$0x1] =	stream.indirect_vreg.gather [hbm4b:s7+s3], $0x80, v3, vm0, $0xb8;
	[tilespmem:$0x14180] =	vst v63  }
0x39: {  	v3 =	vld [tilespmem:s26+$0x20];
	_ =	sdelay $0x4  }
0x3a: {  	v56 =	vshll.u32 v3, $0x2  }
0x3b: {  	v3 =	vand.u32 $0x7, v3;
	v4 =	vand.u32 $0xFFFFFFE0, v56  }
0x3c: {  	v3 =	vor.u32 v3, v4  }
0x3d: {  	v4 =	vperm.xlane v3, v0;
	_ =	sdelay $0x1  }
0x3e: {  	v4 =	vadd.s32 v1, v4;
	_ =	sdelay $0x1  }
0x3f: {  	v3 =	vperm.xlane v3, v2;
	_ =	sdelay $0x1  }
0x40: {  	s28 =	simm.s32 $0x4180;
	v3 =	vadd.s32 v1, v3  }
0x41: {  	[tilespmem:s28], [sflag:$0x1] =	stream.indirect_vreg.gather [hbm4b:s2+s3], $0x80, v4, vm0, $0xb8;
	[tilespmem:$0x14180] =	vst v63  }
0x42: {  	s28 =	simm.s32 $0x4980  }
0x43: {  	[tilespmem:s28], [sflag:$0x1] =	stream.indirect_vreg.gather [hbm4b:s7+s3], $0x80, v4, vm0, $0xb8;
	[tilespmem:$0x14180] =	vst v63  }
0x44: {  	s28 =	simm.s32 $0x5180  }
0x45: {  	[tilespmem:s28], [sflag:$0x1] =	stream.indirect_vreg.gather [hbm4b:s2+s3], $0x80, v3, vm0, $0xb8;
	[tilespmem:$0x14180] =	vst v63  }
0x46: {  	s28 =	simm.s32 $0x5980  }
0x47: {  	[tilespmem:s28], [sflag:$0x1] =	stream.indirect_vreg.gather [hbm4b:s7+s3], $0x80, v3, vm0, $0xb8;
	[tilespmem:$0x14180] =	vst v63  }
0x48: {  	v3 =	vld [tilespmem:s26+$0x30];
	_ =	sdelay $0x4  }
0x49: {  	v57 =	vshll.u32 v3, $0x2  }
0x4a: {  	v3 =	vand.u32 $0x7, v3;
	v4 =	vand.u32 $0xFFFFFFE0, v57  }
0x4b: {  	v3 =	vor.u32 v3, v4  }
0x4c: {  	v4 =	vperm.xlane v3, v0;
	_ =	sdelay $0x1  }
0x4d: {  	v4 =	vadd.s32 v1, v4;
	_ =	sdelay $0x1  }
0x4e: {  	v3 =	vperm.xlane v3, v2;
	_ =	sdelay $0x1  }
0x4f: {  	s28 =	simm.s32 $0x6180;
	v3 =	vadd.s32 v1, v3  }
0x50: {  	[tilespmem:s28], [sflag:$0x1] =	stream.indirect_vreg.gather [hbm4b:s2+s3], $0x80, v4, vm0, $0xb8;
	[tilespmem:$0x14180] =	vst v63  }
0x51: {  	s28 =	simm.s32 $0x6980  }
0x52: {  	[tilespmem:s28], [sflag:$0x1] =	stream.indirect_vreg.gather [hbm4b:s7+s3], $0x80, v4, vm0, $0xb8;
	[tilespmem:$0x14180] =	vst v63  }
0x53: {  	s28 =	simm.s32 $0x7180  }
0x54: {  	[tilespmem:s28], [sflag:$0x1] =	stream.indirect_vreg.gather [hbm4b:s2+s3], $0x80, v3, vm0, $0xb8;
	[tilespmem:$0x14180] =	vst v63  }
0x55: {  	s28 =	simm.s32 $0x7980  }
0x56: {  	[tilespmem:s28], [sflag:$0x1] =	stream.indirect_vreg.gather [hbm4b:s7+s3], $0x80, v3, vm0, $0xb8;
	[tilespmem:$0x14180] =	vst v63  }
0x57: {  	v3 =	vld [tilespmem:s26+$0x40];
	_ =	sdelay $0x4  }
0x58: {  	v58 =	vshll.u32 v3, $0x2  }
0x59: {  	v3 =	vand.u32 $0x7, v3;
	v4 =	vand.u32 $0xFFFFFFE0, v58  }
0x5a: {  	v3 =	vor.u32 v3, v4  }
0x5b: {  	v4 =	vperm.xlane v3, v0;
	_ =	sdelay $0x1  }
0x5c: {  	v4 =	vadd.s32 v1, v4;
	_ =	sdelay $0x1  }
0x5d: {  	v3 =	vperm.xlane v3, v2;
	_ =	sdelay $0x1  }
0x5e: {  	s28 =	simm.s32 $0x8180;
	v3 =	vadd.s32 v1, v3  }
0x5f: {  	[tilespmem:s28], [sflag:$0x1] =	stream.indirect_vreg.gather [hbm4b:s2+s3], $0x80, v4, vm0, $0xb8;
	[tilespmem:$0x14180] =	vst v63  }
0x60: {  	s28 =	simm.s32 $0x8980  }
0x61: {  	[tilespmem:s28], [sflag:$0x1] =	stream.indirect_vreg.gather [hbm4b:s7+s3], $0x80, v4, vm0, $0xb8;
	[tilespmem:$0x14180] =	vst v63  }
0x62: {  	_ = 	snop  }
0x63: {  	[tilespmem:s22], [sflag:$0x1] =	stream.indirect_vreg.gather [hbm4b:s2+s3], $0x80, v3, vm0, $0xb8;
	[tilespmem:$0x14180] =	vst v63  }
0x64: {  	_ = 	snop  }
0x65: {  	[tilespmem:s23], [sflag:$0x1] =	stream.indirect_vreg.gather [hbm4b:s7+s3], $0x80, v3, vm0, $0xb8;
	[tilespmem:$0x14180] =	vst v63  }
0x66: {  	s28 =	sadd.s32 s4, s26;
	_ =	swait.ge [sflag:s31], $0xA000  }
0x67: {  	s28 =	sshll.u32 s28, $0x6;
	[sflag:s31] =	ssyncset.done $0x0  }
0x68: {  	s28 =	sadd.s32 s5, s28;
	[sflag:s31] =	ssyncadd.s32 $0xFFFF6000  }
0x69: {  	[hbm4b:s28+s3] =	stream.linear.scatter [tilespmem:s10], [sflag:$0x2], $0xA000, $0x38;
	[tilespmem:$0x14180] =	vst v63  }
0x6a: {  	s28 =	simm.s32 @!p1 $0x3  }
0x6b: {  	_ =	swait.ge @!p1 [sflag:s28], $0xA000  }
0x6c: {  	[sflag:s28] =	ssyncset.done @!p1 $0x0  }
0x6d: {  	[sflag:s28] =	ssyncadd.s32 @!p1 $0xFFFF6000;
	s28 =	sor.u32 $0x50, s26  }
0x6e: {  	v3 =	vld [tilespmem:s28+$0x0];
	_ =	sdelay $0x4  }
0x6f: {  	v59 =	vshll.u32 v3, $0x2  }
0x70: {  	v3 =	vand.u32 $0x7, v3;
	v4 =	vand.u32 $0xFFFFFFE0, v59  }
0x71: {  	v3 =	vor.u32 v3, v4  }
0x72: {  	v4 =	vperm.xlane v3, v0;
	_ =	sdelay $0x1  }
0x73: {  	v4 =	vadd.s32 v1, v4;
	_ =	sdelay $0x1  }
0x74: {  	v3 =	vperm.xlane v3, v2;
	_ =	sdelay $0x1  }
0x75: {  	v3 =	vadd.s32 v1, v3  }
0x76: {  	[tilespmem:s1], [sflag:$0x1] =	stream.indirect_vreg.gather [hbm4b:s2+s3], $0x80, v4, vm0, $0xb8;
	[tilespmem:$0x14180] =	vst v63  }
0x77: {  	_ = 	snop  }
0x78: {  	[tilespmem:s24], [sflag:$0x1] =	stream.indirect_vreg.gather [hbm4b:s7+s3], $0x80, v4, vm0, $0xb8;
	[tilespmem:$0x14180] =	vst v63  }
0x79: {  	_ = 	snop  }
0x7a: {  	[tilespmem:s25], [sflag:$0x1] =	stream.indirect_vreg.gather [hbm4b:s2+s3], $0x80, v3, vm0, $0xb8;
	[tilespmem:$0x14180] =	vst v63  }
0x7b: {  	_ = 	snop  }
0x7c: {  	[tilespmem:s29], [sflag:$0x1] =	stream.indirect_vreg.gather [hbm4b:s7+s3], $0x80, v3, vm0, $0xb8;
	[tilespmem:$0x14180] =	vst v63  }
0x7d: {  	v3 =	vld [tilespmem:s26+$0x60];
	_ =	sdelay $0x4  }
0x7e: {  	v60 =	vshll.u32 v3, $0x2  }
0x7f: {  	v3 =	vand.u32 $0x7, v3;
	v4 =	vand.u32 $0xFFFFFFE0, v60  }
0x80: {  	v3 =	vor.u32 v3, v4  }
0x81: {  	v4 =	vperm.xlane v3, v0;
	_ =	sdelay $0x1  }
0x82: {  	v4 =	vadd.s32 v1, v4;
	_ =	sdelay $0x1  }
0x83: {  	v3 =	vperm.xlane v3, v2;
	_ =	sdelay $0x1  }
0x84: {  	v3 =	vadd.s32 v1, v3  }
0x85: {  	[tilespmem:s30], [sflag:$0x1] =	stream.indirect_vreg.gather [hbm4b:s2+s3], $0x80, v4, vm0, $0xb8;
	[tilespmem:$0x14180] =	vst v63  }
0x86: {  	_ = 	snop  }
0x87: {  	[tilespmem:s0], [sflag:$0x1] =	stream.indirect_vreg.gather [hbm4b:s7+s3], $0x80, v4, vm0, $0xb8;
	[tilespmem:$0x14180] =	vst v63  }
0x88: {  	_ = 	snop  }
0x89: {  	[tilespmem:s6], [sflag:$0x1] =	stream.indirect_vreg.gather [hbm4b:s2+s3], $0x80, v3, vm0, $0xb8;
	[tilespmem:$0x14180] =	vst v63  }
0x8a: {  	_ = 	snop  }
0x8b: {  	[tilespmem:s8], [sflag:$0x1] =	stream.indirect_vreg.gather [hbm4b:s7+s3], $0x80, v3, vm0, $0xb8;
	[tilespmem:$0x14180] =	vst v63  }
0x8c: {  	v3 =	vld [tilespmem:s26+$0x70];
	_ =	sdelay $0x4  }
0x8d: {  	v61 =	vshll.u32 v3, $0x2  }
0x8e: {  	v3 =	vand.u32 $0x7, v3;
	v4 =	vand.u32 $0xFFFFFFE0, v61  }
0x8f: {  	v3 =	vor.u32 v3, v4  }
0x90: {  	v4 =	vperm.xlane v3, v0;
	_ =	sdelay $0x1  }
0x91: {  	v4 =	vadd.s32 v1, v4;
	_ =	sdelay $0x1  }
0x92: {  	v3 =	vperm.xlane v3, v2;
	_ =	sdelay $0x1  }
0x93: {  	v3 =	vadd.s32 v1, v3  }
0x94: {  	[tilespmem:s9], [sflag:$0x1] =	stream.indirect_vreg.gather [hbm4b:s2+s3], $0x80, v4, vm0, $0xb8;
	[tilespmem:$0x14180] =	vst v63  }
0x95: {  	_ = 	snop  }
0x96: {  	[tilespmem:s11], [sflag:$0x1] =	stream.indirect_vreg.gather [hbm4b:s7+s3], $0x80, v4, vm0, $0xb8;
	[tilespmem:$0x14180] =	vst v63  }
0x97: {  	_ = 	snop  }
0x98: {  	[tilespmem:s12], [sflag:$0x1] =	stream.indirect_vreg.gather [hbm4b:s2+s3], $0x80, v3, vm0, $0xb8;
	[tilespmem:$0x14180] =	vst v63  }
0x99: {  	_ = 	snop  }
0x9a: {  	[tilespmem:s13], [sflag:$0x1] =	stream.indirect_vreg.gather [hbm4b:s7+s3], $0x80, v3, vm0, $0xb8;
	[tilespmem:$0x14180] =	vst v63  }
0x9b: {  	v3 =	vld [tilespmem:s26+$0x80];
	_ =	sdelay $0x4  }
0x9c: {  	v62 =	vshll.u32 v3, $0x2  }
0x9d: {  	v3 =	vand.u32 $0x7, v3;
	v4 =	vand.u32 $0xFFFFFFE0, v62  }
0x9e: {  	v3 =	vor.u32 v3, v4  }
0x9f: {  	v4 =	vperm.xlane v3, v0;
	_ =	sdelay $0x1  }
0xa0: {  	v4 =	vadd.s32 v1, v4;
	_ =	sdelay $0x1  }
0xa1: {  	v3 =	vperm.xlane v3, v2;
	_ =	sdelay $0x1  }
0xa2: {  	v3 =	vadd.s32 v1, v3  }
0xa3: {  	[tilespmem:s14], [sflag:$0x1] =	stream.indirect_vreg.gather [hbm4b:s2+s3], $0x80, v4, vm0, $0xb8;
	[tilespmem:$0x14180] =	vst v63  }
0xa4: {  	_ = 	snop  }
0xa5: {  	[tilespmem:s15], [sflag:$0x1] =	stream.indirect_vreg.gather [hbm4b:s7+s3], $0x80, v4, vm0, $0xb8;
	[tilespmem:$0x14180] =	vst v63  }
0xa6: {  	_ = 	snop  }
0xa7: {  	[tilespmem:s16], [sflag:$0x1] =	stream.indirect_vreg.gather [hbm4b:s2+s3], $0x80, v3, vm0, $0xb8;
	[tilespmem:$0x14180] =	vst v63  }
0xa8: {  	_ = 	snop  }
0xa9: {  	[tilespmem:s17], [sflag:$0x1] =	stream.indirect_vreg.gather [hbm4b:s7+s3], $0x80, v3, vm0, $0xb8;
	[tilespmem:$0x14180] =	vst v63  }
0xaa: {  	v3 =	vld [tilespmem:s26+$0x90];
	_ =	sdelay $0x4  }
0xab: {  	v63 =	vshll.u32 v3, $0x2  }
0xac: {  	v3 =	vand.u32 $0x7, v3;
	v4 =	vand.u32 $0xFFFFFFE0, v63  }
0xad: {  	v3 =	vor.u32 v3, v4  }
0xae: {  	v4 =	vperm.xlane v3, v0;
	_ =	sdelay $0x1  }
0xaf: {  	v4 =	vadd.s32 v1, v4;
	_ =	sdelay $0x1  }
0xb0: {  	v3 =	vperm.xlane v3, v2;
	_ =	sdelay $0x1  }
0xb1: {  	v3 =	vadd.s32 v1, v3  }
0xb2: {  	[tilespmem:s18], [sflag:$0x1] =	stream.indirect_vreg.gather [hbm4b:s2+s3], $0x80, v4, vm0, $0xb8;
	[tilespmem:$0x14180] =	vst v63  }
0xb3: {  	_ = 	snop  }
0xb4: {  	[tilespmem:s19], [sflag:$0x1] =	stream.indirect_vreg.gather [hbm4b:s7+s3], $0x80, v4, vm0, $0xb8;
	[tilespmem:$0x14180] =	vst v63  }
0xb5: {  	_ = 	snop  }
0xb6: {  	[tilespmem:s20], [sflag:$0x1] =	stream.indirect_vreg.gather [hbm4b:s2+s3], $0x80, v3, vm0, $0xb8;
	[tilespmem:$0x14180] =	vst v63  }
0xb7: {  	p0 =	por p1, p1  }
0xb8: {  	[tilespmem:s21], [sflag:$0x1] =	stream.indirect_vreg.gather [hbm4b:s7+s3], $0x80, v3, vm0, $0xb8;
	[tilespmem:$0x14180] =	vst v63  }
.Ltmp0:
0xb9: {  	s28 =	sadd.s32 s4, s28;
	_ =	swait.ge [sflag:s31], $0xA000;
	(pc) =	sbr.rel @p0 .LBB2_2-.Ltmp0, $4  }
0xba: {  	s26 =	sshll.u32 s28, $0x6;
	[sflag:s31] =	ssyncset.done $0x0  }
0xbb: {  	s26 =	sadd.s32 s5, s26;
	[sflag:s31] =	ssyncadd.s32 $0xFFFF6000  }
0xbc: {  	[hbm4b:s26+s3] =	stream.linear.scatter [tilespmem:s1], [sflag:$0x3], $0xA000, $0x38;
	[tilespmem:$0x14180] =	vst v63  }
0xbd: {  	p1 =	por $0x0, $0x0;
	s26 =	simm.s32 $0xA0  }
0xbe: {  	s0 =	simm.s32 $0x2  }
0xbf: {  	_ =	swait.ge [sflag:s0], $0xA000  }
0xc0: {  	[sflag:s0] =	ssyncset.done $0x0  }
0xc1: {  	s28 =	simm.s32 $0x3;
	[sflag:s0] =	ssyncadd.s32 $0xFFFF6000  }
0xc2: {  	_ =	swait.ge [sflag:s28], $0xA000  }
0xc3: {  	s6 =	rddreg [dreg:$0x5]  }
0xc4: {  	s26 =	rddreg [dreg:$0x4];
	s6 =	sadd.s32 $0x1, s6  }
0xc5: {  	p0 =	sne.s32 s6, s26  }
.Ltmp1:
0xc6: {  	_ = 	snop;
	(pc) =	sbr.rel @p0 .LBB2_1-.Ltmp1, $3  }
0xc7: {  	_ =	sdelay $0x1  }
0xc8: {  	[sflag:s28] =	ssyncset.done $0x0  }
0xc9: {  	[sflag:s28] =	ssyncadd.s32 $0xFFFF6000  }
0xca: {  	_ =	sfence.sel $0x180000  }
0xcb: {  	[bflag:$0x0] =	sbarrier.arrive $0xFFFF  }
0xcc: {  	_ =	strace $0x90000053  }
0xcd: {  	s0 =	stileid.u32;
	[bflag:$0x2] =	sbarrier.arrive $0xFFFF  }
0xce: {  	p0 =	sne.s32 s0, $0x0;
	s0 =	rddreg [dreg:$0x2]  }
0xcf: {  	s0 =	sadd.s32 @!p0 $0x100000, s0  }
0xd0: {  	[sflag:s0] =	ssyncadd.tile.s32 @!p0 $0x1;
	_ =	shalt  }
.Lfunc_end2:
_tile_overlayer_lowered:
.L_overlay_start_2:
0xd1: {  	(tag) =	ssettag $0x2  }
0xd2: {  	s0 =	rddreg [dreg:$0x0];
	s2 =	stileid.u32  }
0xd3: {  	s1 =	rddreg [dreg:$0x1];
	p0 =	sne.s32 s2, $0x0  }
0xd4: {  	s3 =	rddreg [dreg:$0x2];
	[bflag:$0x3] =	sbarrier.arrive $0xFFFF;
	s2 =	simm.s32 @!p0 $0x1C04  }
0xd5: {  	[timem:s3], [sflag:s2] =	dma.local @!p0 [hbm:s0], s1  }
0xd6: {  	s0 =	simm.s32 @!p0 $0x4  }
0xd7: {  	_ =	swait.ge @!p0 [sflag:s0], s1  }
0xd8: {  	s1 =	ssub.s32 @!p0 $0x0, s1;
	[sflag:s0] =	ssyncset.done @!p0 $0x0  }
0xd9: {  	[sflag:s0] =	ssyncadd.s32 @!p0 s1  }
0xda: {  	[bflag:$0x3] =	sbarrier.arrive $0xFFFF  }
0xdb: {  	_ =	shalt  }

</sc_bundles>
